<compile_context>
chip_gen: v7x
topology: tpu7x:2x2x1
jax: 0.10.2.dev20260603
libtpu: 0.0.44.dev20260713+nightly
codegen_flags: <defaults>
</compile_context>

<pallas_src>
import functools
import numpy as np
import jax
import jax.numpy as jnp
from jax import lax
from jax.experimental import pallas as pl
from jax.experimental.pallas import tpu as pltpu, tpu_sc as plsc

_SZ = 4096
_RT = 3328
_NSC = _SZ - _RT
_NW = 32
_RPW = _NSC // _NW

_K0 = np.uint32(0x375F238F)
_K1 = np.uint32(0xCDDB151D)
_K2 = np.uint32(int(_K0) ^ int(_K1) ^ 0x1BD11BDA)
_ROT = ((13, 15, 26, 6), (17, 29, 16, 24))
_KEYS = tuple(
    (ka, np.uint32((int(kb) + i + 1) & 0xFFFFFFFF))
    for i, (ka, kb) in enumerate(
        ((_K1, _K2), (_K2, _K0), (_K0, _K1), (_K1, _K2), (_K2, _K0))
    )
)


def _bits(x1):
    x0 = jnp.full_like(x1, _K0)
    x1 = x1 + _K1
    for i, (ka, kb_inc) in enumerate(_KEYS):
        for r in _ROT[i % 2]:
            x0 = x0 + x1
            x1 = (x1 << r) | (x1 >> (32 - r))
            x1 = x0 ^ x1
        x0 = x0 + ka
        x1 = x1 + kb_inc
    return x0 ^ x1


def _w(bits):
    f = jax.lax.bitcast_convert_type(
        (bits >> 9) | np.uint32(0x3F800000), jnp.float32) - 1.0
    return -jnp.log(f)


def _gumbel_kernel(x_ref, o_ref):
    i = pl.program_id(0)
    br = x_ref.shape[0]
    c = x_ref.shape[2]
    l0 = x_ref[:, 0, :]
    l1 = x_ref[:, 1, :]
    row = jax.lax.broadcasted_iota(jnp.uint32, (br, c), 0)
    col = jax.lax.broadcasted_iota(jnp.uint32, (br, c), 1)
    base = (row + (i * br).astype(jnp.uint32)) * np.uint32(2 * c) + col * np.uint32(2)
    w0 = _w(_bits(base))
    w1 = _w(_bits(base + np.uint32(1)))
    t = jnp.exp(l0 - l1)
    o_ref[...] = jnp.where(w0 <= w1 * t, jnp.float32(1.0), jnp.float32(0.0))


_LN2 = np.float32(0.6931471805599453)
_SQRT2 = np.float32(1.4142135623730951)


def _w_sc(bits):
    f = lax.bitcast_convert_type(
        (bits >> 9) | np.uint32(0x3F800000), jnp.float32) - np.float32(1.0)
    f = jnp.maximum(f, np.float32(1e-20))
    bf = lax.bitcast_convert_type(f, jnp.uint32)
    e = ((bf >> 23) & np.uint32(0xFF)).astype(jnp.int32) - 127
    m = lax.bitcast_convert_type(
        (bf & np.uint32(0x007FFFFF)) | np.uint32(0x3F800000), jnp.float32)
    big = m > _SQRT2
    m = jnp.where(big, m * np.float32(0.5), m)
    e = (e + jnp.where(big, 1, 0)).astype(jnp.float32)
    z = (m - np.float32(1.0)) / (m + np.float32(1.0))
    s = z * z
    ln_m = z * (np.float32(2.0) + s * (np.float32(2.0 / 3.0) + s * (
        np.float32(2.0 / 5.0) + s * np.float32(2.0 / 7.0))))
    return -(e * _LN2 + ln_m)


def _sc_body(x_hbm, o_hbm, xin0, xin1, xout):
    wid = lax.axis_index("s") * 2 + lax.axis_index("c")
    iota = lax.broadcasted_iota(jnp.uint32, (16,), 0)

    def row_loop(k, carry):
        rg = _RT + wid * _RPW + k
        pltpu.sync_copy(x_hbm.at[rg, 0], xin0)
        pltpu.sync_copy(x_hbm.at[rg, 1], xin1)

        def chunk(q, carry2):
            cb = q * 64
            row_base = jnp.uint32(rg) * np.uint32(8192)
            for j in range(4):
                off = cb + j * 16
                l0j = xin0[pl.ds(off, 16)]
                l1j = xin1[pl.ds(off, 16)]
                cnt = np.uint32(2) * (jnp.uint32(off) + iota) + row_base
                w0 = _w_sc(_bits(cnt))
                w1 = _w_sc(_bits(cnt + np.uint32(1)))
                res = jnp.where(w0 <= w1 * jnp.exp(l0j - l1j),
                                np.float32(1.0), np.float32(0.0))
                xout[pl.ds(off, 16)] = res
            return carry2

        lax.fori_loop(0, 64, chunk, 0)
        orow = wid * _RPW + k
        pltpu.sync_copy(xout, o_hbm.at[pl.ds(orow * 4096, 4096)])
        return carry

    lax.fori_loop(0, _RPW, row_loop, 0)


def _sc_call(t):
    mesh = plsc.VectorSubcoreMesh(core_axis_name="c", subcore_axis_name="s")
    k = functools.partial(
        pl.kernel, mesh=mesh,
        out_type=jax.ShapeDtypeStruct((_NSC * _SZ,), jnp.float32),
        scratch_types=[
            pltpu.VMEM((_SZ,), jnp.float32),
            pltpu.VMEM((_SZ,), jnp.float32),
            pltpu.VMEM((_SZ,), jnp.float32),
        ],
    )(_sc_body)
    return k(t)


def kernel(gen_matrix):
    t = jnp.transpose(gen_matrix, (0, 2, 1))
    sc_flat = _sc_call(t)
    br = 128
    tc = pl.pallas_call(
        _gumbel_kernel,
        grid=(_RT // br,),
        in_specs=[
            pl.BlockSpec((br, 2, _SZ), lambda i: (i, 0, 0)),
        ],
        out_specs=pl.BlockSpec((br, _SZ), lambda i: (i, 0)),
        out_shape=jax.ShapeDtypeStruct((_SZ, _SZ), jnp.float32),
    )(t)
    return lax.dynamic_update_slice(tc, sc_flat.reshape(_NSC, _SZ), (_RT, 0))

# --- scband reference (transcript-rebuilt; emitter-appended) ---
"""Pipeline reference for scband-gumbel-generator-35983236006292 (READ-ONLY COPY).

The authoritative reference and input builder live on the scoring server;
editing this copy changes nothing except your own understanding.
"""

import jax, jax.numpy as jnp
import numpy as np

SZ = 4096
TAU = 1.0

def setup_inputs(seed: int = 0) -> dict:
    key = jax.random.key(seed)
    # learned parameter: gen_matrix = Parameter(torch.rand(sz, sz, 2))
    gen_matrix = jax.random.uniform(key, (SZ, SZ, 2), dtype=jnp.float32)
    return {"gen_matrix": gen_matrix}

def reference(gen_matrix):
    # Faithful vectorization of sample_all(hard=True):
    # for each column i, adj[:, i] = gumbel_softmax(gen_matrix[:, i] + 1e-8, tau, hard=True)[:, 0]
    # Since gumbel_softmax acts independently per (row, col) pair over the size-2 last axis,
    # we apply it to the whole [sz, sz, 2] tensor at once.
    logits = gen_matrix + 1e-08
    gkey = jax.random.fold_in(jax.random.key(0), 1)
    u = jax.random.uniform(gkey, logits.shape, dtype=logits.dtype, minval=1e-20, maxval=1.0)
    gumbels = -jnp.log(-jnp.log(u))
    y = (logits + gumbels) / TAU
    y_soft = jax.nn.softmax(y, axis=-1)
    # hard=True: straight-through one-hot of argmax
    idx = jnp.argmax(y_soft, axis=-1)
    y_hard = jax.nn.one_hot(idx, 2, dtype=y_soft.dtype)
    out = y_soft + jax.lax.stop_gradient(y_hard - y_soft)
    adj = out[:, :, 0]
    return adj

if __name__ == "__main__":
    import jax
    _d = setup_inputs()
    print(jax.jit(kernel)(*tuple(_d.values())))

</pallas_src>

<mosaic_0001>
#map = affine_map<(d0, d1) -> (0, 0, 0)>
#map1 = affine_map<(d0, d1) -> (0)>
module attributes {stable_mosaic.version = 14 : i64} {
  func.func @_sc_body(%arg0: i32, %arg1: i32, %arg2: memref<4096x2x4096xf32, #tpu.memory_space<hbm>>, %arg3: memref<3145728xf32, #tpu.memory_space<hbm>>, %arg4: memref<4096xf32, #tpu.memory_space<vmem>>, %arg5: memref<4096xf32, #tpu.memory_space<vmem>>, %arg6: memref<4096xf32, #tpu.memory_space<vmem>>) attributes {dimension_semantics = [#tpu.dimension_semantics<core_parallel>, #tpu.dimension_semantics<subcore_parallel>], iteration_bounds = array<i64: 2, 16>, scalar_prefetch = 0 : i64, scratch_operands = 3 : i64, tpu.core_type = #tpu.core_type<sc_vector_subcore>, window_params = [{transform_indices = #map}, {transform_indices = #map1}]} {
    %mul3A = arith.constant 2 : i32
    %mul3A_0 = arith.muli %arg1, %mul3A : i32
    %add3A = arith.addi %mul3A_0, %arg0 : i32
    %iota3A = tpu.iota {dimensions = array<i32: 0>} : vector<16xi32>
    %scan3A = arith.constant 0 : i32
    %scan3A_1 = arith.constant 0 : i32
    %scan3A_2 = arith.constant 24 : i32
    %scan3A_3 = arith.addi %scan3A_1, %scan3A_2 : i32
    %scan3A_4 = arith.constant 1 : i32
    scf.for %scan3A_6 = %scan3A_1 to %scan3A_3 step %scan3A_4  : i32 {
      %mul3A_7 = arith.constant 24 : i32
      %mul3A_8 = arith.muli %add3A, %mul3A_7 : i32
      %add3A_9 = arith.constant 3328 : i32
      %add3A_10 = arith.addi %add3A_9, %mul3A_8 : i32
      %add3A_11 = arith.addi %add3A_10, %scan3A_6 : i32
      %run_scoped3A = arith.constant 0 : i32
      "tpu.region"() ({
        %run_scoped3A_24 = tpu.sem_alloc : memref<!tpu.dma_semaphore, #tpu.memory_space<semaphore_mem>>
        %dma_start3A = arith.constant 0 : i32
        %dma_start3A_25 = tpu.memref_slice %arg2[%add3A_11, %run_scoped3A, %dma_start3A] : memref<4096x2x4096xf32, #tpu.memory_space<hbm>> -> memref<1x1x4096xf32, #tpu.memory_space<hbm>>
        %dma_start3A_26 = tpu.memref_squeeze %dma_start3A_25 : memref<1x1x4096xf32, #tpu.memory_space<hbm>> -> memref<4096xf32, #tpu.memory_space<hbm>>
        %dma_start3A_27 = arith.constant 0 : i32
        %dma_start3A_28 = tpu.memref_slice %arg2[%add3A_11, %run_scoped3A, %dma_start3A_27] : memref<4096x2x4096xf32, #tpu.memory_space<hbm>> -> memref<1x1x4096xf32, #tpu.memory_space<hbm>>
        %dma_start3A_29 = tpu.memref_squeeze %dma_start3A_28 : memref<1x1x4096xf32, #tpu.memory_space<hbm>> -> memref<4096xf32, #tpu.memory_space<hbm>>
        tpu.enqueue_dma source(%dma_start3A_29 : memref<4096xf32, #tpu.memory_space<hbm>>) target(%arg4 : memref<4096xf32, #tpu.memory_space<vmem>>) target_semaphore(%run_scoped3A_24 : memref<!tpu.dma_semaphore, #tpu.memory_space<semaphore_mem>>)
        %dma_wait3A = arith.constant 0 : i32
        %dma_wait3A_30 = tpu.memref_slice %arg2[%add3A_11, %run_scoped3A, %dma_wait3A] : memref<4096x2x4096xf32, #tpu.memory_space<hbm>> -> memref<1x1x4096xf32, #tpu.memory_space<hbm>>
        %dma_wait3A_31 = tpu.memref_squeeze %dma_wait3A_30 : memref<1x1x4096xf32, #tpu.memory_space<hbm>> -> memref<4096xf32, #tpu.memory_space<hbm>>
        %dma_wait3A_32 = arith.constant 0 : i32
        %dma_wait3A_33 = tpu.memref_slice %arg2[%add3A_11, %run_scoped3A, %dma_wait3A_32] : memref<4096x2x4096xf32, #tpu.memory_space<hbm>> -> memref<1x1x4096xf32, #tpu.memory_space<hbm>>
        %dma_wait3A_34 = tpu.memref_squeeze %dma_wait3A_33 : memref<1x1x4096xf32, #tpu.memory_space<hbm>> -> memref<4096xf32, #tpu.memory_space<hbm>>
        tpu.wait_dma2 semaphore(%run_scoped3A_24 : memref<!tpu.dma_semaphore, #tpu.memory_space<semaphore_mem>>) src(%dma_wait3A_34 : memref<4096xf32, #tpu.memory_space<hbm>>) dst(%arg4 : memref<4096xf32, #tpu.memory_space<vmem>>)
        tpu.yield
      }) : () -> ()
      %run_scoped3A_12 = arith.constant 1 : i32
      "tpu.region"() ({
        %run_scoped3A_24 = tpu.sem_alloc : memref<!tpu.dma_semaphore, #tpu.memory_space<semaphore_mem>>
        %dma_start3A = arith.constant 0 : i32
        %dma_start3A_25 = tpu.memref_slice %arg2[%add3A_11, %run_scoped3A_12, %dma_start3A] : memref<4096x2x4096xf32, #tpu.memory_space<hbm>> -> memref<1x1x4096xf32, #tpu.memory_space<hbm>>
        %dma_start3A_26 = tpu.memref_squeeze %dma_start3A_25 : memref<1x1x4096xf32, #tpu.memory_space<hbm>> -> memref<4096xf32, #tpu.memory_space<hbm>>
        %dma_start3A_27 = arith.constant 0 : i32
        %dma_start3A_28 = tpu.memref_slice %arg2[%add3A_11, %run_scoped3A_12, %dma_start3A_27] : memref<4096x2x4096xf32, #tpu.memory_space<hbm>> -> memref<1x1x4096xf32, #tpu.memory_space<hbm>>
        %dma_start3A_29 = tpu.memref_squeeze %dma_start3A_28 : memref<1x1x4096xf32, #tpu.memory_space<hbm>> -> memref<4096xf32, #tpu.memory_space<hbm>>
        tpu.enqueue_dma source(%dma_start3A_29 : memref<4096xf32, #tpu.memory_space<hbm>>) target(%arg5 : memref<4096xf32, #tpu.memory_space<vmem>>) target_semaphore(%run_scoped3A_24 : memref<!tpu.dma_semaphore, #tpu.memory_space<semaphore_mem>>)
        %dma_wait3A = arith.constant 0 : i32
        %dma_wait3A_30 = tpu.memref_slice %arg2[%add3A_11, %run_scoped3A_12, %dma_wait3A] : memref<4096x2x4096xf32, #tpu.memory_space<hbm>> -> memref<1x1x4096xf32, #tpu.memory_space<hbm>>
        %dma_wait3A_31 = tpu.memref_squeeze %dma_wait3A_30 : memref<1x1x4096xf32, #tpu.memory_space<hbm>> -> memref<4096xf32, #tpu.memory_space<hbm>>
        %dma_wait3A_32 = arith.constant 0 : i32
        %dma_wait3A_33 = tpu.memref_slice %arg2[%add3A_11, %run_scoped3A_12, %dma_wait3A_32] : memref<4096x2x4096xf32, #tpu.memory_space<hbm>> -> memref<1x1x4096xf32, #tpu.memory_space<hbm>>
        %dma_wait3A_34 = tpu.memref_squeeze %dma_wait3A_33 : memref<1x1x4096xf32, #tpu.memory_space<hbm>> -> memref<4096xf32, #tpu.memory_space<hbm>>
        tpu.wait_dma2 semaphore(%run_scoped3A_24 : memref<!tpu.dma_semaphore, #tpu.memory_space<semaphore_mem>>) src(%dma_wait3A_34 : memref<4096xf32, #tpu.memory_space<hbm>>) dst(%arg5 : memref<4096xf32, #tpu.memory_space<vmem>>)
        tpu.yield
      }) : () -> ()
      %scan3A_13 = arith.constant 0 : i32
      %scan3A_14 = arith.constant 0 : i32
      %scan3A_15 = arith.constant 64 : i32
      %scan3A_16 = arith.addi %scan3A_14, %scan3A_15 : i32
      %scan3A_17 = arith.constant 1 : i32
      scf.for %scan3A_24 = %scan3A_14 to %scan3A_16 step %scan3A_17  : i32 {
        %mul3A_25 = arith.constant 64 : i32
        %mul3A_26 = arith.muli %scan3A_24, %mul3A_25 : i32
        %mul3A_27 = arith.constant 8192 : i32
        %mul3A_28 = arith.muli %add3A_11, %mul3A_27 : i32
        %add3A_29 = arith.constant 0 : i32
        %add3A_30 = arith.addi %mul3A_26, %add3A_29 : i32
        %get3A = arith.index_cast %add3A_30 : i32 to index
        %get3A_31 = tpu.vector_load %arg4[%get3A] {strides = array<i32>} : memref<4096xf32, #tpu.memory_space<vmem>>, vector<16xf32>,
        %get3A_32 = vector.shape_cast %get3A_31 : vector<16xf32> to vector<16xf32>
        %get3A_33 = arith.index_cast %add3A_30 : i32 to index
        %get3A_34 = tpu.vector_load %arg5[%get3A_33] {strides = array<i32>} : memref<4096xf32, #tpu.memory_space<vmem>>, vector<16xf32>,
        %get3A_35 = vector.shape_cast %get3A_34 : vector<16xf32> to vector<16xf32>
        %add3A_36 = vector.broadcast %add3A_30 : i32 to vector<16xi32>
        %add3A_37 = arith.addi %add3A_36, %iota3A : vector<16xi32>
        %mul3A_38 = arith.constant 2 : i32
        %mul3A_39 = vector.broadcast %mul3A_38 : i32 to vector<16xi32>
        %mul3A_40 = arith.muli %mul3A_39, %add3A_37 : vector<16xi32>
        %add3A_41 = vector.broadcast %mul3A_28 : i32 to vector<16xi32>
        %add3A_42 = arith.addi %mul3A_40, %add3A_41 : vector<16xi32>
        %broadcast_in_dim3A = arith.constant 928981903 : i32
        %broadcast_in_dim3A_43 = vector.broadcast %broadcast_in_dim3A : i32 to vector<16xi32>
        %add3A_44 = arith.constant -841280227 : i32
        %add3A_45 = vector.broadcast %add3A_44 : i32 to vector<16xi32>
        %add3A_46 = arith.addi %add3A_42, %add3A_45 : vector<16xi32>
        %add3A_47 = arith.addi %broadcast_in_dim3A_43, %add3A_46 : vector<16xi32>
        %shift_left3A = arith.constant 13 : i32
        %shift_left3A_48 = vector.broadcast %shift_left3A : i32 to vector<16xi32>
        %shift_left3A_49 = arith.shli %add3A_46, %shift_left3A_48 : vector<16xi32>
        %shift_right_logical3A = arith.constant 19 : i32
        %shift_right_logical3A_50 = vector.broadcast %shift_right_logical3A : i32 to vector<16xi32>
        %shift_right_logical3A_51 = arith.shrui %add3A_46, %shift_right_logical3A_50 : vector<16xi32>
        %or3A = arith.ori %shift_left3A_49, %shift_right_logical3A_51 : vector<16xi32>
        %xor3A = arith.xori %add3A_47, %or3A : vector<16xi32>
        %add3A_52 = arith.addi %add3A_47, %xor3A : vector<16xi32>
        %shift_left3A_53 = arith.constant 15 : i32
        %shift_left3A_54 = vector.broadcast %shift_left3A_53 : i32 to vector<16xi32>
        %shift_left3A_55 = arith.shli %xor3A, %shift_left3A_54 : vector<16xi32>
        %shift_right_logical3A_56 = arith.constant 17 : i32
        %shift_right_logical3A_57 = vector.broadcast %shift_right_logical3A_56 : i32 to vector<16xi32>
        %shift_right_logical3A_58 = arith.shrui %xor3A, %shift_right_logical3A_57 : vector<16xi32>
        %or3A_59 = arith.ori %shift_left3A_55, %shift_right_logical3A_58 : vector<16xi32>
        %xor3A_60 = arith.xori %add3A_52, %or3A_59 : vector<16xi32>
        %add3A_61 = arith.addi %add3A_52, %xor3A_60 : vector<16xi32>
        %shift_left3A_62 = arith.constant 26 : i32
        %shift_left3A_63 = vector.broadcast %shift_left3A_62 : i32 to vector<16xi32>
        %shift_left3A_64 = arith.shli %xor3A_60, %shift_left3A_63 : vector<16xi32>
        %shift_right_logical3A_65 = arith.constant 6 : i32
        %shift_right_logical3A_66 = vector.broadcast %shift_right_logical3A_65 : i32 to vector<16xi32>
        %shift_right_logical3A_67 = arith.shrui %xor3A_60, %shift_right_logical3A_66 : vector<16xi32>
        %or3A_68 = arith.ori %shift_left3A_64, %shift_right_logical3A_67 : vector<16xi32>
        %xor3A_69 = arith.xori %add3A_61, %or3A_68 : vector<16xi32>
        %add3A_70 = arith.addi %add3A_61, %xor3A_69 : vector<16xi32>
        %shift_left3A_71 = arith.constant 6 : i32
        %shift_left3A_72 = vector.broadcast %shift_left3A_71 : i32 to vector<16xi32>
        %shift_left3A_73 = arith.shli %xor3A_69, %shift_left3A_72 : vector<16xi32>
        %shift_right_logical3A_74 = arith.constant 26 : i32
        %shift_right_logical3A_75 = vector.broadcast %shift_right_logical3A_74 : i32 to vector<16xi32>
        %shift_right_logical3A_76 = arith.shrui %xor3A_69, %shift_right_logical3A_75 : vector<16xi32>
        %or3A_77 = arith.ori %shift_left3A_73, %shift_right_logical3A_76 : vector<16xi32>
        %xor3A_78 = arith.xori %add3A_70, %or3A_77 : vector<16xi32>
        %add3A_79 = arith.constant -841280227 : i32
        %add3A_80 = vector.broadcast %add3A_79 : i32 to vector<16xi32>
        %add3A_81 = arith.addi %add3A_70, %add3A_80 : vector<16xi32>
        %add3A_82 = arith.constant -514511543 : i32
        %add3A_83 = vector.broadcast %add3A_82 : i32 to vector<16xi32>
        %add3A_84 = arith.addi %xor3A_78, %add3A_83 : vector<16xi32>
        %add3A_85 = arith.addi %add3A_81, %add3A_84 : vector<16xi32>
        %shift_left3A_86 = arith.constant 17 : i32
        %shift_left3A_87 = vector.broadcast %shift_left3A_86 : i32 to vector<16xi32>
        %shift_left3A_88 = arith.shli %add3A_84, %shift_left3A_87 : vector<16xi32>
        %shift_right_logical3A_89 = arith.constant 15 : i32
        %shift_right_logical3A_90 = vector.broadcast %shift_right_logical3A_89 : i32 to vector<16xi32>
        %shift_right_logical3A_91 = arith.shrui %add3A_84, %shift_right_logical3A_90 : vector<16xi32>
        %or3A_92 = arith.ori %shift_left3A_88, %shift_right_logical3A_91 : vector<16xi32>
        %xor3A_93 = arith.xori %add3A_85, %or3A_92 : vector<16xi32>
        %add3A_94 = arith.addi %add3A_85, %xor3A_93 : vector<16xi32>
        %shift_left3A_95 = arith.constant 29 : i32
        %shift_left3A_96 = vector.broadcast %shift_left3A_95 : i32 to vector<16xi32>
        %shift_left3A_97 = arith.shli %xor3A_93, %shift_left3A_96 : vector<16xi32>
        %shift_right_logical3A_98 = arith.constant 3 : i32
        %shift_right_logical3A_99 = vector.broadcast %shift_right_logical3A_98 : i32 to vector<16xi32>
        %shift_right_logical3A_100 = arith.shrui %xor3A_93, %shift_right_logical3A_99 : vector<16xi32>
        %or3A_101 = arith.ori %shift_left3A_97, %shift_right_logical3A_100 : vector<16xi32>
        %xor3A_102 = arith.xori %add3A_94, %or3A_101 : vector<16xi32>
        %add3A_103 = arith.addi %add3A_94, %xor3A_102 : vector<16xi32>
        %shift_left3A_104 = arith.constant 16 : i32
        %shift_left3A_105 = vector.broadcast %shift_left3A_104 : i32 to vector<16xi32>
        %shift_left3A_106 = arith.shli %xor3A_102, %shift_left3A_105 : vector<16xi32>
        %shift_right_logical3A_107 = arith.constant 16 : i32
        %shift_right_logical3A_108 = vector.broadcast %shift_right_logical3A_107 : i32 to vector<16xi32>
        %shift_right_logical3A_109 = arith.shrui %xor3A_102, %shift_right_logical3A_108 : vector<16xi32>
        %or3A_110 = arith.ori %shift_left3A_106, %shift_right_logical3A_109 : vector<16xi32>
        %xor3A_111 = arith.xori %add3A_103, %or3A_110 : vector<16xi32>
        %add3A_112 = arith.addi %add3A_103, %xor3A_111 : vector<16xi32>
        %shift_left3A_113 = arith.constant 24 : i32
        %shift_left3A_114 = vector.broadcast %shift_left3A_113 : i32 to vector<16xi32>
        %shift_left3A_115 = arith.shli %xor3A_111, %shift_left3A_114 : vector<16xi32>
        %shift_right_logical3A_116 = arith.constant 8 : i32
        %shift_right_logical3A_117 = vector.broadcast %shift_right_logical3A_116 : i32 to vector<16xi32>
        %shift_right_logical3A_118 = arith.shrui %xor3A_111, %shift_right_logical3A_117 : vector<16xi32>
        %or3A_119 = arith.ori %shift_left3A_115, %shift_right_logical3A_118 : vector<16xi32>
        %xor3A_120 = arith.xori %add3A_112, %or3A_119 : vector<16xi32>
        %add3A_121 = arith.constant -514511544 : i32
        %add3A_122 = vector.broadcast %add3A_121 : i32 to vector<16xi32>
        %add3A_123 = arith.addi %add3A_112, %add3A_122 : vector<16xi32>
        %add3A_124 = arith.constant 928981905 : i32
        %add3A_125 = vector.broadcast %add3A_124 : i32 to vector<16xi32>
        %add3A_126 = arith.addi %xor3A_120, %add3A_125 : vector<16xi32>
        %add3A_127 = arith.addi %add3A_123, %add3A_126 : vector<16xi32>
        %shift_left3A_128 = arith.constant 13 : i32
        %shift_left3A_129 = vector.broadcast %shift_left3A_128 : i32 to vector<16xi32>
        %shift_left3A_130 = arith.shli %add3A_126, %shift_left3A_129 : vector<16xi32>
        %shift_right_logical3A_131 = arith.constant 19 : i32
        %shift_right_logical3A_132 = vector.broadcast %shift_right_logical3A_131 : i32 to vector<16xi32>
        %shift_right_logical3A_133 = arith.shrui %add3A_126, %shift_right_logical3A_132 : vector<16xi32>
        %or3A_134 = arith.ori %shift_left3A_130, %shift_right_logical3A_133 : vector<16xi32>
        %xor3A_135 = arith.xori %add3A_127, %or3A_134 : vector<16xi32>
        %add3A_136 = arith.addi %add3A_127, %xor3A_135 : vector<16xi32>
        %shift_left3A_137 = arith.constant 15 : i32
        %shift_left3A_138 = vector.broadcast %shift_left3A_137 : i32 to vector<16xi32>
        %shift_left3A_139 = arith.shli %xor3A_135, %shift_left3A_138 : vector<16xi32>
        %shift_right_logical3A_140 = arith.constant 17 : i32
        %shift_right_logical3A_141 = vector.broadcast %shift_right_logical3A_140 : i32 to vector<16xi32>
        %shift_right_logical3A_142 = arith.shrui %xor3A_135, %shift_right_logical3A_141 : vector<16xi32>
        %or3A_143 = arith.ori %shift_left3A_139, %shift_right_logical3A_142 : vector<16xi32>
        %xor3A_144 = arith.xori %add3A_136, %or3A_143 : vector<16xi32>
        %add3A_145 = arith.addi %add3A_136, %xor3A_144 : vector<16xi32>
        %shift_left3A_146 = arith.constant 26 : i32
        %shift_left3A_147 = vector.broadcast %shift_left3A_146 : i32 to vector<16xi32>
        %shift_left3A_148 = arith.shli %xor3A_144, %shift_left3A_147 : vector<16xi32>
        %shift_right_logical3A_149 = arith.constant 6 : i32
        %shift_right_logical3A_150 = vector.broadcast %shift_right_logical3A_149 : i32 to vector<16xi32>
        %shift_right_logical3A_151 = arith.shrui %xor3A_144, %shift_right_logical3A_150 : vector<16xi32>
        %or3A_152 = arith.ori %shift_left3A_148, %shift_right_logical3A_151 : vector<16xi32>
        %xor3A_153 = arith.xori %add3A_145, %or3A_152 : vector<16xi32>
        %add3A_154 = arith.addi %add3A_145, %xor3A_153 : vector<16xi32>
        %shift_left3A_155 = arith.constant 6 : i32
        %shift_left3A_156 = vector.broadcast %shift_left3A_155 : i32 to vector<16xi32>
        %shift_left3A_157 = arith.shli %xor3A_153, %shift_left3A_156 : vector<16xi32>
        %shift_right_logical3A_158 = arith.constant 26 : i32
        %shift_right_logical3A_159 = vector.broadcast %shift_right_logical3A_158 : i32 to vector<16xi32>
        %shift_right_logical3A_160 = arith.shrui %xor3A_153, %shift_right_logical3A_159 : vector<16xi32>
        %or3A_161 = arith.ori %shift_left3A_157, %shift_right_logical3A_160 : vector<16xi32>
        %xor3A_162 = arith.xori %add3A_154, %or3A_161 : vector<16xi32>
        %add3A_163 = arith.constant 928981903 : i32
        %add3A_164 = vector.broadcast %add3A_163 : i32 to vector<16xi32>
        %add3A_165 = arith.addi %add3A_154, %add3A_164 : vector<16xi32>
        %add3A_166 = arith.constant -841280224 : i32
        %add3A_167 = vector.broadcast %add3A_166 : i32 to vector<16xi32>
        %add3A_168 = arith.addi %xor3A_162, %add3A_167 : vector<16xi32>
        %add3A_169 = arith.addi %add3A_165, %add3A_168 : vector<16xi32>
        %shift_left3A_170 = arith.constant 17 : i32
        %shift_left3A_171 = vector.broadcast %shift_left3A_170 : i32 to vector<16xi32>
        %shift_left3A_172 = arith.shli %add3A_168, %shift_left3A_171 : vector<16xi32>
        %shift_right_logical3A_173 = arith.constant 15 : i32
        %shift_right_logical3A_174 = vector.broadcast %shift_right_logical3A_173 : i32 to vector<16xi32>
        %shift_right_logical3A_175 = arith.shrui %add3A_168, %shift_right_logical3A_174 : vector<16xi32>
        %or3A_176 = arith.ori %shift_left3A_172, %shift_right_logical3A_175 : vector<16xi32>
        %xor3A_177 = arith.xori %add3A_169, %or3A_176 : vector<16xi32>
        %add3A_178 = arith.addi %add3A_169, %xor3A_177 : vector<16xi32>
        %shift_left3A_179 = arith.constant 29 : i32
        %shift_left3A_180 = vector.broadcast %shift_left3A_179 : i32 to vector<16xi32>
        %shift_left3A_181 = arith.shli %xor3A_177, %shift_left3A_180 : vector<16xi32>
        %shift_right_logical3A_182 = arith.constant 3 : i32
        %shift_right_logical3A_183 = vector.broadcast %shift_right_logical3A_182 : i32 to vector<16xi32>
        %shift_right_logical3A_184 = arith.shrui %xor3A_177, %shift_right_logical3A_183 : vector<16xi32>
        %or3A_185 = arith.ori %shift_left3A_181, %shift_right_logical3A_184 : vector<16xi32>
        %xor3A_186 = arith.xori %add3A_178, %or3A_185 : vector<16xi32>
        %add3A_187 = arith.addi %add3A_178, %xor3A_186 : vector<16xi32>
        %shift_left3A_188 = arith.constant 16 : i32
        %shift_left3A_189 = vector.broadcast %shift_left3A_188 : i32 to vector<16xi32>
        %shift_left3A_190 = arith.shli %xor3A_186, %shift_left3A_189 : vector<16xi32>
        %shift_right_logical3A_191 = arith.constant 16 : i32
        %shift_right_logical3A_192 = vector.broadcast %shift_right_logical3A_191 : i32 to vector<16xi32>
        %shift_right_logical3A_193 = arith.shrui %xor3A_186, %shift_right_logical3A_192 : vector<16xi32>
        %or3A_194 = arith.ori %shift_left3A_190, %shift_right_logical3A_193 : vector<16xi32>
        %xor3A_195 = arith.xori %add3A_187, %or3A_194 : vector<16xi32>
        %add3A_196 = arith.addi %add3A_187, %xor3A_195 : vector<16xi32>
        %shift_left3A_197 = arith.constant 24 : i32
        %shift_left3A_198 = vector.broadcast %shift_left3A_197 : i32 to vector<16xi32>
        %shift_left3A_199 = arith.shli %xor3A_195, %shift_left3A_198 : vector<16xi32>
        %shift_right_logical3A_200 = arith.constant 8 : i32
        %shift_right_logical3A_201 = vector.broadcast %shift_right_logical3A_200 : i32 to vector<16xi32>
        %shift_right_logical3A_202 = arith.shrui %xor3A_195, %shift_right_logical3A_201 : vector<16xi32>
        %or3A_203 = arith.ori %shift_left3A_199, %shift_right_logical3A_202 : vector<16xi32>
        %xor3A_204 = arith.xori %add3A_196, %or3A_203 : vector<16xi32>
        %add3A_205 = arith.constant -841280227 : i32
        %add3A_206 = vector.broadcast %add3A_205 : i32 to vector<16xi32>
        %add3A_207 = arith.addi %add3A_196, %add3A_206 : vector<16xi32>
        %add3A_208 = arith.constant -514511540 : i32
        %add3A_209 = vector.broadcast %add3A_208 : i32 to vector<16xi32>
        %add3A_210 = arith.addi %xor3A_204, %add3A_209 : vector<16xi32>
        %add3A_211 = arith.addi %add3A_207, %add3A_210 : vector<16xi32>
        %shift_left3A_212 = arith.constant 13 : i32
        %shift_left3A_213 = vector.broadcast %shift_left3A_212 : i32 to vector<16xi32>
        %shift_left3A_214 = arith.shli %add3A_210, %shift_left3A_213 : vector<16xi32>
        %shift_right_logical3A_215 = arith.constant 19 : i32
        %shift_right_logical3A_216 = vector.broadcast %shift_right_logical3A_215 : i32 to vector<16xi32>
        %shift_right_logical3A_217 = arith.shrui %add3A_210, %shift_right_logical3A_216 : vector<16xi32>
        %or3A_218 = arith.ori %shift_left3A_214, %shift_right_logical3A_217 : vector<16xi32>
        %xor3A_219 = arith.xori %add3A_211, %or3A_218 : vector<16xi32>
        %add3A_220 = arith.addi %add3A_211, %xor3A_219 : vector<16xi32>
        %shift_left3A_221 = arith.constant 15 : i32
        %shift_left3A_222 = vector.broadcast %shift_left3A_221 : i32 to vector<16xi32>
        %shift_left3A_223 = arith.shli %xor3A_219, %shift_left3A_222 : vector<16xi32>
        %shift_right_logical3A_224 = arith.constant 17 : i32
        %shift_right_logical3A_225 = vector.broadcast %shift_right_logical3A_224 : i32 to vector<16xi32>
        %shift_right_logical3A_226 = arith.shrui %xor3A_219, %shift_right_logical3A_225 : vector<16xi32>
        %or3A_227 = arith.ori %shift_left3A_223, %shift_right_logical3A_226 : vector<16xi32>
        %xor3A_228 = arith.xori %add3A_220, %or3A_227 : vector<16xi32>
        %add3A_229 = arith.addi %add3A_220, %xor3A_228 : vector<16xi32>
        %shift_left3A_230 = arith.constant 26 : i32
        %shift_left3A_231 = vector.broadcast %shift_left3A_230 : i32 to vector<16xi32>
        %shift_left3A_232 = arith.shli %xor3A_228, %shift_left3A_231 : vector<16xi32>
        %shift_right_logical3A_233 = arith.constant 6 : i32
        %shift_right_logical3A_234 = vector.broadcast %shift_right_logical3A_233 : i32 to vector<16xi32>
        %shift_right_logical3A_235 = arith.shrui %xor3A_228, %shift_right_logical3A_234 : vector<16xi32>
        %or3A_236 = arith.ori %shift_left3A_232, %shift_right_logical3A_235 : vector<16xi32>
        %xor3A_237 = arith.xori %add3A_229, %or3A_236 : vector<16xi32>
        %add3A_238 = arith.addi %add3A_229, %xor3A_237 : vector<16xi32>
        %shift_left3A_239 = arith.constant 6 : i32
        %shift_left3A_240 = vector.broadcast %shift_left3A_239 : i32 to vector<16xi32>
        %shift_left3A_241 = arith.shli %xor3A_237, %shift_left3A_240 : vector<16xi32>
        %shift_right_logical3A_242 = arith.constant 26 : i32
        %shift_right_logical3A_243 = vector.broadcast %shift_right_logical3A_242 : i32 to vector<16xi32>
        %shift_right_logical3A_244 = arith.shrui %xor3A_237, %shift_right_logical3A_243 : vector<16xi32>
        %or3A_245 = arith.ori %shift_left3A_241, %shift_right_logical3A_244 : vector<16xi32>
        %xor3A_246 = arith.xori %add3A_238, %or3A_245 : vector<16xi32>
        %add3A_247 = arith.constant -514511544 : i32
        %add3A_248 = vector.broadcast %add3A_247 : i32 to vector<16xi32>
        %add3A_249 = arith.addi %add3A_238, %add3A_248 : vector<16xi32>
        %add3A_250 = arith.constant 928981908 : i32
        %add3A_251 = vector.broadcast %add3A_250 : i32 to vector<16xi32>
        %add3A_252 = arith.addi %xor3A_246, %add3A_251 : vector<16xi32>
        %xor3A_253 = arith.xori %add3A_249, %add3A_252 : vector<16xi32>
        %shift_right_logical3A_254 = arith.constant 9 : i32
        %shift_right_logical3A_255 = vector.broadcast %shift_right_logical3A_254 : i32 to vector<16xi32>
        %shift_right_logical3A_256 = arith.shrui %xor3A_253, %shift_right_logical3A_255 : vector<16xi32>
        %or3A_257 = arith.constant 1065353216 : i32
        %or3A_258 = vector.broadcast %or3A_257 : i32 to vector<16xi32>
        %or3A_259 = arith.ori %shift_right_logical3A_256, %or3A_258 : vector<16xi32>
        %bitcast_convert_type3A = tpu.bitcast %or3A_259 : vector<16xi32> -> vector<16xf32>
        %sub3A = arith.constant 1.000000e+00 : f32
        %sub3A_260 = vector.broadcast %sub3A : f32 to vector<16xf32>
        %sub3A_261 = arith.subf %bitcast_convert_type3A, %sub3A_260 : vector<16xf32>
        %max3A = arith.constant 9.99999968E-21 : f32
        %max3A_262 = vector.broadcast %max3A : f32 to vector<16xf32>
        %max3A_263 = arith.maximumf %sub3A_261, %max3A_262 : vector<16xf32>
        %bitcast_convert_type3A_264 = tpu.bitcast %max3A_263 : vector<16xf32> -> vector<16xi32>
        %shift_right_logical3A_265 = arith.constant 23 : i32
        %shift_right_logical3A_266 = vector.broadcast %shift_right_logical3A_265 : i32 to vector<16xi32>
        %shift_right_logical3A_267 = arith.shrui %bitcast_convert_type3A_264, %shift_right_logical3A_266 : vector<16xi32>
        %and3A = arith.constant 255 : i32
        %and3A_268 = vector.broadcast %and3A : i32 to vector<16xi32>
        %and3A_269 = arith.andi %shift_right_logical3A_267, %and3A_268 : vector<16xi32>
        %sub3A_270 = arith.constant 127 : i32
        %sub3A_271 = vector.broadcast %sub3A_270 : i32 to vector<16xi32>
        %sub3A_272 = arith.subi %and3A_269, %sub3A_271 : vector<16xi32>
        %and3A_273 = arith.constant 8388607 : i32
        %and3A_274 = vector.broadcast %and3A_273 : i32 to vector<16xi32>
        %and3A_275 = arith.andi %bitcast_convert_type3A_264, %and3A_274 : vector<16xi32>
        %or3A_276 = arith.constant 1065353216 : i32
        %or3A_277 = vector.broadcast %or3A_276 : i32 to vector<16xi32>
        %or3A_278 = arith.ori %and3A_275, %or3A_277 : vector<16xi32>
        %bitcast_convert_type3A_279 = tpu.bitcast %or3A_278 : vector<16xi32> -> vector<16xf32>
        %gt3A = arith.constant 1.41421354 : f32
        %gt3A_280 = vector.broadcast %gt3A : f32 to vector<16xf32>
        %gt3A_281 = arith.cmpf ogt, %bitcast_convert_type3A_279, %gt3A_280 : vector<16xf32>
        %mul3A_282 = arith.constant 5.000000e-01 : f32
        %mul3A_283 = vector.broadcast %mul3A_282 : f32 to vector<16xf32>
        %mul3A_284 = arith.mulf %bitcast_convert_type3A_279, %mul3A_283 : vector<16xf32>
        %select_n3A = arith.select %gt3A_281, %mul3A_284, %bitcast_convert_type3A_279 : vector<16xi1>, vector<16xf32>
        %jit3A = arith.constant 1 : i32
        %jit3A_285 = arith.constant 0 : i32
        %broadcast_in_dim3A_286 = vector.broadcast %jit3A : i32 to vector<16xi32>
        %broadcast_in_dim3A_287 = vector.broadcast %jit3A_285 : i32 to vector<16xi32>
        %select_n3A_288 = arith.select %gt3A_281, %broadcast_in_dim3A_286, %broadcast_in_dim3A_287 : vector<16xi1>, vector<16xi32>
        %add3A_289 = arith.addi %sub3A_272, %select_n3A_288 : vector<16xi32>
        %convert_element_type3A = arith.sitofp %add3A_289 : vector<16xi32> to vector<16xf32>
        %sub3A_290 = arith.constant 1.000000e+00 : f32
        %sub3A_291 = vector.broadcast %sub3A_290 : f32 to vector<16xf32>
        %sub3A_292 = arith.subf %select_n3A, %sub3A_291 : vector<16xf32>
        %add3A_293 = arith.constant 1.000000e+00 : f32
        %add3A_294 = vector.broadcast %add3A_293 : f32 to vector<16xf32>
        %add3A_295 = arith.addf %select_n3A, %add3A_294 : vector<16xf32>
        %div3A = arith.divf %sub3A_292, %add3A_295 : vector<16xf32>
        %mul3A_296 = arith.mulf %div3A, %div3A : vector<16xf32>
        %mul3A_297 = arith.constant 0.285714298 : f32
        %mul3A_298 = vector.broadcast %mul3A_297 : f32 to vector<16xf32>
        %mul3A_299 = arith.mulf %mul3A_296, %mul3A_298 : vector<16xf32>
        %add3A_300 = arith.constant 4.000000e-01 : f32
        %add3A_301 = vector.broadcast %add3A_300 : f32 to vector<16xf32>
        %add3A_302 = arith.addf %add3A_301, %mul3A_299 : vector<16xf32>
        %mul3A_303 = arith.mulf %mul3A_296, %add3A_302 : vector<16xf32>
        %add3A_304 = arith.constant 0.666666686 : f32
        %add3A_305 = vector.broadcast %add3A_304 : f32 to vector<16xf32>
        %add3A_306 = arith.addf %add3A_305, %mul3A_303 : vector<16xf32>
        %mul3A_307 = arith.mulf %mul3A_296, %add3A_306 : vector<16xf32>
        %add3A_308 = arith.constant 2.000000e+00 : f32
        %add3A_309 = vector.broadcast %add3A_308 : f32 to vector<16xf32>
        %add3A_310 = arith.addf %add3A_309, %mul3A_307 : vector<16xf32>
        %mul3A_311 = arith.mulf %div3A, %add3A_310 : vector<16xf32>
        %mul3A_312 = arith.constant 0.693147182 : f32
        %mul3A_313 = vector.broadcast %mul3A_312 : f32 to vector<16xf32>
        %mul3A_314 = arith.mulf %convert_element_type3A, %mul3A_313 : vector<16xf32>
        %add3A_315 = arith.addf %mul3A_314, %mul3A_311 : vector<16xf32>
        %neg3A = arith.constant 0.000000e+00 : f32
        %neg3A_316 = vector.broadcast %neg3A : f32 to vector<16xf32>
        %neg3A_317 = arith.subf %neg3A_316, %add3A_315 : vector<16xf32>
        %add3A_318 = arith.constant 1 : i32
        %add3A_319 = vector.broadcast %add3A_318 : i32 to vector<16xi32>
        %add3A_320 = arith.addi %add3A_42, %add3A_319 : vector<16xi32>
        %broadcast_in_dim3A_321 = arith.constant 928981903 : i32
        %broadcast_in_dim3A_322 = vector.broadcast %broadcast_in_dim3A_321 : i32 to vector<16xi32>
        %add3A_323 = arith.constant -841280227 : i32
        %add3A_324 = vector.broadcast %add3A_323 : i32 to vector<16xi32>
        %add3A_325 = arith.addi %add3A_320, %add3A_324 : vector<16xi32>
        %add3A_326 = arith.addi %broadcast_in_dim3A_322, %add3A_325 : vector<16xi32>
        %shift_left3A_327 = arith.constant 13 : i32
        %shift_left3A_328 = vector.broadcast %shift_left3A_327 : i32 to vector<16xi32>
        %shift_left3A_329 = arith.shli %add3A_325, %shift_left3A_328 : vector<16xi32>
        %shift_right_logical3A_330 = arith.constant 19 : i32
        %shift_right_logical3A_331 = vector.broadcast %shift_right_logical3A_330 : i32 to vector<16xi32>
        %shift_right_logical3A_332 = arith.shrui %add3A_325, %shift_right_logical3A_331 : vector<16xi32>
        %or3A_333 = arith.ori %shift_left3A_329, %shift_right_logical3A_332 : vector<16xi32>
        %xor3A_334 = arith.xori %add3A_326, %or3A_333 : vector<16xi32>
        %add3A_335 = arith.addi %add3A_326, %xor3A_334 : vector<16xi32>
        %shift_left3A_336 = arith.constant 15 : i32
        %shift_left3A_337 = vector.broadcast %shift_left3A_336 : i32 to vector<16xi32>
        %shift_left3A_338 = arith.shli %xor3A_334, %shift_left3A_337 : vector<16xi32>
        %shift_right_logical3A_339 = arith.constant 17 : i32
        %shift_right_logical3A_340 = vector.broadcast %shift_right_logical3A_339 : i32 to vector<16xi32>
        %shift_right_logical3A_341 = arith.shrui %xor3A_334, %shift_right_logical3A_340 : vector<16xi32>
        %or3A_342 = arith.ori %shift_left3A_338, %shift_right_logical3A_341 : vector<16xi32>
        %xor3A_343 = arith.xori %add3A_335, %or3A_342 : vector<16xi32>
        %add3A_344 = arith.addi %add3A_335, %xor3A_343 : vector<16xi32>
        %shift_left3A_345 = arith.constant 26 : i32
        %shift_left3A_346 = vector.broadcast %shift_left3A_345 : i32 to vector<16xi32>
        %shift_left3A_347 = arith.shli %xor3A_343, %shift_left3A_346 : vector<16xi32>
        %shift_right_logical3A_348 = arith.constant 6 : i32
        %shift_right_logical3A_349 = vector.broadcast %shift_right_logical3A_348 : i32 to vector<16xi32>
        %shift_right_logical3A_350 = arith.shrui %xor3A_343, %shift_right_logical3A_349 : vector<16xi32>
        %or3A_351 = arith.ori %shift_left3A_347, %shift_right_logical3A_350 : vector<16xi32>
        %xor3A_352 = arith.xori %add3A_344, %or3A_351 : vector<16xi32>
        %add3A_353 = arith.addi %add3A_344, %xor3A_352 : vector<16xi32>
        %shift_left3A_354 = arith.constant 6 : i32
        %shift_left3A_355 = vector.broadcast %shift_left3A_354 : i32 to vector<16xi32>
        %shift_left3A_356 = arith.shli %xor3A_352, %shift_left3A_355 : vector<16xi32>
        %shift_right_logical3A_357 = arith.constant 26 : i32
        %shift_right_logical3A_358 = vector.broadcast %shift_right_logical3A_357 : i32 to vector<16xi32>
        %shift_right_logical3A_359 = arith.shrui %xor3A_352, %shift_right_logical3A_358 : vector<16xi32>
        %or3A_360 = arith.ori %shift_left3A_356, %shift_right_logical3A_359 : vector<16xi32>
        %xor3A_361 = arith.xori %add3A_353, %or3A_360 : vector<16xi32>
        %add3A_362 = arith.constant -841280227 : i32
        %add3A_363 = vector.broadcast %add3A_362 : i32 to vector<16xi32>
        %add3A_364 = arith.addi %add3A_353, %add3A_363 : vector<16xi32>
        %add3A_365 = arith.constant -514511543 : i32
        %add3A_366 = vector.broadcast %add3A_365 : i32 to vector<16xi32>
        %add3A_367 = arith.addi %xor3A_361, %add3A_366 : vector<16xi32>
        %add3A_368 = arith.addi %add3A_364, %add3A_367 : vector<16xi32>
        %shift_left3A_369 = arith.constant 17 : i32
        %shift_left3A_370 = vector.broadcast %shift_left3A_369 : i32 to vector<16xi32>
        %shift_left3A_371 = arith.shli %add3A_367, %shift_left3A_370 : vector<16xi32>
        %shift_right_logical3A_372 = arith.constant 15 : i32
        %shift_right_logical3A_373 = vector.broadcast %shift_right_logical3A_372 : i32 to vector<16xi32>
        %shift_right_logical3A_374 = arith.shrui %add3A_367, %shift_right_logical3A_373 : vector<16xi32>
        %or3A_375 = arith.ori %shift_left3A_371, %shift_right_logical3A_374 : vector<16xi32>
        %xor3A_376 = arith.xori %add3A_368, %or3A_375 : vector<16xi32>
        %add3A_377 = arith.addi %add3A_368, %xor3A_376 : vector<16xi32>
        %shift_left3A_378 = arith.constant 29 : i32
        %shift_left3A_379 = vector.broadcast %shift_left3A_378 : i32 to vector<16xi32>
        %shift_left3A_380 = arith.shli %xor3A_376, %shift_left3A_379 : vector<16xi32>
        %shift_right_logical3A_381 = arith.constant 3 : i32
        %shift_right_logical3A_382 = vector.broadcast %shift_right_logical3A_381 : i32 to vector<16xi32>
        %shift_right_logical3A_383 = arith.shrui %xor3A_376, %shift_right_logical3A_382 : vector<16xi32>
        %or3A_384 = arith.ori %shift_left3A_380, %shift_right_logical3A_383 : vector<16xi32>
        %xor3A_385 = arith.xori %add3A_377, %or3A_384 : vector<16xi32>
        %add3A_386 = arith.addi %add3A_377, %xor3A_385 : vector<16xi32>
        %shift_left3A_387 = arith.constant 16 : i32
        %shift_left3A_388 = vector.broadcast %shift_left3A_387 : i32 to vector<16xi32>
        %shift_left3A_389 = arith.shli %xor3A_385, %shift_left3A_388 : vector<16xi32>
        %shift_right_logical3A_390 = arith.constant 16 : i32
        %shift_right_logical3A_391 = vector.broadcast %shift_right_logical3A_390 : i32 to vector<16xi32>
        %shift_right_logical3A_392 = arith.shrui %xor3A_385, %shift_right_logical3A_391 : vector<16xi32>
        %or3A_393 = arith.ori %shift_left3A_389, %shift_right_logical3A_392 : vector<16xi32>
        %xor3A_394 = arith.xori %add3A_386, %or3A_393 : vector<16xi32>
        %add3A_395 = arith.addi %add3A_386, %xor3A_394 : vector<16xi32>
        %shift_left3A_396 = arith.constant 24 : i32
        %shift_left3A_397 = vector.broadcast %shift_left3A_396 : i32 to vector<16xi32>
        %shift_left3A_398 = arith.shli %xor3A_394, %shift_left3A_397 : vector<16xi32>
        %shift_right_logical3A_399 = arith.constant 8 : i32
        %shift_right_logical3A_400 = vector.broadcast %shift_right_logical3A_399 : i32 to vector<16xi32>
        %shift_right_logical3A_401 = arith.shrui %xor3A_394, %shift_right_logical3A_400 : vector<16xi32>
        %or3A_402 = arith.ori %shift_left3A_398, %shift_right_logical3A_401 : vector<16xi32>
        %xor3A_403 = arith.xori %add3A_395, %or3A_402 : vector<16xi32>
        %add3A_404 = arith.constant -514511544 : i32
        %add3A_405 = vector.broadcast %add3A_404 : i32 to vector<16xi32>
        %add3A_406 = arith.addi %add3A_395, %add3A_405 : vector<16xi32>
        %add3A_407 = arith.constant 928981905 : i32
        %add3A_408 = vector.broadcast %add3A_407 : i32 to vector<16xi32>
        %add3A_409 = arith.addi %xor3A_403, %add3A_408 : vector<16xi32>
        %add3A_410 = arith.addi %add3A_406, %add3A_409 : vector<16xi32>
        %shift_left3A_411 = arith.constant 13 : i32
        %shift_left3A_412 = vector.broadcast %shift_left3A_411 : i32 to vector<16xi32>
        %shift_left3A_413 = arith.shli %add3A_409, %shift_left3A_412 : vector<16xi32>
        %shift_right_logical3A_414 = arith.constant 19 : i32
        %shift_right_logical3A_415 = vector.broadcast %shift_right_logical3A_414 : i32 to vector<16xi32>
        %shift_right_logical3A_416 = arith.shrui %add3A_409, %shift_right_logical3A_415 : vector<16xi32>
        %or3A_417 = arith.ori %shift_left3A_413, %shift_right_logical3A_416 : vector<16xi32>
        %xor3A_418 = arith.xori %add3A_410, %or3A_417 : vector<16xi32>
        %add3A_419 = arith.addi %add3A_410, %xor3A_418 : vector<16xi32>
        %shift_left3A_420 = arith.constant 15 : i32
        %shift_left3A_421 = vector.broadcast %shift_left3A_420 : i32 to vector<16xi32>
        %shift_left3A_422 = arith.shli %xor3A_418, %shift_left3A_421 : vector<16xi32>
        %shift_right_logical3A_423 = arith.constant 17 : i32
        %shift_right_logical3A_424 = vector.broadcast %shift_right_logical3A_423 : i32 to vector<16xi32>
        %shift_right_logical3A_425 = arith.shrui %xor3A_418, %shift_right_logical3A_424 : vector<16xi32>
        %or3A_426 = arith.ori %shift_left3A_422, %shift_right_logical3A_425 : vector<16xi32>
        %xor3A_427 = arith.xori %add3A_419, %or3A_426 : vector<16xi32>
        %add3A_428 = arith.addi %add3A_419, %xor3A_427 : vector<16xi32>
        %shift_left3A_429 = arith.constant 26 : i32
        %shift_left3A_430 = vector.broadcast %shift_left3A_429 : i32 to vector<16xi32>
        %shift_left3A_431 = arith.shli %xor3A_427, %shift_left3A_430 : vector<16xi32>
        %shift_right_logical3A_432 = arith.constant 6 : i32
        %shift_right_logical3A_433 = vector.broadcast %shift_right_logical3A_432 : i32 to vector<16xi32>
        %shift_right_logical3A_434 = arith.shrui %xor3A_427, %shift_right_logical3A_433 : vector<16xi32>
        %or3A_435 = arith.ori %shift_left3A_431, %shift_right_logical3A_434 : vector<16xi32>
        %xor3A_436 = arith.xori %add3A_428, %or3A_435 : vector<16xi32>
        %add3A_437 = arith.addi %add3A_428, %xor3A_436 : vector<16xi32>
        %shift_left3A_438 = arith.constant 6 : i32
        %shift_left3A_439 = vector.broadcast %shift_left3A_438 : i32 to vector<16xi32>
        %shift_left3A_440 = arith.shli %xor3A_436, %shift_left3A_439 : vector<16xi32>
        %shift_right_logical3A_441 = arith.constant 26 : i32
        %shift_right_logical3A_442 = vector.broadcast %shift_right_logical3A_441 : i32 to vector<16xi32>
        %shift_right_logical3A_443 = arith.shrui %xor3A_436, %shift_right_logical3A_442 : vector<16xi32>
        %or3A_444 = arith.ori %shift_left3A_440, %shift_right_logical3A_443 : vector<16xi32>
        %xor3A_445 = arith.xori %add3A_437, %or3A_444 : vector<16xi32>
        %add3A_446 = arith.constant 928981903 : i32
        %add3A_447 = vector.broadcast %add3A_446 : i32 to vector<16xi32>
        %add3A_448 = arith.addi %add3A_437, %add3A_447 : vector<16xi32>
        %add3A_449 = arith.constant -841280224 : i32
        %add3A_450 = vector.broadcast %add3A_449 : i32 to vector<16xi32>
        %add3A_451 = arith.addi %xor3A_445, %add3A_450 : vector<16xi32>
        %add3A_452 = arith.addi %add3A_448, %add3A_451 : vector<16xi32>
        %shift_left3A_453 = arith.constant 17 : i32
        %shift_left3A_454 = vector.broadcast %shift_left3A_453 : i32 to vector<16xi32>
        %shift_left3A_455 = arith.shli %add3A_451, %shift_left3A_454 : vector<16xi32>
        %shift_right_logical3A_456 = arith.constant 15 : i32
        %shift_right_logical3A_457 = vector.broadcast %shift_right_logical3A_456 : i32 to vector<16xi32>
        %shift_right_logical3A_458 = arith.shrui %add3A_451, %shift_right_logical3A_457 : vector<16xi32>
        %or3A_459 = arith.ori %shift_left3A_455, %shift_right_logical3A_458 : vector<16xi32>
        %xor3A_460 = arith.xori %add3A_452, %or3A_459 : vector<16xi32>
        %add3A_461 = arith.addi %add3A_452, %xor3A_460 : vector<16xi32>
        %shift_left3A_462 = arith.constant 29 : i32
        %shift_left3A_463 = vector.broadcast %shift_left3A_462 : i32 to vector<16xi32>
        %shift_left3A_464 = arith.shli %xor3A_460, %shift_left3A_463 : vector<16xi32>
        %shift_right_logical3A_465 = arith.constant 3 : i32
        %shift_right_logical3A_466 = vector.broadcast %shift_right_logical3A_465 : i32 to vector<16xi32>
        %shift_right_logical3A_467 = arith.shrui %xor3A_460, %shift_right_logical3A_466 : vector<16xi32>
        %or3A_468 = arith.ori %shift_left3A_464, %shift_right_logical3A_467 : vector<16xi32>
        %xor3A_469 = arith.xori %add3A_461, %or3A_468 : vector<16xi32>
        %add3A_470 = arith.addi %add3A_461, %xor3A_469 : vector<16xi32>
        %shift_left3A_471 = arith.constant 16 : i32
        %shift_left3A_472 = vector.broadcast %shift_left3A_471 : i32 to vector<16xi32>
        %shift_left3A_473 = arith.shli %xor3A_469, %shift_left3A_472 : vector<16xi32>
        %shift_right_logical3A_474 = arith.constant 16 : i32
        %shift_right_logical3A_475 = vector.broadcast %shift_right_logical3A_474 : i32 to vector<16xi32>
        %shift_right_logical3A_476 = arith.shrui %xor3A_469, %shift_right_logical3A_475 : vector<16xi32>
        %or3A_477 = arith.ori %shift_left3A_473, %shift_right_logical3A_476 : vector<16xi32>
        %xor3A_478 = arith.xori %add3A_470, %or3A_477 : vector<16xi32>
        %add3A_479 = arith.addi %add3A_470, %xor3A_478 : vector<16xi32>
        %shift_left3A_480 = arith.constant 24 : i32
        %shift_left3A_481 = vector.broadcast %shift_left3A_480 : i32 to vector<16xi32>
        %shift_left3A_482 = arith.shli %xor3A_478, %shift_left3A_481 : vector<16xi32>
        %shift_right_logical3A_483 = arith.constant 8 : i32
        %shift_right_logical3A_484 = vector.broadcast %shift_right_logical3A_483 : i32 to vector<16xi32>
        %shift_right_logical3A_485 = arith.shrui %xor3A_478, %shift_right_logical3A_484 : vector<16xi32>
        %or3A_486 = arith.ori %shift_left3A_482, %shift_right_logical3A_485 : vector<16xi32>
        %xor3A_487 = arith.xori %add3A_479, %or3A_486 : vector<16xi32>
        %add3A_488 = arith.constant -841280227 : i32
        %add3A_489 = vector.broadcast %add3A_488 : i32 to vector<16xi32>
        %add3A_490 = arith.addi %add3A_479, %add3A_489 : vector<16xi32>
        %add3A_491 = arith.constant -514511540 : i32
        %add3A_492 = vector.broadcast %add3A_491 : i32 to vector<16xi32>
        %add3A_493 = arith.addi %xor3A_487, %add3A_492 : vector<16xi32>
        %add3A_494 = arith.addi %add3A_490, %add3A_493 : vector<16xi32>
        %shift_left3A_495 = arith.constant 13 : i32
        %shift_left3A_496 = vector.broadcast %shift_left3A_495 : i32 to vector<16xi32>
        %shift_left3A_497 = arith.shli %add3A_493, %shift_left3A_496 : vector<16xi32>
        %shift_right_logical3A_498 = arith.constant 19 : i32
        %shift_right_logical3A_499 = vector.broadcast %shift_right_logical3A_498 : i32 to vector<16xi32>
        %shift_right_logical3A_500 = arith.shrui %add3A_493, %shift_right_logical3A_499 : vector<16xi32>
        %or3A_501 = arith.ori %shift_left3A_497, %shift_right_logical3A_500 : vector<16xi32>
        %xor3A_502 = arith.xori %add3A_494, %or3A_501 : vector<16xi32>
        %add3A_503 = arith.addi %add3A_494, %xor3A_502 : vector<16xi32>
        %shift_left3A_504 = arith.constant 15 : i32
        %shift_left3A_505 = vector.broadcast %shift_left3A_504 : i32 to vector<16xi32>
        %shift_left3A_506 = arith.shli %xor3A_502, %shift_left3A_505 : vector<16xi32>
        %shift_right_logical3A_507 = arith.constant 17 : i32
        %shift_right_logical3A_508 = vector.broadcast %shift_right_logical3A_507 : i32 to vector<16xi32>
        %shift_right_logical3A_509 = arith.shrui %xor3A_502, %shift_right_logical3A_508 : vector<16xi32>
        %or3A_510 = arith.ori %shift_left3A_506, %shift_right_logical3A_509 : vector<16xi32>
        %xor3A_511 = arith.xori %add3A_503, %or3A_510 : vector<16xi32>
        %add3A_512 = arith.addi %add3A_503, %xor3A_511 : vector<16xi32>
        %shift_left3A_513 = arith.constant 26 : i32
        %shift_left3A_514 = vector.broadcast %shift_left3A_513 : i32 to vector<16xi32>
        %shift_left3A_515 = arith.shli %xor3A_511, %shift_left3A_514 : vector<16xi32>
        %shift_right_logical3A_516 = arith.constant 6 : i32
        %shift_right_logical3A_517 = vector.broadcast %shift_right_logical3A_516 : i32 to vector<16xi32>
        %shift_right_logical3A_518 = arith.shrui %xor3A_511, %shift_right_logical3A_517 : vector<16xi32>
        %or3A_519 = arith.ori %shift_left3A_515, %shift_right_logical3A_518 : vector<16xi32>
        %xor3A_520 = arith.xori %add3A_512, %or3A_519 : vector<16xi32>
        %add3A_521 = arith.addi %add3A_512, %xor3A_520 : vector<16xi32>
        %shift_left3A_522 = arith.constant 6 : i32
        %shift_left3A_523 = vector.broadcast %shift_left3A_522 : i32 to vector<16xi32>
        %shift_left3A_524 = arith.shli %xor3A_520, %shift_left3A_523 : vector<16xi32>
        %shift_right_logical3A_525 = arith.constant 26 : i32
        %shift_right_logical3A_526 = vector.broadcast %shift_right_logical3A_525 : i32 to vector<16xi32>
        %shift_right_logical3A_527 = arith.shrui %xor3A_520, %shift_right_logical3A_526 : vector<16xi32>
        %or3A_528 = arith.ori %shift_left3A_524, %shift_right_logical3A_527 : vector<16xi32>
        %xor3A_529 = arith.xori %add3A_521, %or3A_528 : vector<16xi32>
        %add3A_530 = arith.constant -514511544 : i32
        %add3A_531 = vector.broadcast %add3A_530 : i32 to vector<16xi32>
        %add3A_532 = arith.addi %add3A_521, %add3A_531 : vector<16xi32>
        %add3A_533 = arith.constant 928981908 : i32
        %add3A_534 = vector.broadcast %add3A_533 : i32 to vector<16xi32>
        %add3A_535 = arith.addi %xor3A_529, %add3A_534 : vector<16xi32>
        %xor3A_536 = arith.xori %add3A_532, %add3A_535 : vector<16xi32>
        %shift_right_logical3A_537 = arith.constant 9 : i32
        %shift_right_logical3A_538 = vector.broadcast %shift_right_logical3A_537 : i32 to vector<16xi32>
        %shift_right_logical3A_539 = arith.shrui %xor3A_536, %shift_right_logical3A_538 : vector<16xi32>
        %or3A_540 = arith.constant 1065353216 : i32
        %or3A_541 = vector.broadcast %or3A_540 : i32 to vector<16xi32>
        %or3A_542 = arith.ori %shift_right_logical3A_539, %or3A_541 : vector<16xi32>
        %bitcast_convert_type3A_543 = tpu.bitcast %or3A_542 : vector<16xi32> -> vector<16xf32>
        %sub3A_544 = arith.constant 1.000000e+00 : f32
        %sub3A_545 = vector.broadcast %sub3A_544 : f32 to vector<16xf32>
        %sub3A_546 = arith.subf %bitcast_convert_type3A_543, %sub3A_545 : vector<16xf32>
        %max3A_547 = arith.constant 9.99999968E-21 : f32
        %max3A_548 = vector.broadcast %max3A_547 : f32 to vector<16xf32>
        %max3A_549 = arith.maximumf %sub3A_546, %max3A_548 : vector<16xf32>
        %bitcast_convert_type3A_550 = tpu.bitcast %max3A_549 : vector<16xf32> -> vector<16xi32>
        %shift_right_logical3A_551 = arith.constant 23 : i32
        %shift_right_logical3A_552 = vector.broadcast %shift_right_logical3A_551 : i32 to vector<16xi32>
        %shift_right_logical3A_553 = arith.shrui %bitcast_convert_type3A_550, %shift_right_logical3A_552 : vector<16xi32>
        %and3A_554 = arith.constant 255 : i32
        %and3A_555 = vector.broadcast %and3A_554 : i32 to vector<16xi32>
        %and3A_556 = arith.andi %shift_right_logical3A_553, %and3A_555 : vector<16xi32>
        %sub3A_557 = arith.constant 127 : i32
        %sub3A_558 = vector.broadcast %sub3A_557 : i32 to vector<16xi32>
        %sub3A_559 = arith.subi %and3A_556, %sub3A_558 : vector<16xi32>
        %and3A_560 = arith.constant 8388607 : i32
        %and3A_561 = vector.broadcast %and3A_560 : i32 to vector<16xi32>
        %and3A_562 = arith.andi %bitcast_convert_type3A_550, %and3A_561 : vector<16xi32>
        %or3A_563 = arith.constant 1065353216 : i32
        %or3A_564 = vector.broadcast %or3A_563 : i32 to vector<16xi32>
        %or3A_565 = arith.ori %and3A_562, %or3A_564 : vector<16xi32>
        %bitcast_convert_type3A_566 = tpu.bitcast %or3A_565 : vector<16xi32> -> vector<16xf32>
        %gt3A_567 = arith.constant 1.41421354 : f32
        %gt3A_568 = vector.broadcast %gt3A_567 : f32 to vector<16xf32>
        %gt3A_569 = arith.cmpf ogt, %bitcast_convert_type3A_566, %gt3A_568 : vector<16xf32>
        %mul3A_570 = arith.constant 5.000000e-01 : f32
        %mul3A_571 = vector.broadcast %mul3A_570 : f32 to vector<16xf32>
        %mul3A_572 = arith.mulf %bitcast_convert_type3A_566, %mul3A_571 : vector<16xf32>
        %select_n3A_573 = arith.select %gt3A_569, %mul3A_572, %bitcast_convert_type3A_566 : vector<16xi1>, vector<16xf32>
        %jit3A_574 = arith.constant 1 : i32
        %jit3A_575 = arith.constant 0 : i32
        %broadcast_in_dim3A_576 = vector.broadcast %jit3A_574 : i32 to vector<16xi32>
        %broadcast_in_dim3A_577 = vector.broadcast %jit3A_575 : i32 to vector<16xi32>
        %select_n3A_578 = arith.select %gt3A_569, %broadcast_in_dim3A_576, %broadcast_in_dim3A_577 : vector<16xi1>, vector<16xi32>
        %add3A_579 = arith.addi %sub3A_559, %select_n3A_578 : vector<16xi32>
        %convert_element_type3A_580 = arith.sitofp %add3A_579 : vector<16xi32> to vector<16xf32>
        %sub3A_581 = arith.constant 1.000000e+00 : f32
        %sub3A_582 = vector.broadcast %sub3A_581 : f32 to vector<16xf32>
        %sub3A_583 = arith.subf %select_n3A_573, %sub3A_582 : vector<16xf32>
        %add3A_584 = arith.constant 1.000000e+00 : f32
        %add3A_585 = vector.broadcast %add3A_584 : f32 to vector<16xf32>
        %add3A_586 = arith.addf %select_n3A_573, %add3A_585 : vector<16xf32>
        %div3A_587 = arith.divf %sub3A_583, %add3A_586 : vector<16xf32>
        %mul3A_588 = arith.mulf %div3A_587, %div3A_587 : vector<16xf32>
        %mul3A_589 = arith.constant 0.285714298 : f32
        %mul3A_590 = vector.broadcast %mul3A_589 : f32 to vector<16xf32>
        %mul3A_591 = arith.mulf %mul3A_588, %mul3A_590 : vector<16xf32>
        %add3A_592 = arith.constant 4.000000e-01 : f32
        %add3A_593 = vector.broadcast %add3A_592 : f32 to vector<16xf32>
        %add3A_594 = arith.addf %add3A_593, %mul3A_591 : vector<16xf32>
        %mul3A_595 = arith.mulf %mul3A_588, %add3A_594 : vector<16xf32>
        %add3A_596 = arith.constant 0.666666686 : f32
        %add3A_597 = vector.broadcast %add3A_596 : f32 to vector<16xf32>
        %add3A_598 = arith.addf %add3A_597, %mul3A_595 : vector<16xf32>
        %mul3A_599 = arith.mulf %mul3A_588, %add3A_598 : vector<16xf32>
        %add3A_600 = arith.constant 2.000000e+00 : f32
        %add3A_601 = vector.broadcast %add3A_600 : f32 to vector<16xf32>
        %add3A_602 = arith.addf %add3A_601, %mul3A_599 : vector<16xf32>
        %mul3A_603 = arith.mulf %div3A_587, %add3A_602 : vector<16xf32>
        %mul3A_604 = arith.constant 0.693147182 : f32
        %mul3A_605 = vector.broadcast %mul3A_604 : f32 to vector<16xf32>
        %mul3A_606 = arith.mulf %convert_element_type3A_580, %mul3A_605 : vector<16xf32>
        %add3A_607 = arith.addf %mul3A_606, %mul3A_603 : vector<16xf32>
        %neg3A_608 = arith.constant 0.000000e+00 : f32
        %neg3A_609 = vector.broadcast %neg3A_608 : f32 to vector<16xf32>
        %neg3A_610 = arith.subf %neg3A_609, %add3A_607 : vector<16xf32>
        %sub3A_611 = arith.subf %get3A_32, %get3A_35 : vector<16xf32>
        %exp3A = math.exp %sub3A_611 : vector<16xf32>
        %mul3A_612 = arith.mulf %neg3A_610, %exp3A : vector<16xf32>
        %le3A = arith.cmpf ole, %neg3A_317, %mul3A_612 : vector<16xf32>
        %jit3A_613 = arith.constant 1.000000e+00 : f32
        %jit3A_614 = arith.constant 0.000000e+00 : f32
        %broadcast_in_dim3A_615 = vector.broadcast %jit3A_613 : f32 to vector<16xf32>
        %broadcast_in_dim3A_616 = vector.broadcast %jit3A_614 : f32 to vector<16xf32>
        %select_n3A_617 = arith.select %le3A, %broadcast_in_dim3A_615, %broadcast_in_dim3A_616 : vector<16xi1>, vector<16xf32>
        %swap3A = arith.index_cast %add3A_30 : i32 to index
        %swap3A_618 = tpu.vector_load %arg6[%swap3A] {strides = array<i32>} : memref<4096xf32, #tpu.memory_space<vmem>>, vector<16xf32>,
        %swap3A_619 = vector.shape_cast %swap3A_618 : vector<16xf32> to vector<16xf32>
        %swap3A_620 = vector.shape_cast %select_n3A_617 : vector<16xf32> to vector<16xf32>
        tpu.vector_store %arg6[%swap3A], %swap3A_620 {strides = array<i32>} : memref<4096xf32, #tpu.memory_space<vmem>>, vector<16xf32>,
        %add3A_621 = arith.constant 16 : i32
        %add3A_622 = arith.addi %mul3A_26, %add3A_621 : i32
        %get3A_623 = arith.index_cast %add3A_622 : i32 to index
        %get3A_624 = tpu.vector_load %arg4[%get3A_623] {strides = array<i32>} : memref<4096xf32, #tpu.memory_space<vmem>>, vector<16xf32>,
        %get3A_625 = vector.shape_cast %get3A_624 : vector<16xf32> to vector<16xf32>
        %get3A_626 = arith.index_cast %add3A_622 : i32 to index
        %get3A_627 = tpu.vector_load %arg5[%get3A_626] {strides = array<i32>} : memref<4096xf32, #tpu.memory_space<vmem>>, vector<16xf32>,
        %get3A_628 = vector.shape_cast %get3A_627 : vector<16xf32> to vector<16xf32>
        %add3A_629 = vector.broadcast %add3A_622 : i32 to vector<16xi32>
        %add3A_630 = arith.addi %add3A_629, %iota3A : vector<16xi32>
        %mul3A_631 = arith.constant 2 : i32
        %mul3A_632 = vector.broadcast %mul3A_631 : i32 to vector<16xi32>
        %mul3A_633 = arith.muli %mul3A_632, %add3A_630 : vector<16xi32>
        %add3A_634 = vector.broadcast %mul3A_28 : i32 to vector<16xi32>
        %add3A_635 = arith.addi %mul3A_633, %add3A_634 : vector<16xi32>
        %broadcast_in_dim3A_636 = arith.constant 928981903 : i32
        %broadcast_in_dim3A_637 = vector.broadcast %broadcast_in_dim3A_636 : i32 to vector<16xi32>
        %add3A_638 = arith.constant -841280227 : i32
        %add3A_639 = vector.broadcast %add3A_638 : i32 to vector<16xi32>
        %add3A_640 = arith.addi %add3A_635, %add3A_639 : vector<16xi32>
        %add3A_641 = arith.addi %broadcast_in_dim3A_637, %add3A_640 : vector<16xi32>
        %shift_left3A_642 = arith.constant 13 : i32
        %shift_left3A_643 = vector.broadcast %shift_left3A_642 : i32 to vector<16xi32>
        %shift_left3A_644 = arith.shli %add3A_640, %shift_left3A_643 : vector<16xi32>
        %shift_right_logical3A_645 = arith.constant 19 : i32
        %shift_right_logical3A_646 = vector.broadcast %shift_right_logical3A_645 : i32 to vector<16xi32>
        %shift_right_logical3A_647 = arith.shrui %add3A_640, %shift_right_logical3A_646 : vector<16xi32>
        %or3A_648 = arith.ori %shift_left3A_644, %shift_right_logical3A_647 : vector<16xi32>
        %xor3A_649 = arith.xori %add3A_641, %or3A_648 : vector<16xi32>
        %add3A_650 = arith.addi %add3A_641, %xor3A_649 : vector<16xi32>
        %shift_left3A_651 = arith.constant 15 : i32
        %shift_left3A_652 = vector.broadcast %shift_left3A_651 : i32 to vector<16xi32>
        %shift_left3A_653 = arith.shli %xor3A_649, %shift_left3A_652 : vector<16xi32>
        %shift_right_logical3A_654 = arith.constant 17 : i32
        %shift_right_logical3A_655 = vector.broadcast %shift_right_logical3A_654 : i32 to vector<16xi32>
        %shift_right_logical3A_656 = arith.shrui %xor3A_649, %shift_right_logical3A_655 : vector<16xi32>
        %or3A_657 = arith.ori %shift_left3A_653, %shift_right_logical3A_656 : vector<16xi32>
        %xor3A_658 = arith.xori %add3A_650, %or3A_657 : vector<16xi32>
        %add3A_659 = arith.addi %add3A_650, %xor3A_658 : vector<16xi32>
        %shift_left3A_660 = arith.constant 26 : i32
        %shift_left3A_661 = vector.broadcast %shift_left3A_660 : i32 to vector<16xi32>
        %shift_left3A_662 = arith.shli %xor3A_658, %shift_left3A_661 : vector<16xi32>
        %shift_right_logical3A_663 = arith.constant 6 : i32
        %shift_right_logical3A_664 = vector.broadcast %shift_right_logical3A_663 : i32 to vector<16xi32>
        %shift_right_logical3A_665 = arith.shrui %xor3A_658, %shift_right_logical3A_664 : vector<16xi32>
        %or3A_666 = arith.ori %shift_left3A_662, %shift_right_logical3A_665 : vector<16xi32>
        %xor3A_667 = arith.xori %add3A_659, %or3A_666 : vector<16xi32>
        %add3A_668 = arith.addi %add3A_659, %xor3A_667 : vector<16xi32>
        %shift_left3A_669 = arith.constant 6 : i32
        %shift_left3A_670 = vector.broadcast %shift_left3A_669 : i32 to vector<16xi32>
        %shift_left3A_671 = arith.shli %xor3A_667, %shift_left3A_670 : vector<16xi32>
        %shift_right_logical3A_672 = arith.constant 26 : i32
        %shift_right_logical3A_673 = vector.broadcast %shift_right_logical3A_672 : i32 to vector<16xi32>
        %shift_right_logical3A_674 = arith.shrui %xor3A_667, %shift_right_logical3A_673 : vector<16xi32>
        %or3A_675 = arith.ori %shift_left3A_671, %shift_right_logical3A_674 : vector<16xi32>
        %xor3A_676 = arith.xori %add3A_668, %or3A_675 : vector<16xi32>
        %add3A_677 = arith.constant -841280227 : i32
        %add3A_678 = vector.broadcast %add3A_677 : i32 to vector<16xi32>
        %add3A_679 = arith.addi %add3A_668, %add3A_678 : vector<16xi32>
        %add3A_680 = arith.constant -514511543 : i32
        %add3A_681 = vector.broadcast %add3A_680 : i32 to vector<16xi32>
        %add3A_682 = arith.addi %xor3A_676, %add3A_681 : vector<16xi32>
        %add3A_683 = arith.addi %add3A_679, %add3A_682 : vector<16xi32>
        %shift_left3A_684 = arith.constant 17 : i32
        %shift_left3A_685 = vector.broadcast %shift_left3A_684 : i32 to vector<16xi32>
        %shift_left3A_686 = arith.shli %add3A_682, %shift_left3A_685 : vector<16xi32>
        %shift_right_logical3A_687 = arith.constant 15 : i32
        %shift_right_logical3A_688 = vector.broadcast %shift_right_logical3A_687 : i32 to vector<16xi32>
        %shift_right_logical3A_689 = arith.shrui %add3A_682, %shift_right_logical3A_688 : vector<16xi32>
        %or3A_690 = arith.ori %shift_left3A_686, %shift_right_logical3A_689 : vector<16xi32>
        %xor3A_691 = arith.xori %add3A_683, %or3A_690 : vector<16xi32>
        %add3A_692 = arith.addi %add3A_683, %xor3A_691 : vector<16xi32>
        %shift_left3A_693 = arith.constant 29 : i32
        %shift_left3A_694 = vector.broadcast %shift_left3A_693 : i32 to vector<16xi32>
        %shift_left3A_695 = arith.shli %xor3A_691, %shift_left3A_694 : vector<16xi32>
        %shift_right_logical3A_696 = arith.constant 3 : i32
        %shift_right_logical3A_697 = vector.broadcast %shift_right_logical3A_696 : i32 to vector<16xi32>
        %shift_right_logical3A_698 = arith.shrui %xor3A_691, %shift_right_logical3A_697 : vector<16xi32>
        %or3A_699 = arith.ori %shift_left3A_695, %shift_right_logical3A_698 : vector<16xi32>
        %xor3A_700 = arith.xori %add3A_692, %or3A_699 : vector<16xi32>
        %add3A_701 = arith.addi %add3A_692, %xor3A_700 : vector<16xi32>
        %shift_left3A_702 = arith.constant 16 : i32
        %shift_left3A_703 = vector.broadcast %shift_left3A_702 : i32 to vector<16xi32>
        %shift_left3A_704 = arith.shli %xor3A_700, %shift_left3A_703 : vector<16xi32>
        %shift_right_logical3A_705 = arith.constant 16 : i32
        %shift_right_logical3A_706 = vector.broadcast %shift_right_logical3A_705 : i32 to vector<16xi32>
        %shift_right_logical3A_707 = arith.shrui %xor3A_700, %shift_right_logical3A_706 : vector<16xi32>
        %or3A_708 = arith.ori %shift_left3A_704, %shift_right_logical3A_707 : vector<16xi32>
        %xor3A_709 = arith.xori %add3A_701, %or3A_708 : vector<16xi32>
        %add3A_710 = arith.addi %add3A_701, %xor3A_709 : vector<16xi32>
        %shift_left3A_711 = arith.constant 24 : i32
        %shift_left3A_712 = vector.broadcast %shift_left3A_711 : i32 to vector<16xi32>
        %shift_left3A_713 = arith.shli %xor3A_709, %shift_left3A_712 : vector<16xi32>
        %shift_right_logical3A_714 = arith.constant 8 : i32
        %shift_right_logical3A_715 = vector.broadcast %shift_right_logical3A_714 : i32 to vector<16xi32>
        %shift_right_logical3A_716 = arith.shrui %xor3A_709, %shift_right_logical3A_715 : vector<16xi32>
        %or3A_717 = arith.ori %shift_left3A_713, %shift_right_logical3A_716 : vector<16xi32>
        %xor3A_718 = arith.xori %add3A_710, %or3A_717 : vector<16xi32>
        %add3A_719 = arith.constant -514511544 : i32
        %add3A_720 = vector.broadcast %add3A_719 : i32 to vector<16xi32>
        %add3A_721 = arith.addi %add3A_710, %add3A_720 : vector<16xi32>
        %add3A_722 = arith.constant 928981905 : i32
        %add3A_723 = vector.broadcast %add3A_722 : i32 to vector<16xi32>
        %add3A_724 = arith.addi %xor3A_718, %add3A_723 : vector<16xi32>
        %add3A_725 = arith.addi %add3A_721, %add3A_724 : vector<16xi32>
        %shift_left3A_726 = arith.constant 13 : i32
        %shift_left3A_727 = vector.broadcast %shift_left3A_726 : i32 to vector<16xi32>
        %shift_left3A_728 = arith.shli %add3A_724, %shift_left3A_727 : vector<16xi32>
        %shift_right_logical3A_729 = arith.constant 19 : i32
        %shift_right_logical3A_730 = vector.broadcast %shift_right_logical3A_729 : i32 to vector<16xi32>
        %shift_right_logical3A_731 = arith.shrui %add3A_724, %shift_right_logical3A_730 : vector<16xi32>
        %or3A_732 = arith.ori %shift_left3A_728, %shift_right_logical3A_731 : vector<16xi32>
        %xor3A_733 = arith.xori %add3A_725, %or3A_732 : vector<16xi32>
        %add3A_734 = arith.addi %add3A_725, %xor3A_733 : vector<16xi32>
        %shift_left3A_735 = arith.constant 15 : i32
        %shift_left3A_736 = vector.broadcast %shift_left3A_735 : i32 to vector<16xi32>
        %shift_left3A_737 = arith.shli %xor3A_733, %shift_left3A_736 : vector<16xi32>
        %shift_right_logical3A_738 = arith.constant 17 : i32
        %shift_right_logical3A_739 = vector.broadcast %shift_right_logical3A_738 : i32 to vector<16xi32>
        %shift_right_logical3A_740 = arith.shrui %xor3A_733, %shift_right_logical3A_739 : vector<16xi32>
        %or3A_741 = arith.ori %shift_left3A_737, %shift_right_logical3A_740 : vector<16xi32>
        %xor3A_742 = arith.xori %add3A_734, %or3A_741 : vector<16xi32>
        %add3A_743 = arith.addi %add3A_734, %xor3A_742 : vector<16xi32>
        %shift_left3A_744 = arith.constant 26 : i32
        %shift_left3A_745 = vector.broadcast %shift_left3A_744 : i32 to vector<16xi32>
        %shift_left3A_746 = arith.shli %xor3A_742, %shift_left3A_745 : vector<16xi32>
        %shift_right_logical3A_747 = arith.constant 6 : i32
        %shift_right_logical3A_748 = vector.broadcast %shift_right_logical3A_747 : i32 to vector<16xi32>
        %shift_right_logical3A_749 = arith.shrui %xor3A_742, %shift_right_logical3A_748 : vector<16xi32>
        %or3A_750 = arith.ori %shift_left3A_746, %shift_right_logical3A_749 : vector<16xi32>
        %xor3A_751 = arith.xori %add3A_743, %or3A_750 : vector<16xi32>
        %add3A_752 = arith.addi %add3A_743, %xor3A_751 : vector<16xi32>
        %shift_left3A_753 = arith.constant 6 : i32
        %shift_left3A_754 = vector.broadcast %shift_left3A_753 : i32 to vector<16xi32>
        %shift_left3A_755 = arith.shli %xor3A_751, %shift_left3A_754 : vector<16xi32>
        %shift_right_logical3A_756 = arith.constant 26 : i32
        %shift_right_logical3A_757 = vector.broadcast %shift_right_logical3A_756 : i32 to vector<16xi32>
        %shift_right_logical3A_758 = arith.shrui %xor3A_751, %shift_right_logical3A_757 : vector<16xi32>
        %or3A_759 = arith.ori %shift_left3A_755, %shift_right_logical3A_758 : vector<16xi32>
        %xor3A_760 = arith.xori %add3A_752, %or3A_759 : vector<16xi32>
        %add3A_761 = arith.constant 928981903 : i32
        %add3A_762 = vector.broadcast %add3A_761 : i32 to vector<16xi32>
        %add3A_763 = arith.addi %add3A_752, %add3A_762 : vector<16xi32>
        %add3A_764 = arith.constant -841280224 : i32
        %add3A_765 = vector.broadcast %add3A_764 : i32 to vector<16xi32>
        %add3A_766 = arith.addi %xor3A_760, %add3A_765 : vector<16xi32>
        %add3A_767 = arith.addi %add3A_763, %add3A_766 : vector<16xi32>
        %shift_left3A_768 = arith.constant 17 : i32
        %shift_left3A_769 = vector.broadcast %shift_left3A_768 : i32 to vector<16xi32>
        %shift_left3A_770 = arith.shli %add3A_766, %shift_left3A_769 : vector<16xi32>
        %shift_right_logical3A_771 = arith.constant 15 : i32
        %shift_right_logical3A_772 = vector.broadcast %shift_right_logical3A_771 : i32 to vector<16xi32>
        %shift_right_logical3A_773 = arith.shrui %add3A_766, %shift_right_logical3A_772 : vector<16xi32>
        %or3A_774 = arith.ori %shift_left3A_770, %shift_right_logical3A_773 : vector<16xi32>
        %xor3A_775 = arith.xori %add3A_767, %or3A_774 : vector<16xi32>
        %add3A_776 = arith.addi %add3A_767, %xor3A_775 : vector<16xi32>
        %shift_left3A_777 = arith.constant 29 : i32
        %shift_left3A_778 = vector.broadcast %shift_left3A_777 : i32 to vector<16xi32>
        %shift_left3A_779 = arith.shli %xor3A_775, %shift_left3A_778 : vector<16xi32>
        %shift_right_logical3A_780 = arith.constant 3 : i32
        %shift_right_logical3A_781 = vector.broadcast %shift_right_logical3A_780 : i32 to vector<16xi32>
        %shift_right_logical3A_782 = arith.shrui %xor3A_775, %shift_right_logical3A_781 : vector<16xi32>
        %or3A_783 = arith.ori %shift_left3A_779, %shift_right_logical3A_782 : vector<16xi32>
        %xor3A_784 = arith.xori %add3A_776, %or3A_783 : vector<16xi32>
        %add3A_785 = arith.addi %add3A_776, %xor3A_784 : vector<16xi32>
        %shift_left3A_786 = arith.constant 16 : i32
        %shift_left3A_787 = vector.broadcast %shift_left3A_786 : i32 to vector<16xi32>
        %shift_left3A_788 = arith.shli %xor3A_784, %shift_left3A_787 : vector<16xi32>
        %shift_right_logical3A_789 = arith.constant 16 : i32
        %shift_right_logical3A_790 = vector.broadcast %shift_right_logical3A_789 : i32 to vector<16xi32>
        %shift_right_logical3A_791 = arith.shrui %xor3A_784, %shift_right_logical3A_790 : vector<16xi32>
        %or3A_792 = arith.ori %shift_left3A_788, %shift_right_logical3A_791 : vector<16xi32>
        %xor3A_793 = arith.xori %add3A_785, %or3A_792 : vector<16xi32>
        %add3A_794 = arith.addi %add3A_785, %xor3A_793 : vector<16xi32>
        %shift_left3A_795 = arith.constant 24 : i32
        %shift_left3A_796 = vector.broadcast %shift_left3A_795 : i32 to vector<16xi32>
        %shift_left3A_797 = arith.shli %xor3A_793, %shift_left3A_796 : vector<16xi32>
        %shift_right_logical3A_798 = arith.constant 8 : i32
        %shift_right_logical3A_799 = vector.broadcast %shift_right_logical3A_798 : i32 to vector<16xi32>
        %shift_right_logical3A_800 = arith.shrui %xor3A_793, %shift_right_logical3A_799 : vector<16xi32>
        %or3A_801 = arith.ori %shift_left3A_797, %shift_right_logical3A_800 : vector<16xi32>
        %xor3A_802 = arith.xori %add3A_794, %or3A_801 : vector<16xi32>
        %add3A_803 = arith.constant -841280227 : i32
        %add3A_804 = vector.broadcast %add3A_803 : i32 to vector<16xi32>
        %add3A_805 = arith.addi %add3A_794, %add3A_804 : vector<16xi32>
        %add3A_806 = arith.constant -514511540 : i32
        %add3A_807 = vector.broadcast %add3A_806 : i32 to vector<16xi32>
        %add3A_808 = arith.addi %xor3A_802, %add3A_807 : vector<16xi32>
        %add3A_809 = arith.addi %add3A_805, %add3A_808 : vector<16xi32>
        %shift_left3A_810 = arith.constant 13 : i32
        %shift_left3A_811 = vector.broadcast %shift_left3A_810 : i32 to vector<16xi32>
        %shift_left3A_812 = arith.shli %add3A_808, %shift_left3A_811 : vector<16xi32>
        %shift_right_logical3A_813 = arith.constant 19 : i32
        %shift_right_logical3A_814 = vector.broadcast %shift_right_logical3A_813 : i32 to vector<16xi32>
        %shift_right_logical3A_815 = arith.shrui %add3A_808, %shift_right_logical3A_814 : vector<16xi32>
        %or3A_816 = arith.ori %shift_left3A_812, %shift_right_logical3A_815 : vector<16xi32>
        %xor3A_817 = arith.xori %add3A_809, %or3A_816 : vector<16xi32>
        %add3A_818 = arith.addi %add3A_809, %xor3A_817 : vector<16xi32>
        %shift_left3A_819 = arith.constant 15 : i32
        %shift_left3A_820 = vector.broadcast %shift_left3A_819 : i32 to vector<16xi32>
        %shift_left3A_821 = arith.shli %xor3A_817, %shift_left3A_820 : vector<16xi32>
        %shift_right_logical3A_822 = arith.constant 17 : i32
        %shift_right_logical3A_823 = vector.broadcast %shift_right_logical3A_822 : i32 to vector<16xi32>
        %shift_right_logical3A_824 = arith.shrui %xor3A_817, %shift_right_logical3A_823 : vector<16xi32>
        %or3A_825 = arith.ori %shift_left3A_821, %shift_right_logical3A_824 : vector<16xi32>
        %xor3A_826 = arith.xori %add3A_818, %or3A_825 : vector<16xi32>
        %add3A_827 = arith.addi %add3A_818, %xor3A_826 : vector<16xi32>
        %shift_left3A_828 = arith.constant 26 : i32
        %shift_left3A_829 = vector.broadcast %shift_left3A_828 : i32 to vector<16xi32>
        %shift_left3A_830 = arith.shli %xor3A_826, %shift_left3A_829 : vector<16xi32>
        %shift_right_logical3A_831 = arith.constant 6 : i32
        %shift_right_logical3A_832 = vector.broadcast %shift_right_logical3A_831 : i32 to vector<16xi32>
        %shift_right_logical3A_833 = arith.shrui %xor3A_826, %shift_right_logical3A_832 : vector<16xi32>
        %or3A_834 = arith.ori %shift_left3A_830, %shift_right_logical3A_833 : vector<16xi32>
        %xor3A_835 = arith.xori %add3A_827, %or3A_834 : vector<16xi32>
        %add3A_836 = arith.addi %add3A_827, %xor3A_835 : vector<16xi32>
        %shift_left3A_837 = arith.constant 6 : i32
        %shift_left3A_838 = vector.broadcast %shift_left3A_837 : i32 to vector<16xi32>
        %shift_left3A_839 = arith.shli %xor3A_835, %shift_left3A_838 : vector<16xi32>
        %shift_right_logical3A_840 = arith.constant 26 : i32
        %shift_right_logical3A_841 = vector.broadcast %shift_right_logical3A_840 : i32 to vector<16xi32>
        %shift_right_logical3A_842 = arith.shrui %xor3A_835, %shift_right_logical3A_841 : vector<16xi32>
        %or3A_843 = arith.ori %shift_left3A_839, %shift_right_logical3A_842 : vector<16xi32>
        %xor3A_844 = arith.xori %add3A_836, %or3A_843 : vector<16xi32>
        %add3A_845 = arith.constant -514511544 : i32
        %add3A_846 = vector.broadcast %add3A_845 : i32 to vector<16xi32>
        %add3A_847 = arith.addi %add3A_836, %add3A_846 : vector<16xi32>
        %add3A_848 = arith.constant 928981908 : i32
        %add3A_849 = vector.broadcast %add3A_848 : i32 to vector<16xi32>
        %add3A_850 = arith.addi %xor3A_844, %add3A_849 : vector<16xi32>
        %xor3A_851 = arith.xori %add3A_847, %add3A_850 : vector<16xi32>
        %shift_right_logical3A_852 = arith.constant 9 : i32
        %shift_right_logical3A_853 = vector.broadcast %shift_right_logical3A_852 : i32 to vector<16xi32>
        %shift_right_logical3A_854 = arith.shrui %xor3A_851, %shift_right_logical3A_853 : vector<16xi32>
        %or3A_855 = arith.constant 1065353216 : i32
        %or3A_856 = vector.broadcast %or3A_855 : i32 to vector<16xi32>
        %or3A_857 = arith.ori %shift_right_logical3A_854, %or3A_856 : vector<16xi32>
        %bitcast_convert_type3A_858 = tpu.bitcast %or3A_857 : vector<16xi32> -> vector<16xf32>
        %sub3A_859 = arith.constant 1.000000e+00 : f32
        %sub3A_860 = vector.broadcast %sub3A_859 : f32 to vector<16xf32>
        %sub3A_861 = arith.subf %bitcast_convert_type3A_858, %sub3A_860 : vector<16xf32>
        %max3A_862 = arith.constant 9.99999968E-21 : f32
        %max3A_863 = vector.broadcast %max3A_862 : f32 to vector<16xf32>
        %max3A_864 = arith.maximumf %sub3A_861, %max3A_863 : vector<16xf32>
        %bitcast_convert_type3A_865 = tpu.bitcast %max3A_864 : vector<16xf32> -> vector<16xi32>
        %shift_right_logical3A_866 = arith.constant 23 : i32
        %shift_right_logical3A_867 = vector.broadcast %shift_right_logical3A_866 : i32 to vector<16xi32>
        %shift_right_logical3A_868 = arith.shrui %bitcast_convert_type3A_865, %shift_right_logical3A_867 : vector<16xi32>
        %and3A_869 = arith.constant 255 : i32
        %and3A_870 = vector.broadcast %and3A_869 : i32 to vector<16xi32>
        %and3A_871 = arith.andi %shift_right_logical3A_868, %and3A_870 : vector<16xi32>
        %sub3A_872 = arith.constant 127 : i32
        %sub3A_873 = vector.broadcast %sub3A_872 : i32 to vector<16xi32>
        %sub3A_874 = arith.subi %and3A_871, %sub3A_873 : vector<16xi32>
        %and3A_875 = arith.constant 8388607 : i32
        %and3A_876 = vector.broadcast %and3A_875 : i32 to vector<16xi32>
        %and3A_877 = arith.andi %bitcast_convert_type3A_865, %and3A_876 : vector<16xi32>
        %or3A_878 = arith.constant 1065353216 : i32
        %or3A_879 = vector.broadcast %or3A_878 : i32 to vector<16xi32>
        %or3A_880 = arith.ori %and3A_877, %or3A_879 : vector<16xi32>
        %bitcast_convert_type3A_881 = tpu.bitcast %or3A_880 : vector<16xi32> -> vector<16xf32>
        %gt3A_882 = arith.constant 1.41421354 : f32
        %gt3A_883 = vector.broadcast %gt3A_882 : f32 to vector<16xf32>
        %gt3A_884 = arith.cmpf ogt, %bitcast_convert_type3A_881, %gt3A_883 : vector<16xf32>
        %mul3A_885 = arith.constant 5.000000e-01 : f32
        %mul3A_886 = vector.broadcast %mul3A_885 : f32 to vector<16xf32>
        %mul3A_887 = arith.mulf %bitcast_convert_type3A_881, %mul3A_886 : vector<16xf32>
        %select_n3A_888 = arith.select %gt3A_884, %mul3A_887, %bitcast_convert_type3A_881 : vector<16xi1>, vector<16xf32>
        %jit3A_889 = arith.constant 1 : i32
        %jit3A_890 = arith.constant 0 : i32
        %broadcast_in_dim3A_891 = vector.broadcast %jit3A_889 : i32 to vector<16xi32>
        %broadcast_in_dim3A_892 = vector.broadcast %jit3A_890 : i32 to vector<16xi32>
        %select_n3A_893 = arith.select %gt3A_884, %broadcast_in_dim3A_891, %broadcast_in_dim3A_892 : vector<16xi1>, vector<16xi32>
        %add3A_894 = arith.addi %sub3A_874, %select_n3A_893 : vector<16xi32>
        %convert_element_type3A_895 = arith.sitofp %add3A_894 : vector<16xi32> to vector<16xf32>
        %sub3A_896 = arith.constant 1.000000e+00 : f32
        %sub3A_897 = vector.broadcast %sub3A_896 : f32 to vector<16xf32>
        %sub3A_898 = arith.subf %select_n3A_888, %sub3A_897 : vector<16xf32>
        %add3A_899 = arith.constant 1.000000e+00 : f32
        %add3A_900 = vector.broadcast %add3A_899 : f32 to vector<16xf32>
        %add3A_901 = arith.addf %select_n3A_888, %add3A_900 : vector<16xf32>
        %div3A_902 = arith.divf %sub3A_898, %add3A_901 : vector<16xf32>
        %mul3A_903 = arith.mulf %div3A_902, %div3A_902 : vector<16xf32>
        %mul3A_904 = arith.constant 0.285714298 : f32
        %mul3A_905 = vector.broadcast %mul3A_904 : f32 to vector<16xf32>
        %mul3A_906 = arith.mulf %mul3A_903, %mul3A_905 : vector<16xf32>
        %add3A_907 = arith.constant 4.000000e-01 : f32
        %add3A_908 = vector.broadcast %add3A_907 : f32 to vector<16xf32>
        %add3A_909 = arith.addf %add3A_908, %mul3A_906 : vector<16xf32>
        %mul3A_910 = arith.mulf %mul3A_903, %add3A_909 : vector<16xf32>
        %add3A_911 = arith.constant 0.666666686 : f32
        %add3A_912 = vector.broadcast %add3A_911 : f32 to vector<16xf32>
        %add3A_913 = arith.addf %add3A_912, %mul3A_910 : vector<16xf32>
        %mul3A_914 = arith.mulf %mul3A_903, %add3A_913 : vector<16xf32>
        %add3A_915 = arith.constant 2.000000e+00 : f32
        %add3A_916 = vector.broadcast %add3A_915 : f32 to vector<16xf32>
        %add3A_917 = arith.addf %add3A_916, %mul3A_914 : vector<16xf32>
        %mul3A_918 = arith.mulf %div3A_902, %add3A_917 : vector<16xf32>
        %mul3A_919 = arith.constant 0.693147182 : f32
        %mul3A_920 = vector.broadcast %mul3A_919 : f32 to vector<16xf32>
        %mul3A_921 = arith.mulf %convert_element_type3A_895, %mul3A_920 : vector<16xf32>
        %add3A_922 = arith.addf %mul3A_921, %mul3A_918 : vector<16xf32>
        %neg3A_923 = arith.constant 0.000000e+00 : f32
        %neg3A_924 = vector.broadcast %neg3A_923 : f32 to vector<16xf32>
        %neg3A_925 = arith.subf %neg3A_924, %add3A_922 : vector<16xf32>
        %add3A_926 = arith.constant 1 : i32
        %add3A_927 = vector.broadcast %add3A_926 : i32 to vector<16xi32>
        %add3A_928 = arith.addi %add3A_635, %add3A_927 : vector<16xi32>
        %broadcast_in_dim3A_929 = arith.constant 928981903 : i32
        %broadcast_in_dim3A_930 = vector.broadcast %broadcast_in_dim3A_929 : i32 to vector<16xi32>
        %add3A_931 = arith.constant -841280227 : i32
        %add3A_932 = vector.broadcast %add3A_931 : i32 to vector<16xi32>
        %add3A_933 = arith.addi %add3A_928, %add3A_932 : vector<16xi32>
        %add3A_934 = arith.addi %broadcast_in_dim3A_930, %add3A_933 : vector<16xi32>
        %shift_left3A_935 = arith.constant 13 : i32
        %shift_left3A_936 = vector.broadcast %shift_left3A_935 : i32 to vector<16xi32>
        %shift_left3A_937 = arith.shli %add3A_933, %shift_left3A_936 : vector<16xi32>
        %shift_right_logical3A_938 = arith.constant 19 : i32
        %shift_right_logical3A_939 = vector.broadcast %shift_right_logical3A_938 : i32 to vector<16xi32>
        %shift_right_logical3A_940 = arith.shrui %add3A_933, %shift_right_logical3A_939 : vector<16xi32>
        %or3A_941 = arith.ori %shift_left3A_937, %shift_right_logical3A_940 : vector<16xi32>
        %xor3A_942 = arith.xori %add3A_934, %or3A_941 : vector<16xi32>
        %add3A_943 = arith.addi %add3A_934, %xor3A_942 : vector<16xi32>
        %shift_left3A_944 = arith.constant 15 : i32
        %shift_left3A_945 = vector.broadcast %shift_left3A_944 : i32 to vector<16xi32>
        %shift_left3A_946 = arith.shli %xor3A_942, %shift_left3A_945 : vector<16xi32>
        %shift_right_logical3A_947 = arith.constant 17 : i32
        %shift_right_logical3A_948 = vector.broadcast %shift_right_logical3A_947 : i32 to vector<16xi32>
        %shift_right_logical3A_949 = arith.shrui %xor3A_942, %shift_right_logical3A_948 : vector<16xi32>
        %or3A_950 = arith.ori %shift_left3A_946, %shift_right_logical3A_949 : vector<16xi32>
        %xor3A_951 = arith.xori %add3A_943, %or3A_950 : vector<16xi32>
        %add3A_952 = arith.addi %add3A_943, %xor3A_951 : vector<16xi32>
        %shift_left3A_953 = arith.constant 26 : i32
        %shift_left3A_954 = vector.broadcast %shift_left3A_953 : i32 to vector<16xi32>
        %shift_left3A_955 = arith.shli %xor3A_951, %shift_left3A_954 : vector<16xi32>
        %shift_right_logical3A_956 = arith.constant 6 : i32
        %shift_right_logical3A_957 = vector.broadcast %shift_right_logical3A_956 : i32 to vector<16xi32>
        %shift_right_logical3A_958 = arith.shrui %xor3A_951, %shift_right_logical3A_957 : vector<16xi32>
        %or3A_959 = arith.ori %shift_left3A_955, %shift_right_logical3A_958 : vector<16xi32>
        %xor3A_960 = arith.xori %add3A_952, %or3A_959 : vector<16xi32>
        %add3A_961 = arith.addi %add3A_952, %xor3A_960 : vector<16xi32>
        %shift_left3A_962 = arith.constant 6 : i32
        %shift_left3A_963 = vector.broadcast %shift_left3A_962 : i32 to vector<16xi32>
        %shift_left3A_964 = arith.shli %xor3A_960, %shift_left3A_963 : vector<16xi32>
        %shift_right_logical3A_965 = arith.constant 26 : i32
        %shift_right_logical3A_966 = vector.broadcast %shift_right_logical3A_965 : i32 to vector<16xi32>
        %shift_right_logical3A_967 = arith.shrui %xor3A_960, %shift_right_logical3A_966 : vector<16xi32>
        %or3A_968 = arith.ori %shift_left3A_964, %shift_right_logical3A_967 : vector<16xi32>
        %xor3A_969 = arith.xori %add3A_961, %or3A_968 : vector<16xi32>
        %add3A_970 = arith.constant -841280227 : i32
        %add3A_971 = vector.broadcast %add3A_970 : i32 to vector<16xi32>
        %add3A_972 = arith.addi %add3A_961, %add3A_971 : vector<16xi32>
        %add3A_973 = arith.constant -514511543 : i32
        %add3A_974 = vector.broadcast %add3A_973 : i32 to vector<16xi32>
        %add3A_975 = arith.addi %xor3A_969, %add3A_974 : vector<16xi32>
        %add3A_976 = arith.addi %add3A_972, %add3A_975 : vector<16xi32>
        %shift_left3A_977 = arith.constant 17 : i32
        %shift_left3A_978 = vector.broadcast %shift_left3A_977 : i32 to vector<16xi32>
        %shift_left3A_979 = arith.shli %add3A_975, %shift_left3A_978 : vector<16xi32>
        %shift_right_logical3A_980 = arith.constant 15 : i32
        %shift_right_logical3A_981 = vector.broadcast %shift_right_logical3A_980 : i32 to vector<16xi32>
        %shift_right_logical3A_982 = arith.shrui %add3A_975, %shift_right_logical3A_981 : vector<16xi32>
        %or3A_983 = arith.ori %shift_left3A_979, %shift_right_logical3A_982 : vector<16xi32>
        %xor3A_984 = arith.xori %add3A_976, %or3A_983 : vector<16xi32>
        %add3A_985 = arith.addi %add3A_976, %xor3A_984 : vector<16xi32>
        %shift_left3A_986 = arith.constant 29 : i32
        %shift_left3A_987 = vector.broadcast %shift_left3A_986 : i32 to vector<16xi32>
        %shift_left3A_988 = arith.shli %xor3A_984, %shift_left3A_987 : vector<16xi32>
        %shift_right_logical3A_989 = arith.constant 3 : i32
        %shift_right_logical3A_990 = vector.broadcast %shift_right_logical3A_989 : i32 to vector<16xi32>
        %shift_right_logical3A_991 = arith.shrui %xor3A_984, %shift_right_logical3A_990 : vector<16xi32>
        %or3A_992 = arith.ori %shift_left3A_988, %shift_right_logical3A_991 : vector<16xi32>
        %xor3A_993 = arith.xori %add3A_985, %or3A_992 : vector<16xi32>
        %add3A_994 = arith.addi %add3A_985, %xor3A_993 : vector<16xi32>
        %shift_left3A_995 = arith.constant 16 : i32
        %shift_left3A_996 = vector.broadcast %shift_left3A_995 : i32 to vector<16xi32>
        %shift_left3A_997 = arith.shli %xor3A_993, %shift_left3A_996 : vector<16xi32>
        %shift_right_logical3A_998 = arith.constant 16 : i32
        %shift_right_logical3A_999 = vector.broadcast %shift_right_logical3A_998 : i32 to vector<16xi32>
        %shift_right_logical3A_1000 = arith.shrui %xor3A_993, %shift_right_logical3A_999 : vector<16xi32>
        %or3A_1001 = arith.ori %shift_left3A_997, %shift_right_logical3A_1000 : vector<16xi32>
        %xor3A_1002 = arith.xori %add3A_994, %or3A_1001 : vector<16xi32>
        %add3A_1003 = arith.addi %add3A_994, %xor3A_1002 : vector<16xi32>
        %shift_left3A_1004 = arith.constant 24 : i32
        %shift_left3A_1005 = vector.broadcast %shift_left3A_1004 : i32 to vector<16xi32>
        %shift_left3A_1006 = arith.shli %xor3A_1002, %shift_left3A_1005 : vector<16xi32>
        %shift_right_logical3A_1007 = arith.constant 8 : i32
        %shift_right_logical3A_1008 = vector.broadcast %shift_right_logical3A_1007 : i32 to vector<16xi32>
        %shift_right_logical3A_1009 = arith.shrui %xor3A_1002, %shift_right_logical3A_1008 : vector<16xi32>
        %or3A_1010 = arith.ori %shift_left3A_1006, %shift_right_logical3A_1009 : vector<16xi32>
        %xor3A_1011 = arith.xori %add3A_1003, %or3A_1010 : vector<16xi32>
        %add3A_1012 = arith.constant -514511544 : i32
        %add3A_1013 = vector.broadcast %add3A_1012 : i32 to vector<16xi32>
        %add3A_1014 = arith.addi %add3A_1003, %add3A_1013 : vector<16xi32>
        %add3A_1015 = arith.constant 928981905 : i32
        %add3A_1016 = vector.broadcast %add3A_1015 : i32 to vector<16xi32>
        %add3A_1017 = arith.addi %xor3A_1011, %add3A_1016 : vector<16xi32>
        %add3A_1018 = arith.addi %add3A_1014, %add3A_1017 : vector<16xi32>
        %shift_left3A_1019 = arith.constant 13 : i32
        %shift_left3A_1020 = vector.broadcast %shift_left3A_1019 : i32 to vector<16xi32>
        %shift_left3A_1021 = arith.shli %add3A_1017, %shift_left3A_1020 : vector<16xi32>
        %shift_right_logical3A_1022 = arith.constant 19 : i32
        %shift_right_logical3A_1023 = vector.broadcast %shift_right_logical3A_1022 : i32 to vector<16xi32>
        %shift_right_logical3A_1024 = arith.shrui %add3A_1017, %shift_right_logical3A_1023 : vector<16xi32>
        %or3A_1025 = arith.ori %shift_left3A_1021, %shift_right_logical3A_1024 : vector<16xi32>
        %xor3A_1026 = arith.xori %add3A_1018, %or3A_1025 : vector<16xi32>
        %add3A_1027 = arith.addi %add3A_1018, %xor3A_1026 : vector<16xi32>
        %shift_left3A_1028 = arith.constant 15 : i32
        %shift_left3A_1029 = vector.broadcast %shift_left3A_1028 : i32 to vector<16xi32>
        %shift_left3A_1030 = arith.shli %xor3A_1026, %shift_left3A_1029 : vector<16xi32>
        %shift_right_logical3A_1031 = arith.constant 17 : i32
        %shift_right_logical3A_1032 = vector.broadcast %shift_right_logical3A_1031 : i32 to vector<16xi32>
        %shift_right_logical3A_1033 = arith.shrui %xor3A_1026, %shift_right_logical3A_1032 : vector<16xi32>
        %or3A_1034 = arith.ori %shift_left3A_1030, %shift_right_logical3A_1033 : vector<16xi32>
        %xor3A_1035 = arith.xori %add3A_1027, %or3A_1034 : vector<16xi32>
        %add3A_1036 = arith.addi %add3A_1027, %xor3A_1035 : vector<16xi32>
        %shift_left3A_1037 = arith.constant 26 : i32
        %shift_left3A_1038 = vector.broadcast %shift_left3A_1037 : i32 to vector<16xi32>
        %shift_left3A_1039 = arith.shli %xor3A_1035, %shift_left3A_1038 : vector<16xi32>
        %shift_right_logical3A_1040 = arith.constant 6 : i32
        %shift_right_logical3A_1041 = vector.broadcast %shift_right_logical3A_1040 : i32 to vector<16xi32>
        %shift_right_logical3A_1042 = arith.shrui %xor3A_1035, %shift_right_logical3A_1041 : vector<16xi32>
        %or3A_1043 = arith.ori %shift_left3A_1039, %shift_right_logical3A_1042 : vector<16xi32>
        %xor3A_1044 = arith.xori %add3A_1036, %or3A_1043 : vector<16xi32>
        %add3A_1045 = arith.addi %add3A_1036, %xor3A_1044 : vector<16xi32>
        %shift_left3A_1046 = arith.constant 6 : i32
        %shift_left3A_1047 = vector.broadcast %shift_left3A_1046 : i32 to vector<16xi32>
        %shift_left3A_1048 = arith.shli %xor3A_1044, %shift_left3A_1047 : vector<16xi32>
        %shift_right_logical3A_1049 = arith.constant 26 : i32
        %shift_right_logical3A_1050 = vector.broadcast %shift_right_logical3A_1049 : i32 to vector<16xi32>
        %shift_right_logical3A_1051 = arith.shrui %xor3A_1044, %shift_right_logical3A_1050 : vector<16xi32>
        %or3A_1052 = arith.ori %shift_left3A_1048, %shift_right_logical3A_1051 : vector<16xi32>
        %xor3A_1053 = arith.xori %add3A_1045, %or3A_1052 : vector<16xi32>
        %add3A_1054 = arith.constant 928981903 : i32
        %add3A_1055 = vector.broadcast %add3A_1054 : i32 to vector<16xi32>
        %add3A_1056 = arith.addi %add3A_1045, %add3A_1055 : vector<16xi32>
        %add3A_1057 = arith.constant -841280224 : i32
        %add3A_1058 = vector.broadcast %add3A_1057 : i32 to vector<16xi32>
        %add3A_1059 = arith.addi %xor3A_1053, %add3A_1058 : vector<16xi32>
        %add3A_1060 = arith.addi %add3A_1056, %add3A_1059 : vector<16xi32>
        %shift_left3A_1061 = arith.constant 17 : i32
        %shift_left3A_1062 = vector.broadcast %shift_left3A_1061 : i32 to vector<16xi32>
        %shift_left3A_1063 = arith.shli %add3A_1059, %shift_left3A_1062 : vector<16xi32>
        %shift_right_logical3A_1064 = arith.constant 15 : i32
        %shift_right_logical3A_1065 = vector.broadcast %shift_right_logical3A_1064 : i32 to vector<16xi32>
        %shift_right_logical3A_1066 = arith.shrui %add3A_1059, %shift_right_logical3A_1065 : vector<16xi32>
        %or3A_1067 = arith.ori %shift_left3A_1063, %shift_right_logical3A_1066 : vector<16xi32>
        %xor3A_1068 = arith.xori %add3A_1060, %or3A_1067 : vector<16xi32>
        %add3A_1069 = arith.addi %add3A_1060, %xor3A_1068 : vector<16xi32>
        %shift_left3A_1070 = arith.constant 29 : i32
        %shift_left3A_1071 = vector.broadcast %shift_left3A_1070 : i32 to vector<16xi32>
        %shift_left3A_1072 = arith.shli %xor3A_1068, %shift_left3A_1071 : vector<16xi32>
        %shift_right_logical3A_1073 = arith.constant 3 : i32
        %shift_right_logical3A_1074 = vector.broadcast %shift_right_logical3A_1073 : i32 to vector<16xi32>
        %shift_right_logical3A_1075 = arith.shrui %xor3A_1068, %shift_right_logical3A_1074 : vector<16xi32>
        %or3A_1076 = arith.ori %shift_left3A_1072, %shift_right_logical3A_1075 : vector<16xi32>
        %xor3A_1077 = arith.xori %add3A_1069, %or3A_1076 : vector<16xi32>
        %add3A_1078 = arith.addi %add3A_1069, %xor3A_1077 : vector<16xi32>
        %shift_left3A_1079 = arith.constant 16 : i32
        %shift_left3A_1080 = vector.broadcast %shift_left3A_1079 : i32 to vector<16xi32>
        %shift_left3A_1081 = arith.shli %xor3A_1077, %shift_left3A_1080 : vector<16xi32>
        %shift_right_logical3A_1082 = arith.constant 16 : i32
        %shift_right_logical3A_1083 = vector.broadcast %shift_right_logical3A_1082 : i32 to vector<16xi32>
        %shift_right_logical3A_1084 = arith.shrui %xor3A_1077, %shift_right_logical3A_1083 : vector<16xi32>
        %or3A_1085 = arith.ori %shift_left3A_1081, %shift_right_logical3A_1084 : vector<16xi32>
        %xor3A_1086 = arith.xori %add3A_1078, %or3A_1085 : vector<16xi32>
        %add3A_1087 = arith.addi %add3A_1078, %xor3A_1086 : vector<16xi32>
        %shift_left3A_1088 = arith.constant 24 : i32
        %shift_left3A_1089 = vector.broadcast %shift_left3A_1088 : i32 to vector<16xi32>
        %shift_left3A_1090 = arith.shli %xor3A_1086, %shift_left3A_1089 : vector<16xi32>
        %shift_right_logical3A_1091 = arith.constant 8 : i32
        %shift_right_logical3A_1092 = vector.broadcast %shift_right_logical3A_1091 : i32 to vector<16xi32>
        %shift_right_logical3A_1093 = arith.shrui %xor3A_1086, %shift_right_logical3A_1092 : vector<16xi32>
        %or3A_1094 = arith.ori %shift_left3A_1090, %shift_right_logical3A_1093 : vector<16xi32>
        %xor3A_1095 = arith.xori %add3A_1087, %or3A_1094 : vector<16xi32>
        %add3A_1096 = arith.constant -841280227 : i32
        %add3A_1097 = vector.broadcast %add3A_1096 : i32 to vector<16xi32>
        %add3A_1098 = arith.addi %add3A_1087, %add3A_1097 : vector<16xi32>
        %add3A_1099 = arith.constant -514511540 : i32
        %add3A_1100 = vector.broadcast %add3A_1099 : i32 to vector<16xi32>
        %add3A_1101 = arith.addi %xor3A_1095, %add3A_1100 : vector<16xi32>
        %add3A_1102 = arith.addi %add3A_1098, %add3A_1101 : vector<16xi32>
        %shift_left3A_1103 = arith.constant 13 : i32
        %shift_left3A_1104 = vector.broadcast %shift_left3A_1103 : i32 to vector<16xi32>
        %shift_left3A_1105 = arith.shli %add3A_1101, %shift_left3A_1104 : vector<16xi32>
        %shift_right_logical3A_1106 = arith.constant 19 : i32
        %shift_right_logical3A_1107 = vector.broadcast %shift_right_logical3A_1106 : i32 to vector<16xi32>
        %shift_right_logical3A_1108 = arith.shrui %add3A_1101, %shift_right_logical3A_1107 : vector<16xi32>
        %or3A_1109 = arith.ori %shift_left3A_1105, %shift_right_logical3A_1108 : vector<16xi32>
        %xor3A_1110 = arith.xori %add3A_1102, %or3A_1109 : vector<16xi32>
        %add3A_1111 = arith.addi %add3A_1102, %xor3A_1110 : vector<16xi32>
        %shift_left3A_1112 = arith.constant 15 : i32
        %shift_left3A_1113 = vector.broadcast %shift_left3A_1112 : i32 to vector<16xi32>
        %shift_left3A_1114 = arith.shli %xor3A_1110, %shift_left3A_1113 : vector<16xi32>
        %shift_right_logical3A_1115 = arith.constant 17 : i32
        %shift_right_logical3A_1116 = vector.broadcast %shift_right_logical3A_1115 : i32 to vector<16xi32>
        %shift_right_logical3A_1117 = arith.shrui %xor3A_1110, %shift_right_logical3A_1116 : vector<16xi32>
        %or3A_1118 = arith.ori %shift_left3A_1114, %shift_right_logical3A_1117 : vector<16xi32>
        %xor3A_1119 = arith.xori %add3A_1111, %or3A_1118 : vector<16xi32>
        %add3A_1120 = arith.addi %add3A_1111, %xor3A_1119 : vector<16xi32>
        %shift_left3A_1121 = arith.constant 26 : i32
        %shift_left3A_1122 = vector.broadcast %shift_left3A_1121 : i32 to vector<16xi32>
        %shift_left3A_1123 = arith.shli %xor3A_1119, %shift_left3A_1122 : vector<16xi32>
        %shift_right_logical3A_1124 = arith.constant 6 : i32
        %shift_right_logical3A_1125 = vector.broadcast %shift_right_logical3A_1124 : i32 to vector<16xi32>
        %shift_right_logical3A_1126 = arith.shrui %xor3A_1119, %shift_right_logical3A_1125 : vector<16xi32>
        %or3A_1127 = arith.ori %shift_left3A_1123, %shift_right_logical3A_1126 : vector<16xi32>
        %xor3A_1128 = arith.xori %add3A_1120, %or3A_1127 : vector<16xi32>
        %add3A_1129 = arith.addi %add3A_1120, %xor3A_1128 : vector<16xi32>
        %shift_left3A_1130 = arith.constant 6 : i32
        %shift_left3A_1131 = vector.broadcast %shift_left3A_1130 : i32 to vector<16xi32>
        %shift_left3A_1132 = arith.shli %xor3A_1128, %shift_left3A_1131 : vector<16xi32>
        %shift_right_logical3A_1133 = arith.constant 26 : i32
        %shift_right_logical3A_1134 = vector.broadcast %shift_right_logical3A_1133 : i32 to vector<16xi32>
        %shift_right_logical3A_1135 = arith.shrui %xor3A_1128, %shift_right_logical3A_1134 : vector<16xi32>
        %or3A_1136 = arith.ori %shift_left3A_1132, %shift_right_logical3A_1135 : vector<16xi32>
        %xor3A_1137 = arith.xori %add3A_1129, %or3A_1136 : vector<16xi32>
        %add3A_1138 = arith.constant -514511544 : i32
        %add3A_1139 = vector.broadcast %add3A_1138 : i32 to vector<16xi32>
        %add3A_1140 = arith.addi %add3A_1129, %add3A_1139 : vector<16xi32>
        %add3A_1141 = arith.constant 928981908 : i32
        %add3A_1142 = vector.broadcast %add3A_1141 : i32 to vector<16xi32>
        %add3A_1143 = arith.addi %xor3A_1137, %add3A_1142 : vector<16xi32>
        %xor3A_1144 = arith.xori %add3A_1140, %add3A_1143 : vector<16xi32>
        %shift_right_logical3A_1145 = arith.constant 9 : i32
        %shift_right_logical3A_1146 = vector.broadcast %shift_right_logical3A_1145 : i32 to vector<16xi32>
        %shift_right_logical3A_1147 = arith.shrui %xor3A_1144, %shift_right_logical3A_1146 : vector<16xi32>
        %or3A_1148 = arith.constant 1065353216 : i32
        %or3A_1149 = vector.broadcast %or3A_1148 : i32 to vector<16xi32>
        %or3A_1150 = arith.ori %shift_right_logical3A_1147, %or3A_1149 : vector<16xi32>
        %bitcast_convert_type3A_1151 = tpu.bitcast %or3A_1150 : vector<16xi32> -> vector<16xf32>
        %sub3A_1152 = arith.constant 1.000000e+00 : f32
        %sub3A_1153 = vector.broadcast %sub3A_1152 : f32 to vector<16xf32>
        %sub3A_1154 = arith.subf %bitcast_convert_type3A_1151, %sub3A_1153 : vector<16xf32>
        %max3A_1155 = arith.constant 9.99999968E-21 : f32
        %max3A_1156 = vector.broadcast %max3A_1155 : f32 to vector<16xf32>
        %max3A_1157 = arith.maximumf %sub3A_1154, %max3A_1156 : vector<16xf32>
        %bitcast_convert_type3A_1158 = tpu.bitcast %max3A_1157 : vector<16xf32> -> vector<16xi32>
        %shift_right_logical3A_1159 = arith.constant 23 : i32
        %shift_right_logical3A_1160 = vector.broadcast %shift_right_logical3A_1159 : i32 to vector<16xi32>
        %shift_right_logical3A_1161 = arith.shrui %bitcast_convert_type3A_1158, %shift_right_logical3A_1160 : vector<16xi32>
        %and3A_1162 = arith.constant 255 : i32
        %and3A_1163 = vector.broadcast %and3A_1162 : i32 to vector<16xi32>
        %and3A_1164 = arith.andi %shift_right_logical3A_1161, %and3A_1163 : vector<16xi32>
        %sub3A_1165 = arith.constant 127 : i32
        %sub3A_1166 = vector.broadcast %sub3A_1165 : i32 to vector<16xi32>
        %sub3A_1167 = arith.subi %and3A_1164, %sub3A_1166 : vector<16xi32>
        %and3A_1168 = arith.constant 8388607 : i32
        %and3A_1169 = vector.broadcast %and3A_1168 : i32 to vector<16xi32>
        %and3A_1170 = arith.andi %bitcast_convert_type3A_1158, %and3A_1169 : vector<16xi32>
        %or3A_1171 = arith.constant 1065353216 : i32
        %or3A_1172 = vector.broadcast %or3A_1171 : i32 to vector<16xi32>
        %or3A_1173 = arith.ori %and3A_1170, %or3A_1172 : vector<16xi32>
        %bitcast_convert_type3A_1174 = tpu.bitcast %or3A_1173 : vector<16xi32> -> vector<16xf32>
        %gt3A_1175 = arith.constant 1.41421354 : f32
        %gt3A_1176 = vector.broadcast %gt3A_1175 : f32 to vector<16xf32>
        %gt3A_1177 = arith.cmpf ogt, %bitcast_convert_type3A_1174, %gt3A_1176 : vector<16xf32>
        %mul3A_1178 = arith.constant 5.000000e-01 : f32
        %mul3A_1179 = vector.broadcast %mul3A_1178 : f32 to vector<16xf32>
        %mul3A_1180 = arith.mulf %bitcast_convert_type3A_1174, %mul3A_1179 : vector<16xf32>
        %select_n3A_1181 = arith.select %gt3A_1177, %mul3A_1180, %bitcast_convert_type3A_1174 : vector<16xi1>, vector<16xf32>
        %jit3A_1182 = arith.constant 1 : i32
        %jit3A_1183 = arith.constant 0 : i32
        %broadcast_in_dim3A_1184 = vector.broadcast %jit3A_1182 : i32 to vector<16xi32>
        %broadcast_in_dim3A_1185 = vector.broadcast %jit3A_1183 : i32 to vector<16xi32>
        %select_n3A_1186 = arith.select %gt3A_1177, %broadcast_in_dim3A_1184, %broadcast_in_dim3A_1185 : vector<16xi1>, vector<16xi32>
        %add3A_1187 = arith.addi %sub3A_1167, %select_n3A_1186 : vector<16xi32>
        %convert_element_type3A_1188 = arith.sitofp %add3A_1187 : vector<16xi32> to vector<16xf32>
        %sub3A_1189 = arith.constant 1.000000e+00 : f32
        %sub3A_1190 = vector.broadcast %sub3A_1189 : f32 to vector<16xf32>
        %sub3A_1191 = arith.subf %select_n3A_1181, %sub3A_1190 : vector<16xf32>
        %add3A_1192 = arith.constant 1.000000e+00 : f32
        %add3A_1193 = vector.broadcast %add3A_1192 : f32 to vector<16xf32>
        %add3A_1194 = arith.addf %select_n3A_1181, %add3A_1193 : vector<16xf32>
        %div3A_1195 = arith.divf %sub3A_1191, %add3A_1194 : vector<16xf32>
        %mul3A_1196 = arith.mulf %div3A_1195, %div3A_1195 : vector<16xf32>
        %mul3A_1197 = arith.constant 0.285714298 : f32
        %mul3A_1198 = vector.broadcast %mul3A_1197 : f32 to vector<16xf32>
        %mul3A_1199 = arith.mulf %mul3A_1196, %mul3A_1198 : vector<16xf32>
        %add3A_1200 = arith.constant 4.000000e-01 : f32
        %add3A_1201 = vector.broadcast %add3A_1200 : f32 to vector<16xf32>
        %add3A_1202 = arith.addf %add3A_1201, %mul3A_1199 : vector<16xf32>
        %mul3A_1203 = arith.mulf %mul3A_1196, %add3A_1202 : vector<16xf32>
        %add3A_1204 = arith.constant 0.666666686 : f32
        %add3A_1205 = vector.broadcast %add3A_1204 : f32 to vector<16xf32>
        %add3A_1206 = arith.addf %add3A_1205, %mul3A_1203 : vector<16xf32>
        %mul3A_1207 = arith.mulf %mul3A_1196, %add3A_1206 : vector<16xf32>
        %add3A_1208 = arith.constant 2.000000e+00 : f32
        %add3A_1209 = vector.broadcast %add3A_1208 : f32 to vector<16xf32>
        %add3A_1210 = arith.addf %add3A_1209, %mul3A_1207 : vector<16xf32>
        %mul3A_1211 = arith.mulf %div3A_1195, %add3A_1210 : vector<16xf32>
        %mul3A_1212 = arith.constant 0.693147182 : f32
        %mul3A_1213 = vector.broadcast %mul3A_1212 : f32 to vector<16xf32>
        %mul3A_1214 = arith.mulf %convert_element_type3A_1188, %mul3A_1213 : vector<16xf32>
        %add3A_1215 = arith.addf %mul3A_1214, %mul3A_1211 : vector<16xf32>
        %neg3A_1216 = arith.constant 0.000000e+00 : f32
        %neg3A_1217 = vector.broadcast %neg3A_1216 : f32 to vector<16xf32>
        %neg3A_1218 = arith.subf %neg3A_1217, %add3A_1215 : vector<16xf32>
        %sub3A_1219 = arith.subf %get3A_625, %get3A_628 : vector<16xf32>
        %exp3A_1220 = math.exp %sub3A_1219 : vector<16xf32>
        %mul3A_1221 = arith.mulf %neg3A_1218, %exp3A_1220 : vector<16xf32>
        %le3A_1222 = arith.cmpf ole, %neg3A_925, %mul3A_1221 : vector<16xf32>
        %jit3A_1223 = arith.constant 1.000000e+00 : f32
        %jit3A_1224 = arith.constant 0.000000e+00 : f32
        %broadcast_in_dim3A_1225 = vector.broadcast %jit3A_1223 : f32 to vector<16xf32>
        %broadcast_in_dim3A_1226 = vector.broadcast %jit3A_1224 : f32 to vector<16xf32>
        %select_n3A_1227 = arith.select %le3A_1222, %broadcast_in_dim3A_1225, %broadcast_in_dim3A_1226 : vector<16xi1>, vector<16xf32>
        %swap3A_1228 = arith.index_cast %add3A_622 : i32 to index
        %swap3A_1229 = tpu.vector_load %arg6[%swap3A_1228] {strides = array<i32>} : memref<4096xf32, #tpu.memory_space<vmem>>, vector<16xf32>,
        %swap3A_1230 = vector.shape_cast %swap3A_1229 : vector<16xf32> to vector<16xf32>
        %swap3A_1231 = vector.shape_cast %select_n3A_1227 : vector<16xf32> to vector<16xf32>
        tpu.vector_store %arg6[%swap3A_1228], %swap3A_1231 {strides = array<i32>} : memref<4096xf32, #tpu.memory_space<vmem>>, vector<16xf32>,
        %add3A_1232 = arith.constant 32 : i32
        %add3A_1233 = arith.addi %mul3A_26, %add3A_1232 : i32
        %get3A_1234 = arith.index_cast %add3A_1233 : i32 to index
        %get3A_1235 = tpu.vector_load %arg4[%get3A_1234] {strides = array<i32>} : memref<4096xf32, #tpu.memory_space<vmem>>, vector<16xf32>,
        %get3A_1236 = vector.shape_cast %get3A_1235 : vector<16xf32> to vector<16xf32>
        %get3A_1237 = arith.index_cast %add3A_1233 : i32 to index
        %get3A_1238 = tpu.vector_load %arg5[%get3A_1237] {strides = array<i32>} : memref<4096xf32, #tpu.memory_space<vmem>>, vector<16xf32>,
        %get3A_1239 = vector.shape_cast %get3A_1238 : vector<16xf32> to vector<16xf32>
        %add3A_1240 = vector.broadcast %add3A_1233 : i32 to vector<16xi32>
        %add3A_1241 = arith.addi %add3A_1240, %iota3A : vector<16xi32>
        %mul3A_1242 = arith.constant 2 : i32
        %mul3A_1243 = vector.broadcast %mul3A_1242 : i32 to vector<16xi32>
        %mul3A_1244 = arith.muli %mul3A_1243, %add3A_1241 : vector<16xi32>
        %add3A_1245 = vector.broadcast %mul3A_28 : i32 to vector<16xi32>
        %add3A_1246 = arith.addi %mul3A_1244, %add3A_1245 : vector<16xi32>
        %broadcast_in_dim3A_1247 = arith.constant 928981903 : i32
        %broadcast_in_dim3A_1248 = vector.broadcast %broadcast_in_dim3A_1247 : i32 to vector<16xi32>
        %add3A_1249 = arith.constant -841280227 : i32
        %add3A_1250 = vector.broadcast %add3A_1249 : i32 to vector<16xi32>
        %add3A_1251 = arith.addi %add3A_1246, %add3A_1250 : vector<16xi32>
        %add3A_1252 = arith.addi %broadcast_in_dim3A_1248, %add3A_1251 : vector<16xi32>
        %shift_left3A_1253 = arith.constant 13 : i32
        %shift_left3A_1254 = vector.broadcast %shift_left3A_1253 : i32 to vector<16xi32>
        %shift_left3A_1255 = arith.shli %add3A_1251, %shift_left3A_1254 : vector<16xi32>
        %shift_right_logical3A_1256 = arith.constant 19 : i32
        %shift_right_logical3A_1257 = vector.broadcast %shift_right_logical3A_1256 : i32 to vector<16xi32>
        %shift_right_logical3A_1258 = arith.shrui %add3A_1251, %shift_right_logical3A_1257 : vector<16xi32>
        %or3A_1259 = arith.ori %shift_left3A_1255, %shift_right_logical3A_1258 : vector<16xi32>
        %xor3A_1260 = arith.xori %add3A_1252, %or3A_1259 : vector<16xi32>
        %add3A_1261 = arith.addi %add3A_1252, %xor3A_1260 : vector<16xi32>
        %shift_left3A_1262 = arith.constant 15 : i32
        %shift_left3A_1263 = vector.broadcast %shift_left3A_1262 : i32 to vector<16xi32>
        %shift_left3A_1264 = arith.shli %xor3A_1260, %shift_left3A_1263 : vector<16xi32>
        %shift_right_logical3A_1265 = arith.constant 17 : i32
        %shift_right_logical3A_1266 = vector.broadcast %shift_right_logical3A_1265 : i32 to vector<16xi32>
        %shift_right_logical3A_1267 = arith.shrui %xor3A_1260, %shift_right_logical3A_1266 : vector<16xi32>
        %or3A_1268 = arith.ori %shift_left3A_1264, %shift_right_logical3A_1267 : vector<16xi32>
        %xor3A_1269 = arith.xori %add3A_1261, %or3A_1268 : vector<16xi32>
        %add3A_1270 = arith.addi %add3A_1261, %xor3A_1269 : vector<16xi32>
        %shift_left3A_1271 = arith.constant 26 : i32
        %shift_left3A_1272 = vector.broadcast %shift_left3A_1271 : i32 to vector<16xi32>
        %shift_left3A_1273 = arith.shli %xor3A_1269, %shift_left3A_1272 : vector<16xi32>
        %shift_right_logical3A_1274 = arith.constant 6 : i32
        %shift_right_logical3A_1275 = vector.broadcast %shift_right_logical3A_1274 : i32 to vector<16xi32>
        %shift_right_logical3A_1276 = arith.shrui %xor3A_1269, %shift_right_logical3A_1275 : vector<16xi32>
        %or3A_1277 = arith.ori %shift_left3A_1273, %shift_right_logical3A_1276 : vector<16xi32>
        %xor3A_1278 = arith.xori %add3A_1270, %or3A_1277 : vector<16xi32>
        %add3A_1279 = arith.addi %add3A_1270, %xor3A_1278 : vector<16xi32>
        %shift_left3A_1280 = arith.constant 6 : i32
        %shift_left3A_1281 = vector.broadcast %shift_left3A_1280 : i32 to vector<16xi32>
        %shift_left3A_1282 = arith.shli %xor3A_1278, %shift_left3A_1281 : vector<16xi32>
        %shift_right_logical3A_1283 = arith.constant 26 : i32
        %shift_right_logical3A_1284 = vector.broadcast %shift_right_logical3A_1283 : i32 to vector<16xi32>
        %shift_right_logical3A_1285 = arith.shrui %xor3A_1278, %shift_right_logical3A_1284 : vector<16xi32>
        %or3A_1286 = arith.ori %shift_left3A_1282, %shift_right_logical3A_1285 : vector<16xi32>
        %xor3A_1287 = arith.xori %add3A_1279, %or3A_1286 : vector<16xi32>
        %add3A_1288 = arith.constant -841280227 : i32
        %add3A_1289 = vector.broadcast %add3A_1288 : i32 to vector<16xi32>
        %add3A_1290 = arith.addi %add3A_1279, %add3A_1289 : vector<16xi32>
        %add3A_1291 = arith.constant -514511543 : i32
        %add3A_1292 = vector.broadcast %add3A_1291 : i32 to vector<16xi32>
        %add3A_1293 = arith.addi %xor3A_1287, %add3A_1292 : vector<16xi32>
        %add3A_1294 = arith.addi %add3A_1290, %add3A_1293 : vector<16xi32>
        %shift_left3A_1295 = arith.constant 17 : i32
        %shift_left3A_1296 = vector.broadcast %shift_left3A_1295 : i32 to vector<16xi32>
        %shift_left3A_1297 = arith.shli %add3A_1293, %shift_left3A_1296 : vector<16xi32>
        %shift_right_logical3A_1298 = arith.constant 15 : i32
        %shift_right_logical3A_1299 = vector.broadcast %shift_right_logical3A_1298 : i32 to vector<16xi32>
        %shift_right_logical3A_1300 = arith.shrui %add3A_1293, %shift_right_logical3A_1299 : vector<16xi32>
        %or3A_1301 = arith.ori %shift_left3A_1297, %shift_right_logical3A_1300 : vector<16xi32>
        %xor3A_1302 = arith.xori %add3A_1294, %or3A_1301 : vector<16xi32>
        %add3A_1303 = arith.addi %add3A_1294, %xor3A_1302 : vector<16xi32>
        %shift_left3A_1304 = arith.constant 29 : i32
        %shift_left3A_1305 = vector.broadcast %shift_left3A_1304 : i32 to vector<16xi32>
        %shift_left3A_1306 = arith.shli %xor3A_1302, %shift_left3A_1305 : vector<16xi32>
        %shift_right_logical3A_1307 = arith.constant 3 : i32
        %shift_right_logical3A_1308 = vector.broadcast %shift_right_logical3A_1307 : i32 to vector<16xi32>
        %shift_right_logical3A_1309 = arith.shrui %xor3A_1302, %shift_right_logical3A_1308 : vector<16xi32>
        %or3A_1310 = arith.ori %shift_left3A_1306, %shift_right_logical3A_1309 : vector<16xi32>
        %xor3A_1311 = arith.xori %add3A_1303, %or3A_1310 : vector<16xi32>
        %add3A_1312 = arith.addi %add3A_1303, %xor3A_1311 : vector<16xi32>
        %shift_left3A_1313 = arith.constant 16 : i32
        %shift_left3A_1314 = vector.broadcast %shift_left3A_1313 : i32 to vector<16xi32>
        %shift_left3A_1315 = arith.shli %xor3A_1311, %shift_left3A_1314 : vector<16xi32>
        %shift_right_logical3A_1316 = arith.constant 16 : i32
        %shift_right_logical3A_1317 = vector.broadcast %shift_right_logical3A_1316 : i32 to vector<16xi32>
        %shift_right_logical3A_1318 = arith.shrui %xor3A_1311, %shift_right_logical3A_1317 : vector<16xi32>
        %or3A_1319 = arith.ori %shift_left3A_1315, %shift_right_logical3A_1318 : vector<16xi32>
        %xor3A_1320 = arith.xori %add3A_1312, %or3A_1319 : vector<16xi32>
        %add3A_1321 = arith.addi %add3A_1312, %xor3A_1320 : vector<16xi32>
        %shift_left3A_1322 = arith.constant 24 : i32
        %shift_left3A_1323 = vector.broadcast %shift_left3A_1322 : i32 to vector<16xi32>
        %shift_left3A_1324 = arith.shli %xor3A_1320, %shift_left3A_1323 : vector<16xi32>
        %shift_right_logical3A_1325 = arith.constant 8 : i32
        %shift_right_logical3A_1326 = vector.broadcast %shift_right_logical3A_1325 : i32 to vector<16xi32>
        %shift_right_logical3A_1327 = arith.shrui %xor3A_1320, %shift_right_logical3A_1326 : vector<16xi32>
        %or3A_1328 = arith.ori %shift_left3A_1324, %shift_right_logical3A_1327 : vector<16xi32>
        %xor3A_1329 = arith.xori %add3A_1321, %or3A_1328 : vector<16xi32>
        %add3A_1330 = arith.constant -514511544 : i32
        %add3A_1331 = vector.broadcast %add3A_1330 : i32 to vector<16xi32>
        %add3A_1332 = arith.addi %add3A_1321, %add3A_1331 : vector<16xi32>
        %add3A_1333 = arith.constant 928981905 : i32
        %add3A_1334 = vector.broadcast %add3A_1333 : i32 to vector<16xi32>
        %add3A_1335 = arith.addi %xor3A_1329, %add3A_1334 : vector<16xi32>
        %add3A_1336 = arith.addi %add3A_1332, %add3A_1335 : vector<16xi32>
        %shift_left3A_1337 = arith.constant 13 : i32
        %shift_left3A_1338 = vector.broadcast %shift_left3A_1337 : i32 to vector<16xi32>
        %shift_left3A_1339 = arith.shli %add3A_1335, %shift_left3A_1338 : vector<16xi32>
        %shift_right_logical3A_1340 = arith.constant 19 : i32
        %shift_right_logical3A_1341 = vector.broadcast %shift_right_logical3A_1340 : i32 to vector<16xi32>
        %shift_right_logical3A_1342 = arith.shrui %add3A_1335, %shift_right_logical3A_1341 : vector<16xi32>
        %or3A_1343 = arith.ori %shift_left3A_1339, %shift_right_logical3A_1342 : vector<16xi32>
        %xor3A_1344 = arith.xori %add3A_1336, %or3A_1343 : vector<16xi32>
        %add3A_1345 = arith.addi %add3A_1336, %xor3A_1344 : vector<16xi32>
        %shift_left3A_1346 = arith.constant 15 : i32
        %shift_left3A_1347 = vector.broadcast %shift_left3A_1346 : i32 to vector<16xi32>
        %shift_left3A_1348 = arith.shli %xor3A_1344, %shift_left3A_1347 : vector<16xi32>
        %shift_right_logical3A_1349 = arith.constant 17 : i32
        %shift_right_logical3A_1350 = vector.broadcast %shift_right_logical3A_1349 : i32 to vector<16xi32>
        %shift_right_logical3A_1351 = arith.shrui %xor3A_1344, %shift_right_logical3A_1350 : vector<16xi32>
        %or3A_1352 = arith.ori %shift_left3A_1348, %shift_right_logical3A_1351 : vector<16xi32>
        %xor3A_1353 = arith.xori %add3A_1345, %or3A_1352 : vector<16xi32>
        %add3A_1354 = arith.addi %add3A_1345, %xor3A_1353 : vector<16xi32>
        %shift_left3A_1355 = arith.constant 26 : i32
        %shift_left3A_1356 = vector.broadcast %shift_left3A_1355 : i32 to vector<16xi32>
        %shift_left3A_1357 = arith.shli %xor3A_1353, %shift_left3A_1356 : vector<16xi32>
        %shift_right_logical3A_1358 = arith.constant 6 : i32
        %shift_right_logical3A_1359 = vector.broadcast %shift_right_logical3A_1358 : i32 to vector<16xi32>
        %shift_right_logical3A_1360 = arith.shrui %xor3A_1353, %shift_right_logical3A_1359 : vector<16xi32>
        %or3A_1361 = arith.ori %shift_left3A_1357, %shift_right_logical3A_1360 : vector<16xi32>
        %xor3A_1362 = arith.xori %add3A_1354, %or3A_1361 : vector<16xi32>
        %add3A_1363 = arith.addi %add3A_1354, %xor3A_1362 : vector<16xi32>
        %shift_left3A_1364 = arith.constant 6 : i32
        %shift_left3A_1365 = vector.broadcast %shift_left3A_1364 : i32 to vector<16xi32>
        %shift_left3A_1366 = arith.shli %xor3A_1362, %shift_left3A_1365 : vector<16xi32>
        %shift_right_logical3A_1367 = arith.constant 26 : i32
        %shift_right_logical3A_1368 = vector.broadcast %shift_right_logical3A_1367 : i32 to vector<16xi32>
        %shift_right_logical3A_1369 = arith.shrui %xor3A_1362, %shift_right_logical3A_1368 : vector<16xi32>
        %or3A_1370 = arith.ori %shift_left3A_1366, %shift_right_logical3A_1369 : vector<16xi32>
        %xor3A_1371 = arith.xori %add3A_1363, %or3A_1370 : vector<16xi32>
        %add3A_1372 = arith.constant 928981903 : i32
        %add3A_1373 = vector.broadcast %add3A_1372 : i32 to vector<16xi32>
        %add3A_1374 = arith.addi %add3A_1363, %add3A_1373 : vector<16xi32>
        %add3A_1375 = arith.constant -841280224 : i32
        %add3A_1376 = vector.broadcast %add3A_1375 : i32 to vector<16xi32>
        %add3A_1377 = arith.addi %xor3A_1371, %add3A_1376 : vector<16xi32>
        %add3A_1378 = arith.addi %add3A_1374, %add3A_1377 : vector<16xi32>
        %shift_left3A_1379 = arith.constant 17 : i32
        %shift_left3A_1380 = vector.broadcast %shift_left3A_1379 : i32 to vector<16xi32>
        %shift_left3A_1381 = arith.shli %add3A_1377, %shift_left3A_1380 : vector<16xi32>
        %shift_right_logical3A_1382 = arith.constant 15 : i32
        %shift_right_logical3A_1383 = vector.broadcast %shift_right_logical3A_1382 : i32 to vector<16xi32>
        %shift_right_logical3A_1384 = arith.shrui %add3A_1377, %shift_right_logical3A_1383 : vector<16xi32>
        %or3A_1385 = arith.ori %shift_left3A_1381, %shift_right_logical3A_1384 : vector<16xi32>
        %xor3A_1386 = arith.xori %add3A_1378, %or3A_1385 : vector<16xi32>
        %add3A_1387 = arith.addi %add3A_1378, %xor3A_1386 : vector<16xi32>
        %shift_left3A_1388 = arith.constant 29 : i32
        %shift_left3A_1389 = vector.broadcast %shift_left3A_1388 : i32 to vector<16xi32>
        %shift_left3A_1390 = arith.shli %xor3A_1386, %shift_left3A_1389 : vector<16xi32>
        %shift_right_logical3A_1391 = arith.constant 3 : i32
        %shift_right_logical3A_1392 = vector.broadcast %shift_right_logical3A_1391 : i32 to vector<16xi32>
        %shift_right_logical3A_1393 = arith.shrui %xor3A_1386, %shift_right_logical3A_1392 : vector<16xi32>
        %or3A_1394 = arith.ori %shift_left3A_1390, %shift_right_logical3A_1393 : vector<16xi32>
        %xor3A_1395 = arith.xori %add3A_1387, %or3A_1394 : vector<16xi32>
        %add3A_1396 = arith.addi %add3A_1387, %xor3A_1395 : vector<16xi32>
        %shift_left3A_1397 = arith.constant 16 : i32
        %shift_left3A_1398 = vector.broadcast %shift_left3A_1397 : i32 to vector<16xi32>
        %shift_left3A_1399 = arith.shli %xor3A_1395, %shift_left3A_1398 : vector<16xi32>
        %shift_right_logical3A_1400 = arith.constant 16 : i32
        %shift_right_logical3A_1401 = vector.broadcast %shift_right_logical3A_1400 : i32 to vector<16xi32>
        %shift_right_logical3A_1402 = arith.shrui %xor3A_1395, %shift_right_logical3A_1401 : vector<16xi32>
        %or3A_1403 = arith.ori %shift_left3A_1399, %shift_right_logical3A_1402 : vector<16xi32>
        %xor3A_1404 = arith.xori %add3A_1396, %or3A_1403 : vector<16xi32>
        %add3A_1405 = arith.addi %add3A_1396, %xor3A_1404 : vector<16xi32>
        %shift_left3A_1406 = arith.constant 24 : i32
        %shift_left3A_1407 = vector.broadcast %shift_left3A_1406 : i32 to vector<16xi32>
        %shift_left3A_1408 = arith.shli %xor3A_1404, %shift_left3A_1407 : vector<16xi32>
        %shift_right_logical3A_1409 = arith.constant 8 : i32
        %shift_right_logical3A_1410 = vector.broadcast %shift_right_logical3A_1409 : i32 to vector<16xi32>
        %shift_right_logical3A_1411 = arith.shrui %xor3A_1404, %shift_right_logical3A_1410 : vector<16xi32>
        %or3A_1412 = arith.ori %shift_left3A_1408, %shift_right_logical3A_1411 : vector<16xi32>
        %xor3A_1413 = arith.xori %add3A_1405, %or3A_1412 : vector<16xi32>
        %add3A_1414 = arith.constant -841280227 : i32
        %add3A_1415 = vector.broadcast %add3A_1414 : i32 to vector<16xi32>
        %add3A_1416 = arith.addi %add3A_1405, %add3A_1415 : vector<16xi32>
        %add3A_1417 = arith.constant -514511540 : i32
        %add3A_1418 = vector.broadcast %add3A_1417 : i32 to vector<16xi32>
        %add3A_1419 = arith.addi %xor3A_1413, %add3A_1418 : vector<16xi32>
        %add3A_1420 = arith.addi %add3A_1416, %add3A_1419 : vector<16xi32>
        %shift_left3A_1421 = arith.constant 13 : i32
        %shift_left3A_1422 = vector.broadcast %shift_left3A_1421 : i32 to vector<16xi32>
        %shift_left3A_1423 = arith.shli %add3A_1419, %shift_left3A_1422 : vector<16xi32>
        %shift_right_logical3A_1424 = arith.constant 19 : i32
        %shift_right_logical3A_1425 = vector.broadcast %shift_right_logical3A_1424 : i32 to vector<16xi32>
        %shift_right_logical3A_1426 = arith.shrui %add3A_1419, %shift_right_logical3A_1425 : vector<16xi32>
        %or3A_1427 = arith.ori %shift_left3A_1423, %shift_right_logical3A_1426 : vector<16xi32>
        %xor3A_1428 = arith.xori %add3A_1420, %or3A_1427 : vector<16xi32>
        %add3A_1429 = arith.addi %add3A_1420, %xor3A_1428 : vector<16xi32>
        %shift_left3A_1430 = arith.constant 15 : i32
        %shift_left3A_1431 = vector.broadcast %shift_left3A_1430 : i32 to vector<16xi32>
        %shift_left3A_1432 = arith.shli %xor3A_1428, %shift_left3A_1431 : vector<16xi32>
        %shift_right_logical3A_1433 = arith.constant 17 : i32
        %shift_right_logical3A_1434 = vector.broadcast %shift_right_logical3A_1433 : i32 to vector<16xi32>
        %shift_right_logical3A_1435 = arith.shrui %xor3A_1428, %shift_right_logical3A_1434 : vector<16xi32>
        %or3A_1436 = arith.ori %shift_left3A_1432, %shift_right_logical3A_1435 : vector<16xi32>
        %xor3A_1437 = arith.xori %add3A_1429, %or3A_1436 : vector<16xi32>
        %add3A_1438 = arith.addi %add3A_1429, %xor3A_1437 : vector<16xi32>
        %shift_left3A_1439 = arith.constant 26 : i32
        %shift_left3A_1440 = vector.broadcast %shift_left3A_1439 : i32 to vector<16xi32>
        %shift_left3A_1441 = arith.shli %xor3A_1437, %shift_left3A_1440 : vector<16xi32>
        %shift_right_logical3A_1442 = arith.constant 6 : i32
        %shift_right_logical3A_1443 = vector.broadcast %shift_right_logical3A_1442 : i32 to vector<16xi32>
        %shift_right_logical3A_1444 = arith.shrui %xor3A_1437, %shift_right_logical3A_1443 : vector<16xi32>
        %or3A_1445 = arith.ori %shift_left3A_1441, %shift_right_logical3A_1444 : vector<16xi32>
        %xor3A_1446 = arith.xori %add3A_1438, %or3A_1445 : vector<16xi32>
        %add3A_1447 = arith.addi %add3A_1438, %xor3A_1446 : vector<16xi32>
        %shift_left3A_1448 = arith.constant 6 : i32
        %shift_left3A_1449 = vector.broadcast %shift_left3A_1448 : i32 to vector<16xi32>
        %shift_left3A_1450 = arith.shli %xor3A_1446, %shift_left3A_1449 : vector<16xi32>
        %shift_right_logical3A_1451 = arith.constant 26 : i32
        %shift_right_logical3A_1452 = vector.broadcast %shift_right_logical3A_1451 : i32 to vector<16xi32>
        %shift_right_logical3A_1453 = arith.shrui %xor3A_1446, %shift_right_logical3A_1452 : vector<16xi32>
        %or3A_1454 = arith.ori %shift_left3A_1450, %shift_right_logical3A_1453 : vector<16xi32>
        %xor3A_1455 = arith.xori %add3A_1447, %or3A_1454 : vector<16xi32>
        %add3A_1456 = arith.constant -514511544 : i32
        %add3A_1457 = vector.broadcast %add3A_1456 : i32 to vector<16xi32>
        %add3A_1458 = arith.addi %add3A_1447, %add3A_1457 : vector<16xi32>
        %add3A_1459 = arith.constant 928981908 : i32
        %add3A_1460 = vector.broadcast %add3A_1459 : i32 to vector<16xi32>
        %add3A_1461 = arith.addi %xor3A_1455, %add3A_1460 : vector<16xi32>
        %xor3A_1462 = arith.xori %add3A_1458, %add3A_1461 : vector<16xi32>
        %shift_right_logical3A_1463 = arith.constant 9 : i32
        %shift_right_logical3A_1464 = vector.broadcast %shift_right_logical3A_1463 : i32 to vector<16xi32>
        %shift_right_logical3A_1465 = arith.shrui %xor3A_1462, %shift_right_logical3A_1464 : vector<16xi32>
        %or3A_1466 = arith.constant 1065353216 : i32
        %or3A_1467 = vector.broadcast %or3A_1466 : i32 to vector<16xi32>
        %or3A_1468 = arith.ori %shift_right_logical3A_1465, %or3A_1467 : vector<16xi32>
        %bitcast_convert_type3A_1469 = tpu.bitcast %or3A_1468 : vector<16xi32> -> vector<16xf32>
        %sub3A_1470 = arith.constant 1.000000e+00 : f32
        %sub3A_1471 = vector.broadcast %sub3A_1470 : f32 to vector<16xf32>
        %sub3A_1472 = arith.subf %bitcast_convert_type3A_1469, %sub3A_1471 : vector<16xf32>
        %max3A_1473 = arith.constant 9.99999968E-21 : f32
        %max3A_1474 = vector.broadcast %max3A_1473 : f32 to vector<16xf32>
        %max3A_1475 = arith.maximumf %sub3A_1472, %max3A_1474 : vector<16xf32>
        %bitcast_convert_type3A_1476 = tpu.bitcast %max3A_1475 : vector<16xf32> -> vector<16xi32>
        %shift_right_logical3A_1477 = arith.constant 23 : i32
        %shift_right_logical3A_1478 = vector.broadcast %shift_right_logical3A_1477 : i32 to vector<16xi32>
        %shift_right_logical3A_1479 = arith.shrui %bitcast_convert_type3A_1476, %shift_right_logical3A_1478 : vector<16xi32>
        %and3A_1480 = arith.constant 255 : i32
        %and3A_1481 = vector.broadcast %and3A_1480 : i32 to vector<16xi32>
        %and3A_1482 = arith.andi %shift_right_logical3A_1479, %and3A_1481 : vector<16xi32>
        %sub3A_1483 = arith.constant 127 : i32
        %sub3A_1484 = vector.broadcast %sub3A_1483 : i32 to vector<16xi32>
        %sub3A_1485 = arith.subi %and3A_1482, %sub3A_1484 : vector<16xi32>
        %and3A_1486 = arith.constant 8388607 : i32
        %and3A_1487 = vector.broadcast %and3A_1486 : i32 to vector<16xi32>
        %and3A_1488 = arith.andi %bitcast_convert_type3A_1476, %and3A_1487 : vector<16xi32>
        %or3A_1489 = arith.constant 1065353216 : i32
        %or3A_1490 = vector.broadcast %or3A_1489 : i32 to vector<16xi32>
        %or3A_1491 = arith.ori %and3A_1488, %or3A_1490 : vector<16xi32>
        %bitcast_convert_type3A_1492 = tpu.bitcast %or3A_1491 : vector<16xi32> -> vector<16xf32>
        %gt3A_1493 = arith.constant 1.41421354 : f32
        %gt3A_1494 = vector.broadcast %gt3A_1493 : f32 to vector<16xf32>
        %gt3A_1495 = arith.cmpf ogt, %bitcast_convert_type3A_1492, %gt3A_1494 : vector<16xf32>
        %mul3A_1496 = arith.constant 5.000000e-01 : f32
        %mul3A_1497 = vector.broadcast %mul3A_1496 : f32 to vector<16xf32>
        %mul3A_1498 = arith.mulf %bitcast_convert_type3A_1492, %mul3A_1497 : vector<16xf32>
        %select_n3A_1499 = arith.select %gt3A_1495, %mul3A_1498, %bitcast_convert_type3A_1492 : vector<16xi1>, vector<16xf32>
        %jit3A_1500 = arith.constant 1 : i32
        %jit3A_1501 = arith.constant 0 : i32
        %broadcast_in_dim3A_1502 = vector.broadcast %jit3A_1500 : i32 to vector<16xi32>
        %broadcast_in_dim3A_1503 = vector.broadcast %jit3A_1501 : i32 to vector<16xi32>
        %select_n3A_1504 = arith.select %gt3A_1495, %broadcast_in_dim3A_1502, %broadcast_in_dim3A_1503 : vector<16xi1>, vector<16xi32>
        %add3A_1505 = arith.addi %sub3A_1485, %select_n3A_1504 : vector<16xi32>
        %convert_element_type3A_1506 = arith.sitofp %add3A_1505 : vector<16xi32> to vector<16xf32>
        %sub3A_1507 = arith.constant 1.000000e+00 : f32
        %sub3A_1508 = vector.broadcast %sub3A_1507 : f32 to vector<16xf32>
        %sub3A_1509 = arith.subf %select_n3A_1499, %sub3A_1508 : vector<16xf32>
        %add3A_1510 = arith.constant 1.000000e+00 : f32
        %add3A_1511 = vector.broadcast %add3A_1510 : f32 to vector<16xf32>
        %add3A_1512 = arith.addf %select_n3A_1499, %add3A_1511 : vector<16xf32>
        %div3A_1513 = arith.divf %sub3A_1509, %add3A_1512 : vector<16xf32>
        %mul3A_1514 = arith.mulf %div3A_1513, %div3A_1513 : vector<16xf32>
        %mul3A_1515 = arith.constant 0.285714298 : f32
        %mul3A_1516 = vector.broadcast %mul3A_1515 : f32 to vector<16xf32>
        %mul3A_1517 = arith.mulf %mul3A_1514, %mul3A_1516 : vector<16xf32>
        %add3A_1518 = arith.constant 4.000000e-01 : f32
        %add3A_1519 = vector.broadcast %add3A_1518 : f32 to vector<16xf32>
        %add3A_1520 = arith.addf %add3A_1519, %mul3A_1517 : vector<16xf32>
        %mul3A_1521 = arith.mulf %mul3A_1514, %add3A_1520 : vector<16xf32>
        %add3A_1522 = arith.constant 0.666666686 : f32
        %add3A_1523 = vector.broadcast %add3A_1522 : f32 to vector<16xf32>
        %add3A_1524 = arith.addf %add3A_1523, %mul3A_1521 : vector<16xf32>
        %mul3A_1525 = arith.mulf %mul3A_1514, %add3A_1524 : vector<16xf32>
        %add3A_1526 = arith.constant 2.000000e+00 : f32
        %add3A_1527 = vector.broadcast %add3A_1526 : f32 to vector<16xf32>
        %add3A_1528 = arith.addf %add3A_1527, %mul3A_1525 : vector<16xf32>
        %mul3A_1529 = arith.mulf %div3A_1513, %add3A_1528 : vector<16xf32>
        %mul3A_1530 = arith.constant 0.693147182 : f32
        %mul3A_1531 = vector.broadcast %mul3A_1530 : f32 to vector<16xf32>
        %mul3A_1532 = arith.mulf %convert_element_type3A_1506, %mul3A_1531 : vector<16xf32>
        %add3A_1533 = arith.addf %mul3A_1532, %mul3A_1529 : vector<16xf32>
        %neg3A_1534 = arith.constant 0.000000e+00 : f32
        %neg3A_1535 = vector.broadcast %neg3A_1534 : f32 to vector<16xf32>
        %neg3A_1536 = arith.subf %neg3A_1535, %add3A_1533 : vector<16xf32>
        %add3A_1537 = arith.constant 1 : i32
        %add3A_1538 = vector.broadcast %add3A_1537 : i32 to vector<16xi32>
        %add3A_1539 = arith.addi %add3A_1246, %add3A_1538 : vector<16xi32>
        %broadcast_in_dim3A_1540 = arith.constant 928981903 : i32
        %broadcast_in_dim3A_1541 = vector.broadcast %broadcast_in_dim3A_1540 : i32 to vector<16xi32>
        %add3A_1542 = arith.constant -841280227 : i32
        %add3A_1543 = vector.broadcast %add3A_1542 : i32 to vector<16xi32>
        %add3A_1544 = arith.addi %add3A_1539, %add3A_1543 : vector<16xi32>
        %add3A_1545 = arith.addi %broadcast_in_dim3A_1541, %add3A_1544 : vector<16xi32>
        %shift_left3A_1546 = arith.constant 13 : i32
        %shift_left3A_1547 = vector.broadcast %shift_left3A_1546 : i32 to vector<16xi32>
        %shift_left3A_1548 = arith.shli %add3A_1544, %shift_left3A_1547 : vector<16xi32>
        %shift_right_logical3A_1549 = arith.constant 19 : i32
        %shift_right_logical3A_1550 = vector.broadcast %shift_right_logical3A_1549 : i32 to vector<16xi32>
        %shift_right_logical3A_1551 = arith.shrui %add3A_1544, %shift_right_logical3A_1550 : vector<16xi32>
        %or3A_1552 = arith.ori %shift_left3A_1548, %shift_right_logical3A_1551 : vector<16xi32>
        %xor3A_1553 = arith.xori %add3A_1545, %or3A_1552 : vector<16xi32>
        %add3A_1554 = arith.addi %add3A_1545, %xor3A_1553 : vector<16xi32>
        %shift_left3A_1555 = arith.constant 15 : i32
        %shift_left3A_1556 = vector.broadcast %shift_left3A_1555 : i32 to vector<16xi32>
        %shift_left3A_1557 = arith.shli %xor3A_1553, %shift_left3A_1556 : vector<16xi32>
        %shift_right_logical3A_1558 = arith.constant 17 : i32
        %shift_right_logical3A_1559 = vector.broadcast %shift_right_logical3A_1558 : i32 to vector<16xi32>
        %shift_right_logical3A_1560 = arith.shrui %xor3A_1553, %shift_right_logical3A_1559 : vector<16xi32>
        %or3A_1561 = arith.ori %shift_left3A_1557, %shift_right_logical3A_1560 : vector<16xi32>
        %xor3A_1562 = arith.xori %add3A_1554, %or3A_1561 : vector<16xi32>
        %add3A_1563 = arith.addi %add3A_1554, %xor3A_1562 : vector<16xi32>
        %shift_left3A_1564 = arith.constant 26 : i32
        %shift_left3A_1565 = vector.broadcast %shift_left3A_1564 : i32 to vector<16xi32>
        %shift_left3A_1566 = arith.shli %xor3A_1562, %shift_left3A_1565 : vector<16xi32>
        %shift_right_logical3A_1567 = arith.constant 6 : i32
        %shift_right_logical3A_1568 = vector.broadcast %shift_right_logical3A_1567 : i32 to vector<16xi32>
        %shift_right_logical3A_1569 = arith.shrui %xor3A_1562, %shift_right_logical3A_1568 : vector<16xi32>
        %or3A_1570 = arith.ori %shift_left3A_1566, %shift_right_logical3A_1569 : vector<16xi32>
        %xor3A_1571 = arith.xori %add3A_1563, %or3A_1570 : vector<16xi32>
        %add3A_1572 = arith.addi %add3A_1563, %xor3A_1571 : vector<16xi32>
        %shift_left3A_1573 = arith.constant 6 : i32
        %shift_left3A_1574 = vector.broadcast %shift_left3A_1573 : i32 to vector<16xi32>
        %shift_left3A_1575 = arith.shli %xor3A_1571, %shift_left3A_1574 : vector<16xi32>
        %shift_right_logical3A_1576 = arith.constant 26 : i32
        %shift_right_logical3A_1577 = vector.broadcast %shift_right_logical3A_1576 : i32 to vector<16xi32>
        %shift_right_logical3A_1578 = arith.shrui %xor3A_1571, %shift_right_logical3A_1577 : vector<16xi32>
        %or3A_1579 = arith.ori %shift_left3A_1575, %shift_right_logical3A_1578 : vector<16xi32>
        %xor3A_1580 = arith.xori %add3A_1572, %or3A_1579 : vector<16xi32>
        %add3A_1581 = arith.constant -841280227 : i32
        %add3A_1582 = vector.broadcast %add3A_1581 : i32 to vector<16xi32>
        %add3A_1583 = arith.addi %add3A_1572, %add3A_1582 : vector<16xi32>
        %add3A_1584 = arith.constant -514511543 : i32
        %add3A_1585 = vector.broadcast %add3A_1584 : i32 to vector<16xi32>
        %add3A_1586 = arith.addi %xor3A_1580, %add3A_1585 : vector<16xi32>
        %add3A_1587 = arith.addi %add3A_1583, %add3A_1586 : vector<16xi32>
        %shift_left3A_1588 = arith.constant 17 : i32
        %shift_left3A_1589 = vector.broadcast %shift_left3A_1588 : i32 to vector<16xi32>
        %shift_left3A_1590 = arith.shli %add3A_1586, %shift_left3A_1589 : vector<16xi32>
        %shift_right_logical3A_1591 = arith.constant 15 : i32
        %shift_right_logical3A_1592 = vector.broadcast %shift_right_logical3A_1591 : i32 to vector<16xi32>
        %shift_right_logical3A_1593 = arith.shrui %add3A_1586, %shift_right_logical3A_1592 : vector<16xi32>
        %or3A_1594 = arith.ori %shift_left3A_1590, %shift_right_logical3A_1593 : vector<16xi32>
        %xor3A_1595 = arith.xori %add3A_1587, %or3A_1594 : vector<16xi32>
        %add3A_1596 = arith.addi %add3A_1587, %xor3A_1595 : vector<16xi32>
        %shift_left3A_1597 = arith.constant 29 : i32
        %shift_left3A_1598 = vector.broadcast %shift_left3A_1597 : i32 to vector<16xi32>
        %shift_left3A_1599 = arith.shli %xor3A_1595, %shift_left3A_1598 : vector<16xi32>
        %shift_right_logical3A_1600 = arith.constant 3 : i32
        %shift_right_logical3A_1601 = vector.broadcast %shift_right_logical3A_1600 : i32 to vector<16xi32>
        %shift_right_logical3A_1602 = arith.shrui %xor3A_1595, %shift_right_logical3A_1601 : vector<16xi32>
        %or3A_1603 = arith.ori %shift_left3A_1599, %shift_right_logical3A_1602 : vector<16xi32>
        %xor3A_1604 = arith.xori %add3A_1596, %or3A_1603 : vector<16xi32>
        %add3A_1605 = arith.addi %add3A_1596, %xor3A_1604 : vector<16xi32>
        %shift_left3A_1606 = arith.constant 16 : i32
        %shift_left3A_1607 = vector.broadcast %shift_left3A_1606 : i32 to vector<16xi32>
        %shift_left3A_1608 = arith.shli %xor3A_1604, %shift_left3A_1607 : vector<16xi32>
        %shift_right_logical3A_1609 = arith.constant 16 : i32
        %shift_right_logical3A_1610 = vector.broadcast %shift_right_logical3A_1609 : i32 to vector<16xi32>
        %shift_right_logical3A_1611 = arith.shrui %xor3A_1604, %shift_right_logical3A_1610 : vector<16xi32>
        %or3A_1612 = arith.ori %shift_left3A_1608, %shift_right_logical3A_1611 : vector<16xi32>
        %xor3A_1613 = arith.xori %add3A_1605, %or3A_1612 : vector<16xi32>
        %add3A_1614 = arith.addi %add3A_1605, %xor3A_1613 : vector<16xi32>
        %shift_left3A_1615 = arith.constant 24 : i32
        %shift_left3A_1616 = vector.broadcast %shift_left3A_1615 : i32 to vector<16xi32>
        %shift_left3A_1617 = arith.shli %xor3A_1613, %shift_left3A_1616 : vector<16xi32>
        %shift_right_logical3A_1618 = arith.constant 8 : i32
        %shift_right_logical3A_1619 = vector.broadcast %shift_right_logical3A_1618 : i32 to vector<16xi32>
        %shift_right_logical3A_1620 = arith.shrui %xor3A_1613, %shift_right_logical3A_1619 : vector<16xi32>
        %or3A_1621 = arith.ori %shift_left3A_1617, %shift_right_logical3A_1620 : vector<16xi32>
        %xor3A_1622 = arith.xori %add3A_1614, %or3A_1621 : vector<16xi32>
        %add3A_1623 = arith.constant -514511544 : i32
        %add3A_1624 = vector.broadcast %add3A_1623 : i32 to vector<16xi32>
        %add3A_1625 = arith.addi %add3A_1614, %add3A_1624 : vector<16xi32>
        %add3A_1626 = arith.constant 928981905 : i32
        %add3A_1627 = vector.broadcast %add3A_1626 : i32 to vector<16xi32>
        %add3A_1628 = arith.addi %xor3A_1622, %add3A_1627 : vector<16xi32>
        %add3A_1629 = arith.addi %add3A_1625, %add3A_1628 : vector<16xi32>
        %shift_left3A_1630 = arith.constant 13 : i32
        %shift_left3A_1631 = vector.broadcast %shift_left3A_1630 : i32 to vector<16xi32>
        %shift_left3A_1632 = arith.shli %add3A_1628, %shift_left3A_1631 : vector<16xi32>
        %shift_right_logical3A_1633 = arith.constant 19 : i32
        %shift_right_logical3A_1634 = vector.broadcast %shift_right_logical3A_1633 : i32 to vector<16xi32>
        %shift_right_logical3A_1635 = arith.shrui %add3A_1628, %shift_right_logical3A_1634 : vector<16xi32>
        %or3A_1636 = arith.ori %shift_left3A_1632, %shift_right_logical3A_1635 : vector<16xi32>
        %xor3A_1637 = arith.xori %add3A_1629, %or3A_1636 : vector<16xi32>
        %add3A_1638 = arith.addi %add3A_1629, %xor3A_1637 : vector<16xi32>
        %shift_left3A_1639 = arith.constant 15 : i32
        %shift_left3A_1640 = vector.broadcast %shift_left3A_1639 : i32 to vector<16xi32>
        %shift_left3A_1641 = arith.shli %xor3A_1637, %shift_left3A_1640 : vector<16xi32>
        %shift_right_logical3A_1642 = arith.constant 17 : i32
        %shift_right_logical3A_1643 = vector.broadcast %shift_right_logical3A_1642 : i32 to vector<16xi32>
        %shift_right_logical3A_1644 = arith.shrui %xor3A_1637, %shift_right_logical3A_1643 : vector<16xi32>
        %or3A_1645 = arith.ori %shift_left3A_1641, %shift_right_logical3A_1644 : vector<16xi32>
        %xor3A_1646 = arith.xori %add3A_1638, %or3A_1645 : vector<16xi32>
        %add3A_1647 = arith.addi %add3A_1638, %xor3A_1646 : vector<16xi32>
        %shift_left3A_1648 = arith.constant 26 : i32
        %shift_left3A_1649 = vector.broadcast %shift_left3A_1648 : i32 to vector<16xi32>
        %shift_left3A_1650 = arith.shli %xor3A_1646, %shift_left3A_1649 : vector<16xi32>
        %shift_right_logical3A_1651 = arith.constant 6 : i32
        %shift_right_logical3A_1652 = vector.broadcast %shift_right_logical3A_1651 : i32 to vector<16xi32>
        %shift_right_logical3A_1653 = arith.shrui %xor3A_1646, %shift_right_logical3A_1652 : vector<16xi32>
        %or3A_1654 = arith.ori %shift_left3A_1650, %shift_right_logical3A_1653 : vector<16xi32>
        %xor3A_1655 = arith.xori %add3A_1647, %or3A_1654 : vector<16xi32>
        %add3A_1656 = arith.addi %add3A_1647, %xor3A_1655 : vector<16xi32>
        %shift_left3A_1657 = arith.constant 6 : i32
        %shift_left3A_1658 = vector.broadcast %shift_left3A_1657 : i32 to vector<16xi32>
        %shift_left3A_1659 = arith.shli %xor3A_1655, %shift_left3A_1658 : vector<16xi32>
        %shift_right_logical3A_1660 = arith.constant 26 : i32
        %shift_right_logical3A_1661 = vector.broadcast %shift_right_logical3A_1660 : i32 to vector<16xi32>
        %shift_right_logical3A_1662 = arith.shrui %xor3A_1655, %shift_right_logical3A_1661 : vector<16xi32>
        %or3A_1663 = arith.ori %shift_left3A_1659, %shift_right_logical3A_1662 : vector<16xi32>
        %xor3A_1664 = arith.xori %add3A_1656, %or3A_1663 : vector<16xi32>
        %add3A_1665 = arith.constant 928981903 : i32
        %add3A_1666 = vector.broadcast %add3A_1665 : i32 to vector<16xi32>
        %add3A_1667 = arith.addi %add3A_1656, %add3A_1666 : vector<16xi32>
        %add3A_1668 = arith.constant -841280224 : i32
        %add3A_1669 = vector.broadcast %add3A_1668 : i32 to vector<16xi32>
        %add3A_1670 = arith.addi %xor3A_1664, %add3A_1669 : vector<16xi32>
        %add3A_1671 = arith.addi %add3A_1667, %add3A_1670 : vector<16xi32>
        %shift_left3A_1672 = arith.constant 17 : i32
        %shift_left3A_1673 = vector.broadcast %shift_left3A_1672 : i32 to vector<16xi32>
        %shift_left3A_1674 = arith.shli %add3A_1670, %shift_left3A_1673 : vector<16xi32>
        %shift_right_logical3A_1675 = arith.constant 15 : i32
        %shift_right_logical3A_1676 = vector.broadcast %shift_right_logical3A_1675 : i32 to vector<16xi32>
        %shift_right_logical3A_1677 = arith.shrui %add3A_1670, %shift_right_logical3A_1676 : vector<16xi32>
        %or3A_1678 = arith.ori %shift_left3A_1674, %shift_right_logical3A_1677 : vector<16xi32>
        %xor3A_1679 = arith.xori %add3A_1671, %or3A_1678 : vector<16xi32>
        %add3A_1680 = arith.addi %add3A_1671, %xor3A_1679 : vector<16xi32>
        %shift_left3A_1681 = arith.constant 29 : i32
        %shift_left3A_1682 = vector.broadcast %shift_left3A_1681 : i32 to vector<16xi32>
        %shift_left3A_1683 = arith.shli %xor3A_1679, %shift_left3A_1682 : vector<16xi32>
        %shift_right_logical3A_1684 = arith.constant 3 : i32
        %shift_right_logical3A_1685 = vector.broadcast %shift_right_logical3A_1684 : i32 to vector<16xi32>
        %shift_right_logical3A_1686 = arith.shrui %xor3A_1679, %shift_right_logical3A_1685 : vector<16xi32>
        %or3A_1687 = arith.ori %shift_left3A_1683, %shift_right_logical3A_1686 : vector<16xi32>
        %xor3A_1688 = arith.xori %add3A_1680, %or3A_1687 : vector<16xi32>
        %add3A_1689 = arith.addi %add3A_1680, %xor3A_1688 : vector<16xi32>
        %shift_left3A_1690 = arith.constant 16 : i32
        %shift_left3A_1691 = vector.broadcast %shift_left3A_1690 : i32 to vector<16xi32>
        %shift_left3A_1692 = arith.shli %xor3A_1688, %shift_left3A_1691 : vector<16xi32>
        %shift_right_logical3A_1693 = arith.constant 16 : i32
        %shift_right_logical3A_1694 = vector.broadcast %shift_right_logical3A_1693 : i32 to vector<16xi32>
        %shift_right_logical3A_1695 = arith.shrui %xor3A_1688, %shift_right_logical3A_1694 : vector<16xi32>
        %or3A_1696 = arith.ori %shift_left3A_1692, %shift_right_logical3A_1695 : vector<16xi32>
        %xor3A_1697 = arith.xori %add3A_1689, %or3A_1696 : vector<16xi32>
        %add3A_1698 = arith.addi %add3A_1689, %xor3A_1697 : vector<16xi32>
        %shift_left3A_1699 = arith.constant 24 : i32
        %shift_left3A_1700 = vector.broadcast %shift_left3A_1699 : i32 to vector<16xi32>
        %shift_left3A_1701 = arith.shli %xor3A_1697, %shift_left3A_1700 : vector<16xi32>
        %shift_right_logical3A_1702 = arith.constant 8 : i32
        %shift_right_logical3A_1703 = vector.broadcast %shift_right_logical3A_1702 : i32 to vector<16xi32>
        %shift_right_logical3A_1704 = arith.shrui %xor3A_1697, %shift_right_logical3A_1703 : vector<16xi32>
        %or3A_1705 = arith.ori %shift_left3A_1701, %shift_right_logical3A_1704 : vector<16xi32>
        %xor3A_1706 = arith.xori %add3A_1698, %or3A_1705 : vector<16xi32>
        %add3A_1707 = arith.constant -841280227 : i32
        %add3A_1708 = vector.broadcast %add3A_1707 : i32 to vector<16xi32>
        %add3A_1709 = arith.addi %add3A_1698, %add3A_1708 : vector<16xi32>
        %add3A_1710 = arith.constant -514511540 : i32
        %add3A_1711 = vector.broadcast %add3A_1710 : i32 to vector<16xi32>
        %add3A_1712 = arith.addi %xor3A_1706, %add3A_1711 : vector<16xi32>
        %add3A_1713 = arith.addi %add3A_1709, %add3A_1712 : vector<16xi32>
        %shift_left3A_1714 = arith.constant 13 : i32
        %shift_left3A_1715 = vector.broadcast %shift_left3A_1714 : i32 to vector<16xi32>
        %shift_left3A_1716 = arith.shli %add3A_1712, %shift_left3A_1715 : vector<16xi32>
        %shift_right_logical3A_1717 = arith.constant 19 : i32
        %shift_right_logical3A_1718 = vector.broadcast %shift_right_logical3A_1717 : i32 to vector<16xi32>
        %shift_right_logical3A_1719 = arith.shrui %add3A_1712, %shift_right_logical3A_1718 : vector<16xi32>
        %or3A_1720 = arith.ori %shift_left3A_1716, %shift_right_logical3A_1719 : vector<16xi32>
        %xor3A_1721 = arith.xori %add3A_1713, %or3A_1720 : vector<16xi32>
        %add3A_1722 = arith.addi %add3A_1713, %xor3A_1721 : vector<16xi32>
        %shift_left3A_1723 = arith.constant 15 : i32
        %shift_left3A_1724 = vector.broadcast %shift_left3A_1723 : i32 to vector<16xi32>
        %shift_left3A_1725 = arith.shli %xor3A_1721, %shift_left3A_1724 : vector<16xi32>
        %shift_right_logical3A_1726 = arith.constant 17 : i32
        %shift_right_logical3A_1727 = vector.broadcast %shift_right_logical3A_1726 : i32 to vector<16xi32>
        %shift_right_logical3A_1728 = arith.shrui %xor3A_1721, %shift_right_logical3A_1727 : vector<16xi32>
        %or3A_1729 = arith.ori %shift_left3A_1725, %shift_right_logical3A_1728 : vector<16xi32>
        %xor3A_1730 = arith.xori %add3A_1722, %or3A_1729 : vector<16xi32>
        %add3A_1731 = arith.addi %add3A_1722, %xor3A_1730 : vector<16xi32>
        %shift_left3A_1732 = arith.constant 26 : i32
        %shift_left3A_1733 = vector.broadcast %shift_left3A_1732 : i32 to vector<16xi32>
        %shift_left3A_1734 = arith.shli %xor3A_1730, %shift_left3A_1733 : vector<16xi32>
        %shift_right_logical3A_1735 = arith.constant 6 : i32
        %shift_right_logical3A_1736 = vector.broadcast %shift_right_logical3A_1735 : i32 to vector<16xi32>
        %shift_right_logical3A_1737 = arith.shrui %xor3A_1730, %shift_right_logical3A_1736 : vector<16xi32>
        %or3A_1738 = arith.ori %shift_left3A_1734, %shift_right_logical3A_1737 : vector<16xi32>
        %xor3A_1739 = arith.xori %add3A_1731, %or3A_1738 : vector<16xi32>
        %add3A_1740 = arith.addi %add3A_1731, %xor3A_1739 : vector<16xi32>
        %shift_left3A_1741 = arith.constant 6 : i32
        %shift_left3A_1742 = vector.broadcast %shift_left3A_1741 : i32 to vector<16xi32>
        %shift_left3A_1743 = arith.shli %xor3A_1739, %shift_left3A_1742 : vector<16xi32>
        %shift_right_logical3A_1744 = arith.constant 26 : i32
        %shift_right_logical3A_1745 = vector.broadcast %shift_right_logical3A_1744 : i32 to vector<16xi32>
        %shift_right_logical3A_1746 = arith.shrui %xor3A_1739, %shift_right_logical3A_1745 : vector<16xi32>
        %or3A_1747 = arith.ori %shift_left3A_1743, %shift_right_logical3A_1746 : vector<16xi32>
        %xor3A_1748 = arith.xori %add3A_1740, %or3A_1747 : vector<16xi32>
        %add3A_1749 = arith.constant -514511544 : i32
        %add3A_1750 = vector.broadcast %add3A_1749 : i32 to vector<16xi32>
        %add3A_1751 = arith.addi %add3A_1740, %add3A_1750 : vector<16xi32>
        %add3A_1752 = arith.constant 928981908 : i32
        %add3A_1753 = vector.broadcast %add3A_1752 : i32 to vector<16xi32>
        %add3A_1754 = arith.addi %xor3A_1748, %add3A_1753 : vector<16xi32>
        %xor3A_1755 = arith.xori %add3A_1751, %add3A_1754 : vector<16xi32>
        %shift_right_logical3A_1756 = arith.constant 9 : i32
        %shift_right_logical3A_1757 = vector.broadcast %shift_right_logical3A_1756 : i32 to vector<16xi32>
        %shift_right_logical3A_1758 = arith.shrui %xor3A_1755, %shift_right_logical3A_1757 : vector<16xi32>
        %or3A_1759 = arith.constant 1065353216 : i32
        %or3A_1760 = vector.broadcast %or3A_1759 : i32 to vector<16xi32>
        %or3A_1761 = arith.ori %shift_right_logical3A_1758, %or3A_1760 : vector<16xi32>
        %bitcast_convert_type3A_1762 = tpu.bitcast %or3A_1761 : vector<16xi32> -> vector<16xf32>
        %sub3A_1763 = arith.constant 1.000000e+00 : f32
        %sub3A_1764 = vector.broadcast %sub3A_1763 : f32 to vector<16xf32>
        %sub3A_1765 = arith.subf %bitcast_convert_type3A_1762, %sub3A_1764 : vector<16xf32>
        %max3A_1766 = arith.constant 9.99999968E-21 : f32
        %max3A_1767 = vector.broadcast %max3A_1766 : f32 to vector<16xf32>
        %max3A_1768 = arith.maximumf %sub3A_1765, %max3A_1767 : vector<16xf32>
        %bitcast_convert_type3A_1769 = tpu.bitcast %max3A_1768 : vector<16xf32> -> vector<16xi32>
        %shift_right_logical3A_1770 = arith.constant 23 : i32
        %shift_right_logical3A_1771 = vector.broadcast %shift_right_logical3A_1770 : i32 to vector<16xi32>
        %shift_right_logical3A_1772 = arith.shrui %bitcast_convert_type3A_1769, %shift_right_logical3A_1771 : vector<16xi32>
        %and3A_1773 = arith.constant 255 : i32
        %and3A_1774 = vector.broadcast %and3A_1773 : i32 to vector<16xi32>
        %and3A_1775 = arith.andi %shift_right_logical3A_1772, %and3A_1774 : vector<16xi32>
        %sub3A_1776 = arith.constant 127 : i32
        %sub3A_1777 = vector.broadcast %sub3A_1776 : i32 to vector<16xi32>
        %sub3A_1778 = arith.subi %and3A_1775, %sub3A_1777 : vector<16xi32>
        %and3A_1779 = arith.constant 8388607 : i32
        %and3A_1780 = vector.broadcast %and3A_1779 : i32 to vector<16xi32>
        %and3A_1781 = arith.andi %bitcast_convert_type3A_1769, %and3A_1780 : vector<16xi32>
        %or3A_1782 = arith.constant 1065353216 : i32
        %or3A_1783 = vector.broadcast %or3A_1782 : i32 to vector<16xi32>
        %or3A_1784 = arith.ori %and3A_1781, %or3A_1783 : vector<16xi32>
        %bitcast_convert_type3A_1785 = tpu.bitcast %or3A_1784 : vector<16xi32> -> vector<16xf32>
        %gt3A_1786 = arith.constant 1.41421354 : f32
        %gt3A_1787 = vector.broadcast %gt3A_1786 : f32 to vector<16xf32>
        %gt3A_1788 = arith.cmpf ogt, %bitcast_convert_type3A_1785, %gt3A_1787 : vector<16xf32>
        %mul3A_1789 = arith.constant 5.000000e-01 : f32
        %mul3A_1790 = vector.broadcast %mul3A_1789 : f32 to vector<16xf32>
        %mul3A_1791 = arith.mulf %bitcast_convert_type3A_1785, %mul3A_1790 : vector<16xf32>
        %select_n3A_1792 = arith.select %gt3A_1788, %mul3A_1791, %bitcast_convert_type3A_1785 : vector<16xi1>, vector<16xf32>
        %jit3A_1793 = arith.constant 1 : i32
        %jit3A_1794 = arith.constant 0 : i32
        %broadcast_in_dim3A_1795 = vector.broadcast %jit3A_1793 : i32 to vector<16xi32>
        %broadcast_in_dim3A_1796 = vector.broadcast %jit3A_1794 : i32 to vector<16xi32>
        %select_n3A_1797 = arith.select %gt3A_1788, %broadcast_in_dim3A_1795, %broadcast_in_dim3A_1796 : vector<16xi1>, vector<16xi32>
        %add3A_1798 = arith.addi %sub3A_1778, %select_n3A_1797 : vector<16xi32>
        %convert_element_type3A_1799 = arith.sitofp %add3A_1798 : vector<16xi32> to vector<16xf32>
        %sub3A_1800 = arith.constant 1.000000e+00 : f32
        %sub3A_1801 = vector.broadcast %sub3A_1800 : f32 to vector<16xf32>
        %sub3A_1802 = arith.subf %select_n3A_1792, %sub3A_1801 : vector<16xf32>
        %add3A_1803 = arith.constant 1.000000e+00 : f32
        %add3A_1804 = vector.broadcast %add3A_1803 : f32 to vector<16xf32>
        %add3A_1805 = arith.addf %select_n3A_1792, %add3A_1804 : vector<16xf32>
        %div3A_1806 = arith.divf %sub3A_1802, %add3A_1805 : vector<16xf32>
        %mul3A_1807 = arith.mulf %div3A_1806, %div3A_1806 : vector<16xf32>
        %mul3A_1808 = arith.constant 0.285714298 : f32
        %mul3A_1809 = vector.broadcast %mul3A_1808 : f32 to vector<16xf32>
        %mul3A_1810 = arith.mulf %mul3A_1807, %mul3A_1809 : vector<16xf32>
        %add3A_1811 = arith.constant 4.000000e-01 : f32
        %add3A_1812 = vector.broadcast %add3A_1811 : f32 to vector<16xf32>
        %add3A_1813 = arith.addf %add3A_1812, %mul3A_1810 : vector<16xf32>
        %mul3A_1814 = arith.mulf %mul3A_1807, %add3A_1813 : vector<16xf32>
        %add3A_1815 = arith.constant 0.666666686 : f32
        %add3A_1816 = vector.broadcast %add3A_1815 : f32 to vector<16xf32>
        %add3A_1817 = arith.addf %add3A_1816, %mul3A_1814 : vector<16xf32>
        %mul3A_1818 = arith.mulf %mul3A_1807, %add3A_1817 : vector<16xf32>
        %add3A_1819 = arith.constant 2.000000e+00 : f32
        %add3A_1820 = vector.broadcast %add3A_1819 : f32 to vector<16xf32>
        %add3A_1821 = arith.addf %add3A_1820, %mul3A_1818 : vector<16xf32>
        %mul3A_1822 = arith.mulf %div3A_1806, %add3A_1821 : vector<16xf32>
        %mul3A_1823 = arith.constant 0.693147182 : f32
        %mul3A_1824 = vector.broadcast %mul3A_1823 : f32 to vector<16xf32>
        %mul3A_1825 = arith.mulf %convert_element_type3A_1799, %mul3A_1824 : vector<16xf32>
        %add3A_1826 = arith.addf %mul3A_1825, %mul3A_1822 : vector<16xf32>
        %neg3A_1827 = arith.constant 0.000000e+00 : f32
        %neg3A_1828 = vector.broadcast %neg3A_1827 : f32 to vector<16xf32>
        %neg3A_1829 = arith.subf %neg3A_1828, %add3A_1826 : vector<16xf32>
        %sub3A_1830 = arith.subf %get3A_1236, %get3A_1239 : vector<16xf32>
        %exp3A_1831 = math.exp %sub3A_1830 : vector<16xf32>
        %mul3A_1832 = arith.mulf %neg3A_1829, %exp3A_1831 : vector<16xf32>
        %le3A_1833 = arith.cmpf ole, %neg3A_1536, %mul3A_1832 : vector<16xf32>
        %jit3A_1834 = arith.constant 1.000000e+00 : f32
        %jit3A_1835 = arith.constant 0.000000e+00 : f32
        %broadcast_in_dim3A_1836 = vector.broadcast %jit3A_1834 : f32 to vector<16xf32>
        %broadcast_in_dim3A_1837 = vector.broadcast %jit3A_1835 : f32 to vector<16xf32>
        %select_n3A_1838 = arith.select %le3A_1833, %broadcast_in_dim3A_1836, %broadcast_in_dim3A_1837 : vector<16xi1>, vector<16xf32>
        %swap3A_1839 = arith.index_cast %add3A_1233 : i32 to index
        %swap3A_1840 = tpu.vector_load %arg6[%swap3A_1839] {strides = array<i32>} : memref<4096xf32, #tpu.memory_space<vmem>>, vector<16xf32>,
        %swap3A_1841 = vector.shape_cast %swap3A_1840 : vector<16xf32> to vector<16xf32>
        %swap3A_1842 = vector.shape_cast %select_n3A_1838 : vector<16xf32> to vector<16xf32>
        tpu.vector_store %arg6[%swap3A_1839], %swap3A_1842 {strides = array<i32>} : memref<4096xf32, #tpu.memory_space<vmem>>, vector<16xf32>,
        %add3A_1843 = arith.constant 48 : i32
        %add3A_1844 = arith.addi %mul3A_26, %add3A_1843 : i32
        %get3A_1845 = arith.index_cast %add3A_1844 : i32 to index
        %get3A_1846 = tpu.vector_load %arg4[%get3A_1845] {strides = array<i32>} : memref<4096xf32, #tpu.memory_space<vmem>>, vector<16xf32>,
        %get3A_1847 = vector.shape_cast %get3A_1846 : vector<16xf32> to vector<16xf32>
        %get3A_1848 = arith.index_cast %add3A_1844 : i32 to index
        %get3A_1849 = tpu.vector_load %arg5[%get3A_1848] {strides = array<i32>} : memref<4096xf32, #tpu.memory_space<vmem>>, vector<16xf32>,
        %get3A_1850 = vector.shape_cast %get3A_1849 : vector<16xf32> to vector<16xf32>
        %add3A_1851 = vector.broadcast %add3A_1844 : i32 to vector<16xi32>
        %add3A_1852 = arith.addi %add3A_1851, %iota3A : vector<16xi32>
        %mul3A_1853 = arith.constant 2 : i32
        %mul3A_1854 = vector.broadcast %mul3A_1853 : i32 to vector<16xi32>
        %mul3A_1855 = arith.muli %mul3A_1854, %add3A_1852 : vector<16xi32>
        %add3A_1856 = vector.broadcast %mul3A_28 : i32 to vector<16xi32>
        %add3A_1857 = arith.addi %mul3A_1855, %add3A_1856 : vector<16xi32>
        %broadcast_in_dim3A_1858 = arith.constant 928981903 : i32
        %broadcast_in_dim3A_1859 = vector.broadcast %broadcast_in_dim3A_1858 : i32 to vector<16xi32>
        %add3A_1860 = arith.constant -841280227 : i32
        %add3A_1861 = vector.broadcast %add3A_1860 : i32 to vector<16xi32>
        %add3A_1862 = arith.addi %add3A_1857, %add3A_1861 : vector<16xi32>
        %add3A_1863 = arith.addi %broadcast_in_dim3A_1859, %add3A_1862 : vector<16xi32>
        %shift_left3A_1864 = arith.constant 13 : i32
        %shift_left3A_1865 = vector.broadcast %shift_left3A_1864 : i32 to vector<16xi32>
        %shift_left3A_1866 = arith.shli %add3A_1862, %shift_left3A_1865 : vector<16xi32>
        %shift_right_logical3A_1867 = arith.constant 19 : i32
        %shift_right_logical3A_1868 = vector.broadcast %shift_right_logical3A_1867 : i32 to vector<16xi32>
        %shift_right_logical3A_1869 = arith.shrui %add3A_1862, %shift_right_logical3A_1868 : vector<16xi32>
        %or3A_1870 = arith.ori %shift_left3A_1866, %shift_right_logical3A_1869 : vector<16xi32>
        %xor3A_1871 = arith.xori %add3A_1863, %or3A_1870 : vector<16xi32>
        %add3A_1872 = arith.addi %add3A_1863, %xor3A_1871 : vector<16xi32>
        %shift_left3A_1873 = arith.constant 15 : i32
        %shift_left3A_1874 = vector.broadcast %shift_left3A_1873 : i32 to vector<16xi32>
        %shift_left3A_1875 = arith.shli %xor3A_1871, %shift_left3A_1874 : vector<16xi32>
        %shift_right_logical3A_1876 = arith.constant 17 : i32
        %shift_right_logical3A_1877 = vector.broadcast %shift_right_logical3A_1876 : i32 to vector<16xi32>
        %shift_right_logical3A_1878 = arith.shrui %xor3A_1871, %shift_right_logical3A_1877 : vector<16xi32>
        %or3A_1879 = arith.ori %shift_left3A_1875, %shift_right_logical3A_1878 : vector<16xi32>
        %xor3A_1880 = arith.xori %add3A_1872, %or3A_1879 : vector<16xi32>
        %add3A_1881 = arith.addi %add3A_1872, %xor3A_1880 : vector<16xi32>
        %shift_left3A_1882 = arith.constant 26 : i32
        %shift_left3A_1883 = vector.broadcast %shift_left3A_1882 : i32 to vector<16xi32>
        %shift_left3A_1884 = arith.shli %xor3A_1880, %shift_left3A_1883 : vector<16xi32>
        %shift_right_logical3A_1885 = arith.constant 6 : i32
        %shift_right_logical3A_1886 = vector.broadcast %shift_right_logical3A_1885 : i32 to vector<16xi32>
        %shift_right_logical3A_1887 = arith.shrui %xor3A_1880, %shift_right_logical3A_1886 : vector<16xi32>
        %or3A_1888 = arith.ori %shift_left3A_1884, %shift_right_logical3A_1887 : vector<16xi32>
        %xor3A_1889 = arith.xori %add3A_1881, %or3A_1888 : vector<16xi32>
        %add3A_1890 = arith.addi %add3A_1881, %xor3A_1889 : vector<16xi32>
        %shift_left3A_1891 = arith.constant 6 : i32
        %shift_left3A_1892 = vector.broadcast %shift_left3A_1891 : i32 to vector<16xi32>
        %shift_left3A_1893 = arith.shli %xor3A_1889, %shift_left3A_1892 : vector<16xi32>
        %shift_right_logical3A_1894 = arith.constant 26 : i32
        %shift_right_logical3A_1895 = vector.broadcast %shift_right_logical3A_1894 : i32 to vector<16xi32>
        %shift_right_logical3A_1896 = arith.shrui %xor3A_1889, %shift_right_logical3A_1895 : vector<16xi32>
        %or3A_1897 = arith.ori %shift_left3A_1893, %shift_right_logical3A_1896 : vector<16xi32>
        %xor3A_1898 = arith.xori %add3A_1890, %or3A_1897 : vector<16xi32>
        %add3A_1899 = arith.constant -841280227 : i32
        %add3A_1900 = vector.broadcast %add3A_1899 : i32 to vector<16xi32>
        %add3A_1901 = arith.addi %add3A_1890, %add3A_1900 : vector<16xi32>
        %add3A_1902 = arith.constant -514511543 : i32
        %add3A_1903 = vector.broadcast %add3A_1902 : i32 to vector<16xi32>
        %add3A_1904 = arith.addi %xor3A_1898, %add3A_1903 : vector<16xi32>
        %add3A_1905 = arith.addi %add3A_1901, %add3A_1904 : vector<16xi32>
        %shift_left3A_1906 = arith.constant 17 : i32
        %shift_left3A_1907 = vector.broadcast %shift_left3A_1906 : i32 to vector<16xi32>
        %shift_left3A_1908 = arith.shli %add3A_1904, %shift_left3A_1907 : vector<16xi32>
        %shift_right_logical3A_1909 = arith.constant 15 : i32
        %shift_right_logical3A_1910 = vector.broadcast %shift_right_logical3A_1909 : i32 to vector<16xi32>
        %shift_right_logical3A_1911 = arith.shrui %add3A_1904, %shift_right_logical3A_1910 : vector<16xi32>
        %or3A_1912 = arith.ori %shift_left3A_1908, %shift_right_logical3A_1911 : vector<16xi32>
        %xor3A_1913 = arith.xori %add3A_1905, %or3A_1912 : vector<16xi32>
        %add3A_1914 = arith.addi %add3A_1905, %xor3A_1913 : vector<16xi32>
        %shift_left3A_1915 = arith.constant 29 : i32
        %shift_left3A_1916 = vector.broadcast %shift_left3A_1915 : i32 to vector<16xi32>
        %shift_left3A_1917 = arith.shli %xor3A_1913, %shift_left3A_1916 : vector<16xi32>
        %shift_right_logical3A_1918 = arith.constant 3 : i32
        %shift_right_logical3A_1919 = vector.broadcast %shift_right_logical3A_1918 : i32 to vector<16xi32>
        %shift_right_logical3A_1920 = arith.shrui %xor3A_1913, %shift_right_logical3A_1919 : vector<16xi32>
        %or3A_1921 = arith.ori %shift_left3A_1917, %shift_right_logical3A_1920 : vector<16xi32>
        %xor3A_1922 = arith.xori %add3A_1914, %or3A_1921 : vector<16xi32>
        %add3A_1923 = arith.addi %add3A_1914, %xor3A_1922 : vector<16xi32>
        %shift_left3A_1924 = arith.constant 16 : i32
        %shift_left3A_1925 = vector.broadcast %shift_left3A_1924 : i32 to vector<16xi32>
        %shift_left3A_1926 = arith.shli %xor3A_1922, %shift_left3A_1925 : vector<16xi32>
        %shift_right_logical3A_1927 = arith.constant 16 : i32
        %shift_right_logical3A_1928 = vector.broadcast %shift_right_logical3A_1927 : i32 to vector<16xi32>
        %shift_right_logical3A_1929 = arith.shrui %xor3A_1922, %shift_right_logical3A_1928 : vector<16xi32>
        %or3A_1930 = arith.ori %shift_left3A_1926, %shift_right_logical3A_1929 : vector<16xi32>
        %xor3A_1931 = arith.xori %add3A_1923, %or3A_1930 : vector<16xi32>
        %add3A_1932 = arith.addi %add3A_1923, %xor3A_1931 : vector<16xi32>
        %shift_left3A_1933 = arith.constant 24 : i32
        %shift_left3A_1934 = vector.broadcast %shift_left3A_1933 : i32 to vector<16xi32>
        %shift_left3A_1935 = arith.shli %xor3A_1931, %shift_left3A_1934 : vector<16xi32>
        %shift_right_logical3A_1936 = arith.constant 8 : i32
        %shift_right_logical3A_1937 = vector.broadcast %shift_right_logical3A_1936 : i32 to vector<16xi32>
        %shift_right_logical3A_1938 = arith.shrui %xor3A_1931, %shift_right_logical3A_1937 : vector<16xi32>
        %or3A_1939 = arith.ori %shift_left3A_1935, %shift_right_logical3A_1938 : vector<16xi32>
        %xor3A_1940 = arith.xori %add3A_1932, %or3A_1939 : vector<16xi32>
        %add3A_1941 = arith.constant -514511544 : i32
        %add3A_1942 = vector.broadcast %add3A_1941 : i32 to vector<16xi32>
        %add3A_1943 = arith.addi %add3A_1932, %add3A_1942 : vector<16xi32>
        %add3A_1944 = arith.constant 928981905 : i32
        %add3A_1945 = vector.broadcast %add3A_1944 : i32 to vector<16xi32>
        %add3A_1946 = arith.addi %xor3A_1940, %add3A_1945 : vector<16xi32>
        %add3A_1947 = arith.addi %add3A_1943, %add3A_1946 : vector<16xi32>
        %shift_left3A_1948 = arith.constant 13 : i32
        %shift_left3A_1949 = vector.broadcast %shift_left3A_1948 : i32 to vector<16xi32>
        %shift_left3A_1950 = arith.shli %add3A_1946, %shift_left3A_1949 : vector<16xi32>
        %shift_right_logical3A_1951 = arith.constant 19 : i32
        %shift_right_logical3A_1952 = vector.broadcast %shift_right_logical3A_1951 : i32 to vector<16xi32>
        %shift_right_logical3A_1953 = arith.shrui %add3A_1946, %shift_right_logical3A_1952 : vector<16xi32>
        %or3A_1954 = arith.ori %shift_left3A_1950, %shift_right_logical3A_1953 : vector<16xi32>
        %xor3A_1955 = arith.xori %add3A_1947, %or3A_1954 : vector<16xi32>
        %add3A_1956 = arith.addi %add3A_1947, %xor3A_1955 : vector<16xi32>
        %shift_left3A_1957 = arith.constant 15 : i32
        %shift_left3A_1958 = vector.broadcast %shift_left3A_1957 : i32 to vector<16xi32>
        %shift_left3A_1959 = arith.shli %xor3A_1955, %shift_left3A_1958 : vector<16xi32>
        %shift_right_logical3A_1960 = arith.constant 17 : i32
        %shift_right_logical3A_1961 = vector.broadcast %shift_right_logical3A_1960 : i32 to vector<16xi32>
        %shift_right_logical3A_1962 = arith.shrui %xor3A_1955, %shift_right_logical3A_1961 : vector<16xi32>
        %or3A_1963 = arith.ori %shift_left3A_1959, %shift_right_logical3A_1962 : vector<16xi32>
        %xor3A_1964 = arith.xori %add3A_1956, %or3A_1963 : vector<16xi32>
        %add3A_1965 = arith.addi %add3A_1956, %xor3A_1964 : vector<16xi32>
        %shift_left3A_1966 = arith.constant 26 : i32
        %shift_left3A_1967 = vector.broadcast %shift_left3A_1966 : i32 to vector<16xi32>
        %shift_left3A_1968 = arith.shli %xor3A_1964, %shift_left3A_1967 : vector<16xi32>
        %shift_right_logical3A_1969 = arith.constant 6 : i32
        %shift_right_logical3A_1970 = vector.broadcast %shift_right_logical3A_1969 : i32 to vector<16xi32>
        %shift_right_logical3A_1971 = arith.shrui %xor3A_1964, %shift_right_logical3A_1970 : vector<16xi32>
        %or3A_1972 = arith.ori %shift_left3A_1968, %shift_right_logical3A_1971 : vector<16xi32>
        %xor3A_1973 = arith.xori %add3A_1965, %or3A_1972 : vector<16xi32>
        %add3A_1974 = arith.addi %add3A_1965, %xor3A_1973 : vector<16xi32>
        %shift_left3A_1975 = arith.constant 6 : i32
        %shift_left3A_1976 = vector.broadcast %shift_left3A_1975 : i32 to vector<16xi32>
        %shift_left3A_1977 = arith.shli %xor3A_1973, %shift_left3A_1976 : vector<16xi32>
        %shift_right_logical3A_1978 = arith.constant 26 : i32
        %shift_right_logical3A_1979 = vector.broadcast %shift_right_logical3A_1978 : i32 to vector<16xi32>
        %shift_right_logical3A_1980 = arith.shrui %xor3A_1973, %shift_right_logical3A_1979 : vector<16xi32>
        %or3A_1981 = arith.ori %shift_left3A_1977, %shift_right_logical3A_1980 : vector<16xi32>
        %xor3A_1982 = arith.xori %add3A_1974, %or3A_1981 : vector<16xi32>
        %add3A_1983 = arith.constant 928981903 : i32
        %add3A_1984 = vector.broadcast %add3A_1983 : i32 to vector<16xi32>
        %add3A_1985 = arith.addi %add3A_1974, %add3A_1984 : vector<16xi32>
        %add3A_1986 = arith.constant -841280224 : i32
        %add3A_1987 = vector.broadcast %add3A_1986 : i32 to vector<16xi32>
        %add3A_1988 = arith.addi %xor3A_1982, %add3A_1987 : vector<16xi32>
        %add3A_1989 = arith.addi %add3A_1985, %add3A_1988 : vector<16xi32>
        %shift_left3A_1990 = arith.constant 17 : i32
        %shift_left3A_1991 = vector.broadcast %shift_left3A_1990 : i32 to vector<16xi32>
        %shift_left3A_1992 = arith.shli %add3A_1988, %shift_left3A_1991 : vector<16xi32>
        %shift_right_logical3A_1993 = arith.constant 15 : i32
        %shift_right_logical3A_1994 = vector.broadcast %shift_right_logical3A_1993 : i32 to vector<16xi32>
        %shift_right_logical3A_1995 = arith.shrui %add3A_1988, %shift_right_logical3A_1994 : vector<16xi32>
        %or3A_1996 = arith.ori %shift_left3A_1992, %shift_right_logical3A_1995 : vector<16xi32>
        %xor3A_1997 = arith.xori %add3A_1989, %or3A_1996 : vector<16xi32>
        %add3A_1998 = arith.addi %add3A_1989, %xor3A_1997 : vector<16xi32>
        %shift_left3A_1999 = arith.constant 29 : i32
        %shift_left3A_2000 = vector.broadcast %shift_left3A_1999 : i32 to vector<16xi32>
        %shift_left3A_2001 = arith.shli %xor3A_1997, %shift_left3A_2000 : vector<16xi32>
        %shift_right_logical3A_2002 = arith.constant 3 : i32
        %shift_right_logical3A_2003 = vector.broadcast %shift_right_logical3A_2002 : i32 to vector<16xi32>
        %shift_right_logical3A_2004 = arith.shrui %xor3A_1997, %shift_right_logical3A_2003 : vector<16xi32>
        %or3A_2005 = arith.ori %shift_left3A_2001, %shift_right_logical3A_2004 : vector<16xi32>
        %xor3A_2006 = arith.xori %add3A_1998, %or3A_2005 : vector<16xi32>
        %add3A_2007 = arith.addi %add3A_1998, %xor3A_2006 : vector<16xi32>
        %shift_left3A_2008 = arith.constant 16 : i32
        %shift_left3A_2009 = vector.broadcast %shift_left3A_2008 : i32 to vector<16xi32>
        %shift_left3A_2010 = arith.shli %xor3A_2006, %shift_left3A_2009 : vector<16xi32>
        %shift_right_logical3A_2011 = arith.constant 16 : i32
        %shift_right_logical3A_2012 = vector.broadcast %shift_right_logical3A_2011 : i32 to vector<16xi32>
        %shift_right_logical3A_2013 = arith.shrui %xor3A_2006, %shift_right_logical3A_2012 : vector<16xi32>
        %or3A_2014 = arith.ori %shift_left3A_2010, %shift_right_logical3A_2013 : vector<16xi32>
        %xor3A_2015 = arith.xori %add3A_2007, %or3A_2014 : vector<16xi32>
        %add3A_2016 = arith.addi %add3A_2007, %xor3A_2015 : vector<16xi32>
        %shift_left3A_2017 = arith.constant 24 : i32
        %shift_left3A_2018 = vector.broadcast %shift_left3A_2017 : i32 to vector<16xi32>
        %shift_left3A_2019 = arith.shli %xor3A_2015, %shift_left3A_2018 : vector<16xi32>
        %shift_right_logical3A_2020 = arith.constant 8 : i32
        %shift_right_logical3A_2021 = vector.broadcast %shift_right_logical3A_2020 : i32 to vector<16xi32>
        %shift_right_logical3A_2022 = arith.shrui %xor3A_2015, %shift_right_logical3A_2021 : vector<16xi32>
        %or3A_2023 = arith.ori %shift_left3A_2019, %shift_right_logical3A_2022 : vector<16xi32>
        %xor3A_2024 = arith.xori %add3A_2016, %or3A_2023 : vector<16xi32>
        %add3A_2025 = arith.constant -841280227 : i32
        %add3A_2026 = vector.broadcast %add3A_2025 : i32 to vector<16xi32>
        %add3A_2027 = arith.addi %add3A_2016, %add3A_2026 : vector<16xi32>
        %add3A_2028 = arith.constant -514511540 : i32
        %add3A_2029 = vector.broadcast %add3A_2028 : i32 to vector<16xi32>
        %add3A_2030 = arith.addi %xor3A_2024, %add3A_2029 : vector<16xi32>
        %add3A_2031 = arith.addi %add3A_2027, %add3A_2030 : vector<16xi32>
        %shift_left3A_2032 = arith.constant 13 : i32
        %shift_left3A_2033 = vector.broadcast %shift_left3A_2032 : i32 to vector<16xi32>
        %shift_left3A_2034 = arith.shli %add3A_2030, %shift_left3A_2033 : vector<16xi32>
        %shift_right_logical3A_2035 = arith.constant 19 : i32
        %shift_right_logical3A_2036 = vector.broadcast %shift_right_logical3A_2035 : i32 to vector<16xi32>
        %shift_right_logical3A_2037 = arith.shrui %add3A_2030, %shift_right_logical3A_2036 : vector<16xi32>
        %or3A_2038 = arith.ori %shift_left3A_2034, %shift_right_logical3A_2037 : vector<16xi32>
        %xor3A_2039 = arith.xori %add3A_2031, %or3A_2038 : vector<16xi32>
        %add3A_2040 = arith.addi %add3A_2031, %xor3A_2039 : vector<16xi32>
        %shift_left3A_2041 = arith.constant 15 : i32
        %shift_left3A_2042 = vector.broadcast %shift_left3A_2041 : i32 to vector<16xi32>
        %shift_left3A_2043 = arith.shli %xor3A_2039, %shift_left3A_2042 : vector<16xi32>
        %shift_right_logical3A_2044 = arith.constant 17 : i32
        %shift_right_logical3A_2045 = vector.broadcast %shift_right_logical3A_2044 : i32 to vector<16xi32>
        %shift_right_logical3A_2046 = arith.shrui %xor3A_2039, %shift_right_logical3A_2045 : vector<16xi32>
        %or3A_2047 = arith.ori %shift_left3A_2043, %shift_right_logical3A_2046 : vector<16xi32>
        %xor3A_2048 = arith.xori %add3A_2040, %or3A_2047 : vector<16xi32>
        %add3A_2049 = arith.addi %add3A_2040, %xor3A_2048 : vector<16xi32>
        %shift_left3A_2050 = arith.constant 26 : i32
        %shift_left3A_2051 = vector.broadcast %shift_left3A_2050 : i32 to vector<16xi32>
        %shift_left3A_2052 = arith.shli %xor3A_2048, %shift_left3A_2051 : vector<16xi32>
        %shift_right_logical3A_2053 = arith.constant 6 : i32
        %shift_right_logical3A_2054 = vector.broadcast %shift_right_logical3A_2053 : i32 to vector<16xi32>
        %shift_right_logical3A_2055 = arith.shrui %xor3A_2048, %shift_right_logical3A_2054 : vector<16xi32>
        %or3A_2056 = arith.ori %shift_left3A_2052, %shift_right_logical3A_2055 : vector<16xi32>
        %xor3A_2057 = arith.xori %add3A_2049, %or3A_2056 : vector<16xi32>
        %add3A_2058 = arith.addi %add3A_2049, %xor3A_2057 : vector<16xi32>
        %shift_left3A_2059 = arith.constant 6 : i32
        %shift_left3A_2060 = vector.broadcast %shift_left3A_2059 : i32 to vector<16xi32>
        %shift_left3A_2061 = arith.shli %xor3A_2057, %shift_left3A_2060 : vector<16xi32>
        %shift_right_logical3A_2062 = arith.constant 26 : i32
        %shift_right_logical3A_2063 = vector.broadcast %shift_right_logical3A_2062 : i32 to vector<16xi32>
        %shift_right_logical3A_2064 = arith.shrui %xor3A_2057, %shift_right_logical3A_2063 : vector<16xi32>
        %or3A_2065 = arith.ori %shift_left3A_2061, %shift_right_logical3A_2064 : vector<16xi32>
        %xor3A_2066 = arith.xori %add3A_2058, %or3A_2065 : vector<16xi32>
        %add3A_2067 = arith.constant -514511544 : i32
        %add3A_2068 = vector.broadcast %add3A_2067 : i32 to vector<16xi32>
        %add3A_2069 = arith.addi %add3A_2058, %add3A_2068 : vector<16xi32>
        %add3A_2070 = arith.constant 928981908 : i32
        %add3A_2071 = vector.broadcast %add3A_2070 : i32 to vector<16xi32>
        %add3A_2072 = arith.addi %xor3A_2066, %add3A_2071 : vector<16xi32>
        %xor3A_2073 = arith.xori %add3A_2069, %add3A_2072 : vector<16xi32>
        %shift_right_logical3A_2074 = arith.constant 9 : i32
        %shift_right_logical3A_2075 = vector.broadcast %shift_right_logical3A_2074 : i32 to vector<16xi32>
        %shift_right_logical3A_2076 = arith.shrui %xor3A_2073, %shift_right_logical3A_2075 : vector<16xi32>
        %or3A_2077 = arith.constant 1065353216 : i32
        %or3A_2078 = vector.broadcast %or3A_2077 : i32 to vector<16xi32>
        %or3A_2079 = arith.ori %shift_right_logical3A_2076, %or3A_2078 : vector<16xi32>
        %bitcast_convert_type3A_2080 = tpu.bitcast %or3A_2079 : vector<16xi32> -> vector<16xf32>
        %sub3A_2081 = arith.constant 1.000000e+00 : f32
        %sub3A_2082 = vector.broadcast %sub3A_2081 : f32 to vector<16xf32>
        %sub3A_2083 = arith.subf %bitcast_convert_type3A_2080, %sub3A_2082 : vector<16xf32>
        %max3A_2084 = arith.constant 9.99999968E-21 : f32
        %max3A_2085 = vector.broadcast %max3A_2084 : f32 to vector<16xf32>
        %max3A_2086 = arith.maximumf %sub3A_2083, %max3A_2085 : vector<16xf32>
        %bitcast_convert_type3A_2087 = tpu.bitcast %max3A_2086 : vector<16xf32> -> vector<16xi32>
        %shift_right_logical3A_2088 = arith.constant 23 : i32
        %shift_right_logical3A_2089 = vector.broadcast %shift_right_logical3A_2088 : i32 to vector<16xi32>
        %shift_right_logical3A_2090 = arith.shrui %bitcast_convert_type3A_2087, %shift_right_logical3A_2089 : vector<16xi32>
        %and3A_2091 = arith.constant 255 : i32
        %and3A_2092 = vector.broadcast %and3A_2091 : i32 to vector<16xi32>
        %and3A_2093 = arith.andi %shift_right_logical3A_2090, %and3A_2092 : vector<16xi32>
        %sub3A_2094 = arith.constant 127 : i32
        %sub3A_2095 = vector.broadcast %sub3A_2094 : i32 to vector<16xi32>
        %sub3A_2096 = arith.subi %and3A_2093, %sub3A_2095 : vector<16xi32>
        %and3A_2097 = arith.constant 8388607 : i32
        %and3A_2098 = vector.broadcast %and3A_2097 : i32 to vector<16xi32>
        %and3A_2099 = arith.andi %bitcast_convert_type3A_2087, %and3A_2098 : vector<16xi32>
        %or3A_2100 = arith.constant 1065353216 : i32
        %or3A_2101 = vector.broadcast %or3A_2100 : i32 to vector<16xi32>
        %or3A_2102 = arith.ori %and3A_2099, %or3A_2101 : vector<16xi32>
        %bitcast_convert_type3A_2103 = tpu.bitcast %or3A_2102 : vector<16xi32> -> vector<16xf32>
        %gt3A_2104 = arith.constant 1.41421354 : f32
        %gt3A_2105 = vector.broadcast %gt3A_2104 : f32 to vector<16xf32>
        %gt3A_2106 = arith.cmpf ogt, %bitcast_convert_type3A_2103, %gt3A_2105 : vector<16xf32>
        %mul3A_2107 = arith.constant 5.000000e-01 : f32
        %mul3A_2108 = vector.broadcast %mul3A_2107 : f32 to vector<16xf32>
        %mul3A_2109 = arith.mulf %bitcast_convert_type3A_2103, %mul3A_2108 : vector<16xf32>
        %select_n3A_2110 = arith.select %gt3A_2106, %mul3A_2109, %bitcast_convert_type3A_2103 : vector<16xi1>, vector<16xf32>
        %jit3A_2111 = arith.constant 1 : i32
        %jit3A_2112 = arith.constant 0 : i32
        %broadcast_in_dim3A_2113 = vector.broadcast %jit3A_2111 : i32 to vector<16xi32>
        %broadcast_in_dim3A_2114 = vector.broadcast %jit3A_2112 : i32 to vector<16xi32>
        %select_n3A_2115 = arith.select %gt3A_2106, %broadcast_in_dim3A_2113, %broadcast_in_dim3A_2114 : vector<16xi1>, vector<16xi32>
        %add3A_2116 = arith.addi %sub3A_2096, %select_n3A_2115 : vector<16xi32>
        %convert_element_type3A_2117 = arith.sitofp %add3A_2116 : vector<16xi32> to vector<16xf32>
        %sub3A_2118 = arith.constant 1.000000e+00 : f32
        %sub3A_2119 = vector.broadcast %sub3A_2118 : f32 to vector<16xf32>
        %sub3A_2120 = arith.subf %select_n3A_2110, %sub3A_2119 : vector<16xf32>
        %add3A_2121 = arith.constant 1.000000e+00 : f32
        %add3A_2122 = vector.broadcast %add3A_2121 : f32 to vector<16xf32>
        %add3A_2123 = arith.addf %select_n3A_2110, %add3A_2122 : vector<16xf32>
        %div3A_2124 = arith.divf %sub3A_2120, %add3A_2123 : vector<16xf32>
        %mul3A_2125 = arith.mulf %div3A_2124, %div3A_2124 : vector<16xf32>
        %mul3A_2126 = arith.constant 0.285714298 : f32
        %mul3A_2127 = vector.broadcast %mul3A_2126 : f32 to vector<16xf32>
        %mul3A_2128 = arith.mulf %mul3A_2125, %mul3A_2127 : vector<16xf32>
        %add3A_2129 = arith.constant 4.000000e-01 : f32
        %add3A_2130 = vector.broadcast %add3A_2129 : f32 to vector<16xf32>
        %add3A_2131 = arith.addf %add3A_2130, %mul3A_2128 : vector<16xf32>
        %mul3A_2132 = arith.mulf %mul3A_2125, %add3A_2131 : vector<16xf32>
        %add3A_2133 = arith.constant 0.666666686 : f32
        %add3A_2134 = vector.broadcast %add3A_2133 : f32 to vector<16xf32>
        %add3A_2135 = arith.addf %add3A_2134, %mul3A_2132 : vector<16xf32>
        %mul3A_2136 = arith.mulf %mul3A_2125, %add3A_2135 : vector<16xf32>
        %add3A_2137 = arith.constant 2.000000e+00 : f32
        %add3A_2138 = vector.broadcast %add3A_2137 : f32 to vector<16xf32>
        %add3A_2139 = arith.addf %add3A_2138, %mul3A_2136 : vector<16xf32>
        %mul3A_2140 = arith.mulf %div3A_2124, %add3A_2139 : vector<16xf32>
        %mul3A_2141 = arith.constant 0.693147182 : f32
        %mul3A_2142 = vector.broadcast %mul3A_2141 : f32 to vector<16xf32>
        %mul3A_2143 = arith.mulf %convert_element_type3A_2117, %mul3A_2142 : vector<16xf32>
        %add3A_2144 = arith.addf %mul3A_2143, %mul3A_2140 : vector<16xf32>
        %neg3A_2145 = arith.constant 0.000000e+00 : f32
        %neg3A_2146 = vector.broadcast %neg3A_2145 : f32 to vector<16xf32>
        %neg3A_2147 = arith.subf %neg3A_2146, %add3A_2144 : vector<16xf32>
        %add3A_2148 = arith.constant 1 : i32
        %add3A_2149 = vector.broadcast %add3A_2148 : i32 to vector<16xi32>
        %add3A_2150 = arith.addi %add3A_1857, %add3A_2149 : vector<16xi32>
        %broadcast_in_dim3A_2151 = arith.constant 928981903 : i32
        %broadcast_in_dim3A_2152 = vector.broadcast %broadcast_in_dim3A_2151 : i32 to vector<16xi32>
        %add3A_2153 = arith.constant -841280227 : i32
        %add3A_2154 = vector.broadcast %add3A_2153 : i32 to vector<16xi32>
        %add3A_2155 = arith.addi %add3A_2150, %add3A_2154 : vector<16xi32>
        %add3A_2156 = arith.addi %broadcast_in_dim3A_2152, %add3A_2155 : vector<16xi32>
        %shift_left3A_2157 = arith.constant 13 : i32
        %shift_left3A_2158 = vector.broadcast %shift_left3A_2157 : i32 to vector<16xi32>
        %shift_left3A_2159 = arith.shli %add3A_2155, %shift_left3A_2158 : vector<16xi32>
        %shift_right_logical3A_2160 = arith.constant 19 : i32
        %shift_right_logical3A_2161 = vector.broadcast %shift_right_logical3A_2160 : i32 to vector<16xi32>
        %shift_right_logical3A_2162 = arith.shrui %add3A_2155, %shift_right_logical3A_2161 : vector<16xi32>
        %or3A_2163 = arith.ori %shift_left3A_2159, %shift_right_logical3A_2162 : vector<16xi32>
        %xor3A_2164 = arith.xori %add3A_2156, %or3A_2163 : vector<16xi32>
        %add3A_2165 = arith.addi %add3A_2156, %xor3A_2164 : vector<16xi32>
        %shift_left3A_2166 = arith.constant 15 : i32
        %shift_left3A_2167 = vector.broadcast %shift_left3A_2166 : i32 to vector<16xi32>
        %shift_left3A_2168 = arith.shli %xor3A_2164, %shift_left3A_2167 : vector<16xi32>
        %shift_right_logical3A_2169 = arith.constant 17 : i32
        %shift_right_logical3A_2170 = vector.broadcast %shift_right_logical3A_2169 : i32 to vector<16xi32>
        %shift_right_logical3A_2171 = arith.shrui %xor3A_2164, %shift_right_logical3A_2170 : vector<16xi32>
        %or3A_2172 = arith.ori %shift_left3A_2168, %shift_right_logical3A_2171 : vector<16xi32>
        %xor3A_2173 = arith.xori %add3A_2165, %or3A_2172 : vector<16xi32>
        %add3A_2174 = arith.addi %add3A_2165, %xor3A_2173 : vector<16xi32>
        %shift_left3A_2175 = arith.constant 26 : i32
        %shift_left3A_2176 = vector.broadcast %shift_left3A_2175 : i32 to vector<16xi32>
        %shift_left3A_2177 = arith.shli %xor3A_2173, %shift_left3A_2176 : vector<16xi32>
        %shift_right_logical3A_2178 = arith.constant 6 : i32
        %shift_right_logical3A_2179 = vector.broadcast %shift_right_logical3A_2178 : i32 to vector<16xi32>
        %shift_right_logical3A_2180 = arith.shrui %xor3A_2173, %shift_right_logical3A_2179 : vector<16xi32>
        %or3A_2181 = arith.ori %shift_left3A_2177, %shift_right_logical3A_2180 : vector<16xi32>
        %xor3A_2182 = arith.xori %add3A_2174, %or3A_2181 : vector<16xi32>
        %add3A_2183 = arith.addi %add3A_2174, %xor3A_2182 : vector<16xi32>
        %shift_left3A_2184 = arith.constant 6 : i32
        %shift_left3A_2185 = vector.broadcast %shift_left3A_2184 : i32 to vector<16xi32>
        %shift_left3A_2186 = arith.shli %xor3A_2182, %shift_left3A_2185 : vector<16xi32>
        %shift_right_logical3A_2187 = arith.constant 26 : i32
        %shift_right_logical3A_2188 = vector.broadcast %shift_right_logical3A_2187 : i32 to vector<16xi32>
        %shift_right_logical3A_2189 = arith.shrui %xor3A_2182, %shift_right_logical3A_2188 : vector<16xi32>
        %or3A_2190 = arith.ori %shift_left3A_2186, %shift_right_logical3A_2189 : vector<16xi32>
        %xor3A_2191 = arith.xori %add3A_2183, %or3A_2190 : vector<16xi32>
        %add3A_2192 = arith.constant -841280227 : i32
        %add3A_2193 = vector.broadcast %add3A_2192 : i32 to vector<16xi32>
        %add3A_2194 = arith.addi %add3A_2183, %add3A_2193 : vector<16xi32>
        %add3A_2195 = arith.constant -514511543 : i32
        %add3A_2196 = vector.broadcast %add3A_2195 : i32 to vector<16xi32>
        %add3A_2197 = arith.addi %xor3A_2191, %add3A_2196 : vector<16xi32>
        %add3A_2198 = arith.addi %add3A_2194, %add3A_2197 : vector<16xi32>
        %shift_left3A_2199 = arith.constant 17 : i32
        %shift_left3A_2200 = vector.broadcast %shift_left3A_2199 : i32 to vector<16xi32>
        %shift_left3A_2201 = arith.shli %add3A_2197, %shift_left3A_2200 : vector<16xi32>
        %shift_right_logical3A_2202 = arith.constant 15 : i32
        %shift_right_logical3A_2203 = vector.broadcast %shift_right_logical3A_2202 : i32 to vector<16xi32>
        %shift_right_logical3A_2204 = arith.shrui %add3A_2197, %shift_right_logical3A_2203 : vector<16xi32>
        %or3A_2205 = arith.ori %shift_left3A_2201, %shift_right_logical3A_2204 : vector<16xi32>
        %xor3A_2206 = arith.xori %add3A_2198, %or3A_2205 : vector<16xi32>
        %add3A_2207 = arith.addi %add3A_2198, %xor3A_2206 : vector<16xi32>
        %shift_left3A_2208 = arith.constant 29 : i32
        %shift_left3A_2209 = vector.broadcast %shift_left3A_2208 : i32 to vector<16xi32>
        %shift_left3A_2210 = arith.shli %xor3A_2206, %shift_left3A_2209 : vector<16xi32>
        %shift_right_logical3A_2211 = arith.constant 3 : i32
        %shift_right_logical3A_2212 = vector.broadcast %shift_right_logical3A_2211 : i32 to vector<16xi32>
        %shift_right_logical3A_2213 = arith.shrui %xor3A_2206, %shift_right_logical3A_2212 : vector<16xi32>
        %or3A_2214 = arith.ori %shift_left3A_2210, %shift_right_logical3A_2213 : vector<16xi32>
        %xor3A_2215 = arith.xori %add3A_2207, %or3A_2214 : vector<16xi32>
        %add3A_2216 = arith.addi %add3A_2207, %xor3A_2215 : vector<16xi32>
        %shift_left3A_2217 = arith.constant 16 : i32
        %shift_left3A_2218 = vector.broadcast %shift_left3A_2217 : i32 to vector<16xi32>
        %shift_left3A_2219 = arith.shli %xor3A_2215, %shift_left3A_2218 : vector<16xi32>
        %shift_right_logical3A_2220 = arith.constant 16 : i32
        %shift_right_logical3A_2221 = vector.broadcast %shift_right_logical3A_2220 : i32 to vector<16xi32>
        %shift_right_logical3A_2222 = arith.shrui %xor3A_2215, %shift_right_logical3A_2221 : vector<16xi32>
        %or3A_2223 = arith.ori %shift_left3A_2219, %shift_right_logical3A_2222 : vector<16xi32>
        %xor3A_2224 = arith.xori %add3A_2216, %or3A_2223 : vector<16xi32>
        %add3A_2225 = arith.addi %add3A_2216, %xor3A_2224 : vector<16xi32>
        %shift_left3A_2226 = arith.constant 24 : i32
        %shift_left3A_2227 = vector.broadcast %shift_left3A_2226 : i32 to vector<16xi32>
        %shift_left3A_2228 = arith.shli %xor3A_2224, %shift_left3A_2227 : vector<16xi32>
        %shift_right_logical3A_2229 = arith.constant 8 : i32
        %shift_right_logical3A_2230 = vector.broadcast %shift_right_logical3A_2229 : i32 to vector<16xi32>
        %shift_right_logical3A_2231 = arith.shrui %xor3A_2224, %shift_right_logical3A_2230 : vector<16xi32>
        %or3A_2232 = arith.ori %shift_left3A_2228, %shift_right_logical3A_2231 : vector<16xi32>
        %xor3A_2233 = arith.xori %add3A_2225, %or3A_2232 : vector<16xi32>
        %add3A_2234 = arith.constant -514511544 : i32
        %add3A_2235 = vector.broadcast %add3A_2234 : i32 to vector<16xi32>
        %add3A_2236 = arith.addi %add3A_2225, %add3A_2235 : vector<16xi32>
        %add3A_2237 = arith.constant 928981905 : i32
        %add3A_2238 = vector.broadcast %add3A_2237 : i32 to vector<16xi32>
        %add3A_2239 = arith.addi %xor3A_2233, %add3A_2238 : vector<16xi32>
        %add3A_2240 = arith.addi %add3A_2236, %add3A_2239 : vector<16xi32>
        %shift_left3A_2241 = arith.constant 13 : i32
        %shift_left3A_2242 = vector.broadcast %shift_left3A_2241 : i32 to vector<16xi32>
        %shift_left3A_2243 = arith.shli %add3A_2239, %shift_left3A_2242 : vector<16xi32>
        %shift_right_logical3A_2244 = arith.constant 19 : i32
        %shift_right_logical3A_2245 = vector.broadcast %shift_right_logical3A_2244 : i32 to vector<16xi32>
        %shift_right_logical3A_2246 = arith.shrui %add3A_2239, %shift_right_logical3A_2245 : vector<16xi32>
        %or3A_2247 = arith.ori %shift_left3A_2243, %shift_right_logical3A_2246 : vector<16xi32>
        %xor3A_2248 = arith.xori %add3A_2240, %or3A_2247 : vector<16xi32>
        %add3A_2249 = arith.addi %add3A_2240, %xor3A_2248 : vector<16xi32>
        %shift_left3A_2250 = arith.constant 15 : i32
        %shift_left3A_2251 = vector.broadcast %shift_left3A_2250 : i32 to vector<16xi32>
        %shift_left3A_2252 = arith.shli %xor3A_2248, %shift_left3A_2251 : vector<16xi32>
        %shift_right_logical3A_2253 = arith.constant 17 : i32
        %shift_right_logical3A_2254 = vector.broadcast %shift_right_logical3A_2253 : i32 to vector<16xi32>
        %shift_right_logical3A_2255 = arith.shrui %xor3A_2248, %shift_right_logical3A_2254 : vector<16xi32>
        %or3A_2256 = arith.ori %shift_left3A_2252, %shift_right_logical3A_2255 : vector<16xi32>
        %xor3A_2257 = arith.xori %add3A_2249, %or3A_2256 : vector<16xi32>
        %add3A_2258 = arith.addi %add3A_2249, %xor3A_2257 : vector<16xi32>
        %shift_left3A_2259 = arith.constant 26 : i32
        %shift_left3A_2260 = vector.broadcast %shift_left3A_2259 : i32 to vector<16xi32>
        %shift_left3A_2261 = arith.shli %xor3A_2257, %shift_left3A_2260 : vector<16xi32>
        %shift_right_logical3A_2262 = arith.constant 6 : i32
        %shift_right_logical3A_2263 = vector.broadcast %shift_right_logical3A_2262 : i32 to vector<16xi32>
        %shift_right_logical3A_2264 = arith.shrui %xor3A_2257, %shift_right_logical3A_2263 : vector<16xi32>
        %or3A_2265 = arith.ori %shift_left3A_2261, %shift_right_logical3A_2264 : vector<16xi32>
        %xor3A_2266 = arith.xori %add3A_2258, %or3A_2265 : vector<16xi32>
        %add3A_2267 = arith.addi %add3A_2258, %xor3A_2266 : vector<16xi32>
        %shift_left3A_2268 = arith.constant 6 : i32
        %shift_left3A_2269 = vector.broadcast %shift_left3A_2268 : i32 to vector<16xi32>
        %shift_left3A_2270 = arith.shli %xor3A_2266, %shift_left3A_2269 : vector<16xi32>
        %shift_right_logical3A_2271 = arith.constant 26 : i32
        %shift_right_logical3A_2272 = vector.broadcast %shift_right_logical3A_2271 : i32 to vector<16xi32>
        %shift_right_logical3A_2273 = arith.shrui %xor3A_2266, %shift_right_logical3A_2272 : vector<16xi32>
        %or3A_2274 = arith.ori %shift_left3A_2270, %shift_right_logical3A_2273 : vector<16xi32>
        %xor3A_2275 = arith.xori %add3A_2267, %or3A_2274 : vector<16xi32>
        %add3A_2276 = arith.constant 928981903 : i32
        %add3A_2277 = vector.broadcast %add3A_2276 : i32 to vector<16xi32>
        %add3A_2278 = arith.addi %add3A_2267, %add3A_2277 : vector<16xi32>
        %add3A_2279 = arith.constant -841280224 : i32
        %add3A_2280 = vector.broadcast %add3A_2279 : i32 to vector<16xi32>
        %add3A_2281 = arith.addi %xor3A_2275, %add3A_2280 : vector<16xi32>
        %add3A_2282 = arith.addi %add3A_2278, %add3A_2281 : vector<16xi32>
        %shift_left3A_2283 = arith.constant 17 : i32
        %shift_left3A_2284 = vector.broadcast %shift_left3A_2283 : i32 to vector<16xi32>
        %shift_left3A_2285 = arith.shli %add3A_2281, %shift_left3A_2284 : vector<16xi32>
        %shift_right_logical3A_2286 = arith.constant 15 : i32
        %shift_right_logical3A_2287 = vector.broadcast %shift_right_logical3A_2286 : i32 to vector<16xi32>
        %shift_right_logical3A_2288 = arith.shrui %add3A_2281, %shift_right_logical3A_2287 : vector<16xi32>
        %or3A_2289 = arith.ori %shift_left3A_2285, %shift_right_logical3A_2288 : vector<16xi32>
        %xor3A_2290 = arith.xori %add3A_2282, %or3A_2289 : vector<16xi32>
        %add3A_2291 = arith.addi %add3A_2282, %xor3A_2290 : vector<16xi32>
        %shift_left3A_2292 = arith.constant 29 : i32
        %shift_left3A_2293 = vector.broadcast %shift_left3A_2292 : i32 to vector<16xi32>
        %shift_left3A_2294 = arith.shli %xor3A_2290, %shift_left3A_2293 : vector<16xi32>
        %shift_right_logical3A_2295 = arith.constant 3 : i32
        %shift_right_logical3A_2296 = vector.broadcast %shift_right_logical3A_2295 : i32 to vector<16xi32>
        %shift_right_logical3A_2297 = arith.shrui %xor3A_2290, %shift_right_logical3A_2296 : vector<16xi32>
        %or3A_2298 = arith.ori %shift_left3A_2294, %shift_right_logical3A_2297 : vector<16xi32>
        %xor3A_2299 = arith.xori %add3A_2291, %or3A_2298 : vector<16xi32>
        %add3A_2300 = arith.addi %add3A_2291, %xor3A_2299 : vector<16xi32>
        %shift_left3A_2301 = arith.constant 16 : i32
        %shift_left3A_2302 = vector.broadcast %shift_left3A_2301 : i32 to vector<16xi32>
        %shift_left3A_2303 = arith.shli %xor3A_2299, %shift_left3A_2302 : vector<16xi32>
        %shift_right_logical3A_2304 = arith.constant 16 : i32
        %shift_right_logical3A_2305 = vector.broadcast %shift_right_logical3A_2304 : i32 to vector<16xi32>
        %shift_right_logical3A_2306 = arith.shrui %xor3A_2299, %shift_right_logical3A_2305 : vector<16xi32>
        %or3A_2307 = arith.ori %shift_left3A_2303, %shift_right_logical3A_2306 : vector<16xi32>
        %xor3A_2308 = arith.xori %add3A_2300, %or3A_2307 : vector<16xi32>
        %add3A_2309 = arith.addi %add3A_2300, %xor3A_2308 : vector<16xi32>
        %shift_left3A_2310 = arith.constant 24 : i32
        %shift_left3A_2311 = vector.broadcast %shift_left3A_2310 : i32 to vector<16xi32>
        %shift_left3A_2312 = arith.shli %xor3A_2308, %shift_left3A_2311 : vector<16xi32>
        %shift_right_logical3A_2313 = arith.constant 8 : i32
        %shift_right_logical3A_2314 = vector.broadcast %shift_right_logical3A_2313 : i32 to vector<16xi32>
        %shift_right_logical3A_2315 = arith.shrui %xor3A_2308, %shift_right_logical3A_2314 : vector<16xi32>
        %or3A_2316 = arith.ori %shift_left3A_2312, %shift_right_logical3A_2315 : vector<16xi32>
        %xor3A_2317 = arith.xori %add3A_2309, %or3A_2316 : vector<16xi32>
        %add3A_2318 = arith.constant -841280227 : i32
        %add3A_2319 = vector.broadcast %add3A_2318 : i32 to vector<16xi32>
        %add3A_2320 = arith.addi %add3A_2309, %add3A_2319 : vector<16xi32>
        %add3A_2321 = arith.constant -514511540 : i32
        %add3A_2322 = vector.broadcast %add3A_2321 : i32 to vector<16xi32>
        %add3A_2323 = arith.addi %xor3A_2317, %add3A_2322 : vector<16xi32>
        %add3A_2324 = arith.addi %add3A_2320, %add3A_2323 : vector<16xi32>
        %shift_left3A_2325 = arith.constant 13 : i32
        %shift_left3A_2326 = vector.broadcast %shift_left3A_2325 : i32 to vector<16xi32>
        %shift_left3A_2327 = arith.shli %add3A_2323, %shift_left3A_2326 : vector<16xi32>
        %shift_right_logical3A_2328 = arith.constant 19 : i32
        %shift_right_logical3A_2329 = vector.broadcast %shift_right_logical3A_2328 : i32 to vector<16xi32>
        %shift_right_logical3A_2330 = arith.shrui %add3A_2323, %shift_right_logical3A_2329 : vector<16xi32>
        %or3A_2331 = arith.ori %shift_left3A_2327, %shift_right_logical3A_2330 : vector<16xi32>
        %xor3A_2332 = arith.xori %add3A_2324, %or3A_2331 : vector<16xi32>
        %add3A_2333 = arith.addi %add3A_2324, %xor3A_2332 : vector<16xi32>
        %shift_left3A_2334 = arith.constant 15 : i32
        %shift_left3A_2335 = vector.broadcast %shift_left3A_2334 : i32 to vector<16xi32>
        %shift_left3A_2336 = arith.shli %xor3A_2332, %shift_left3A_2335 : vector<16xi32>
        %shift_right_logical3A_2337 = arith.constant 17 : i32
        %shift_right_logical3A_2338 = vector.broadcast %shift_right_logical3A_2337 : i32 to vector<16xi32>
        %shift_right_logical3A_2339 = arith.shrui %xor3A_2332, %shift_right_logical3A_2338 : vector<16xi32>
        %or3A_2340 = arith.ori %shift_left3A_2336, %shift_right_logical3A_2339 : vector<16xi32>
        %xor3A_2341 = arith.xori %add3A_2333, %or3A_2340 : vector<16xi32>
        %add3A_2342 = arith.addi %add3A_2333, %xor3A_2341 : vector<16xi32>
        %shift_left3A_2343 = arith.constant 26 : i32
        %shift_left3A_2344 = vector.broadcast %shift_left3A_2343 : i32 to vector<16xi32>
        %shift_left3A_2345 = arith.shli %xor3A_2341, %shift_left3A_2344 : vector<16xi32>
        %shift_right_logical3A_2346 = arith.constant 6 : i32
        %shift_right_logical3A_2347 = vector.broadcast %shift_right_logical3A_2346 : i32 to vector<16xi32>
        %shift_right_logical3A_2348 = arith.shrui %xor3A_2341, %shift_right_logical3A_2347 : vector<16xi32>
        %or3A_2349 = arith.ori %shift_left3A_2345, %shift_right_logical3A_2348 : vector<16xi32>
        %xor3A_2350 = arith.xori %add3A_2342, %or3A_2349 : vector<16xi32>
        %add3A_2351 = arith.addi %add3A_2342, %xor3A_2350 : vector<16xi32>
        %shift_left3A_2352 = arith.constant 6 : i32
        %shift_left3A_2353 = vector.broadcast %shift_left3A_2352 : i32 to vector<16xi32>
        %shift_left3A_2354 = arith.shli %xor3A_2350, %shift_left3A_2353 : vector<16xi32>
        %shift_right_logical3A_2355 = arith.constant 26 : i32
        %shift_right_logical3A_2356 = vector.broadcast %shift_right_logical3A_2355 : i32 to vector<16xi32>
        %shift_right_logical3A_2357 = arith.shrui %xor3A_2350, %shift_right_logical3A_2356 : vector<16xi32>
        %or3A_2358 = arith.ori %shift_left3A_2354, %shift_right_logical3A_2357 : vector<16xi32>
        %xor3A_2359 = arith.xori %add3A_2351, %or3A_2358 : vector<16xi32>
        %add3A_2360 = arith.constant -514511544 : i32
        %add3A_2361 = vector.broadcast %add3A_2360 : i32 to vector<16xi32>
        %add3A_2362 = arith.addi %add3A_2351, %add3A_2361 : vector<16xi32>
        %add3A_2363 = arith.constant 928981908 : i32
        %add3A_2364 = vector.broadcast %add3A_2363 : i32 to vector<16xi32>
        %add3A_2365 = arith.addi %xor3A_2359, %add3A_2364 : vector<16xi32>
        %xor3A_2366 = arith.xori %add3A_2362, %add3A_2365 : vector<16xi32>
        %shift_right_logical3A_2367 = arith.constant 9 : i32
        %shift_right_logical3A_2368 = vector.broadcast %shift_right_logical3A_2367 : i32 to vector<16xi32>
        %shift_right_logical3A_2369 = arith.shrui %xor3A_2366, %shift_right_logical3A_2368 : vector<16xi32>
        %or3A_2370 = arith.constant 1065353216 : i32
        %or3A_2371 = vector.broadcast %or3A_2370 : i32 to vector<16xi32>
        %or3A_2372 = arith.ori %shift_right_logical3A_2369, %or3A_2371 : vector<16xi32>
        %bitcast_convert_type3A_2373 = tpu.bitcast %or3A_2372 : vector<16xi32> -> vector<16xf32>
        %sub3A_2374 = arith.constant 1.000000e+00 : f32
        %sub3A_2375 = vector.broadcast %sub3A_2374 : f32 to vector<16xf32>
        %sub3A_2376 = arith.subf %bitcast_convert_type3A_2373, %sub3A_2375 : vector<16xf32>
        %max3A_2377 = arith.constant 9.99999968E-21 : f32
        %max3A_2378 = vector.broadcast %max3A_2377 : f32 to vector<16xf32>
        %max3A_2379 = arith.maximumf %sub3A_2376, %max3A_2378 : vector<16xf32>
        %bitcast_convert_type3A_2380 = tpu.bitcast %max3A_2379 : vector<16xf32> -> vector<16xi32>
        %shift_right_logical3A_2381 = arith.constant 23 : i32
        %shift_right_logical3A_2382 = vector.broadcast %shift_right_logical3A_2381 : i32 to vector<16xi32>
        %shift_right_logical3A_2383 = arith.shrui %bitcast_convert_type3A_2380, %shift_right_logical3A_2382 : vector<16xi32>
        %and3A_2384 = arith.constant 255 : i32
        %and3A_2385 = vector.broadcast %and3A_2384 : i32 to vector<16xi32>
        %and3A_2386 = arith.andi %shift_right_logical3A_2383, %and3A_2385 : vector<16xi32>
        %sub3A_2387 = arith.constant 127 : i32
        %sub3A_2388 = vector.broadcast %sub3A_2387 : i32 to vector<16xi32>
        %sub3A_2389 = arith.subi %and3A_2386, %sub3A_2388 : vector<16xi32>
        %and3A_2390 = arith.constant 8388607 : i32
        %and3A_2391 = vector.broadcast %and3A_2390 : i32 to vector<16xi32>
        %and3A_2392 = arith.andi %bitcast_convert_type3A_2380, %and3A_2391 : vector<16xi32>
        %or3A_2393 = arith.constant 1065353216 : i32
        %or3A_2394 = vector.broadcast %or3A_2393 : i32 to vector<16xi32>
        %or3A_2395 = arith.ori %and3A_2392, %or3A_2394 : vector<16xi32>
        %bitcast_convert_type3A_2396 = tpu.bitcast %or3A_2395 : vector<16xi32> -> vector<16xf32>
        %gt3A_2397 = arith.constant 1.41421354 : f32
        %gt3A_2398 = vector.broadcast %gt3A_2397 : f32 to vector<16xf32>
        %gt3A_2399 = arith.cmpf ogt, %bitcast_convert_type3A_2396, %gt3A_2398 : vector<16xf32>
        %mul3A_2400 = arith.constant 5.000000e-01 : f32
        %mul3A_2401 = vector.broadcast %mul3A_2400 : f32 to vector<16xf32>
        %mul3A_2402 = arith.mulf %bitcast_convert_type3A_2396, %mul3A_2401 : vector<16xf32>
        %select_n3A_2403 = arith.select %gt3A_2399, %mul3A_2402, %bitcast_convert_type3A_2396 : vector<16xi1>, vector<16xf32>
        %jit3A_2404 = arith.constant 1 : i32
        %jit3A_2405 = arith.constant 0 : i32
        %broadcast_in_dim3A_2406 = vector.broadcast %jit3A_2404 : i32 to vector<16xi32>
        %broadcast_in_dim3A_2407 = vector.broadcast %jit3A_2405 : i32 to vector<16xi32>
        %select_n3A_2408 = arith.select %gt3A_2399, %broadcast_in_dim3A_2406, %broadcast_in_dim3A_2407 : vector<16xi1>, vector<16xi32>
        %add3A_2409 = arith.addi %sub3A_2389, %select_n3A_2408 : vector<16xi32>
        %convert_element_type3A_2410 = arith.sitofp %add3A_2409 : vector<16xi32> to vector<16xf32>
        %sub3A_2411 = arith.constant 1.000000e+00 : f32
        %sub3A_2412 = vector.broadcast %sub3A_2411 : f32 to vector<16xf32>
        %sub3A_2413 = arith.subf %select_n3A_2403, %sub3A_2412 : vector<16xf32>
        %add3A_2414 = arith.constant 1.000000e+00 : f32
        %add3A_2415 = vector.broadcast %add3A_2414 : f32 to vector<16xf32>
        %add3A_2416 = arith.addf %select_n3A_2403, %add3A_2415 : vector<16xf32>
        %div3A_2417 = arith.divf %sub3A_2413, %add3A_2416 : vector<16xf32>
        %mul3A_2418 = arith.mulf %div3A_2417, %div3A_2417 : vector<16xf32>
        %mul3A_2419 = arith.constant 0.285714298 : f32
        %mul3A_2420 = vector.broadcast %mul3A_2419 : f32 to vector<16xf32>
        %mul3A_2421 = arith.mulf %mul3A_2418, %mul3A_2420 : vector<16xf32>
        %add3A_2422 = arith.constant 4.000000e-01 : f32
        %add3A_2423 = vector.broadcast %add3A_2422 : f32 to vector<16xf32>
        %add3A_2424 = arith.addf %add3A_2423, %mul3A_2421 : vector<16xf32>
        %mul3A_2425 = arith.mulf %mul3A_2418, %add3A_2424 : vector<16xf32>
        %add3A_2426 = arith.constant 0.666666686 : f32
        %add3A_2427 = vector.broadcast %add3A_2426 : f32 to vector<16xf32>
        %add3A_2428 = arith.addf %add3A_2427, %mul3A_2425 : vector<16xf32>
        %mul3A_2429 = arith.mulf %mul3A_2418, %add3A_2428 : vector<16xf32>
        %add3A_2430 = arith.constant 2.000000e+00 : f32
        %add3A_2431 = vector.broadcast %add3A_2430 : f32 to vector<16xf32>
        %add3A_2432 = arith.addf %add3A_2431, %mul3A_2429 : vector<16xf32>
        %mul3A_2433 = arith.mulf %div3A_2417, %add3A_2432 : vector<16xf32>
        %mul3A_2434 = arith.constant 0.693147182 : f32
        %mul3A_2435 = vector.broadcast %mul3A_2434 : f32 to vector<16xf32>
        %mul3A_2436 = arith.mulf %convert_element_type3A_2410, %mul3A_2435 : vector<16xf32>
        %add3A_2437 = arith.addf %mul3A_2436, %mul3A_2433 : vector<16xf32>
        %neg3A_2438 = arith.constant 0.000000e+00 : f32
        %neg3A_2439 = vector.broadcast %neg3A_2438 : f32 to vector<16xf32>
        %neg3A_2440 = arith.subf %neg3A_2439, %add3A_2437 : vector<16xf32>
        %sub3A_2441 = arith.subf %get3A_1847, %get3A_1850 : vector<16xf32>
        %exp3A_2442 = math.exp %sub3A_2441 : vector<16xf32>
        %mul3A_2443 = arith.mulf %neg3A_2440, %exp3A_2442 : vector<16xf32>
        %le3A_2444 = arith.cmpf ole, %neg3A_2147, %mul3A_2443 : vector<16xf32>
        %jit3A_2445 = arith.constant 1.000000e+00 : f32
        %jit3A_2446 = arith.constant 0.000000e+00 : f32
        %broadcast_in_dim3A_2447 = vector.broadcast %jit3A_2445 : f32 to vector<16xf32>
        %broadcast_in_dim3A_2448 = vector.broadcast %jit3A_2446 : f32 to vector<16xf32>
        %select_n3A_2449 = arith.select %le3A_2444, %broadcast_in_dim3A_2447, %broadcast_in_dim3A_2448 : vector<16xi1>, vector<16xf32>
        %swap3A_2450 = arith.index_cast %add3A_1844 : i32 to index
        %swap3A_2451 = tpu.vector_load %arg6[%swap3A_2450] {strides = array<i32>} : memref<4096xf32, #tpu.memory_space<vmem>>, vector<16xf32>,
        %swap3A_2452 = vector.shape_cast %swap3A_2451 : vector<16xf32> to vector<16xf32>
        %swap3A_2453 = vector.shape_cast %select_n3A_2449 : vector<16xf32> to vector<16xf32>
        tpu.vector_store %arg6[%swap3A_2450], %swap3A_2453 {strides = array<i32>} : memref<4096xf32, #tpu.memory_space<vmem>>, vector<16xf32>,
      }
      %scan3A_18 = arith.constant 64 : i32
      %mul3A_19 = arith.constant 24 : i32
      %mul3A_20 = arith.muli %add3A, %mul3A_19 : i32
      %add3A_21 = arith.addi %mul3A_20, %scan3A_6 : i32
      %mul3A_22 = arith.constant 4096 : i32
      %mul3A_23 = arith.muli %add3A_21, %mul3A_22 : i32
      "tpu.region"() ({
        %run_scoped3A_24 = tpu.sem_alloc : memref<!tpu.dma_semaphore, #tpu.memory_space<semaphore_mem>>
        %dma_start3A = tpu.memref_slice %arg3[%mul3A_23] : memref<3145728xf32, #tpu.memory_space<hbm>> -> memref<4096xf32, #tpu.memory_space<hbm>>
        %dma_start3A_25 = tpu.memref_slice %arg3[%mul3A_23] : memref<3145728xf32, #tpu.memory_space<hbm>> -> memref<4096xf32, #tpu.memory_space<hbm>>
        tpu.enqueue_dma source(%arg6 : memref<4096xf32, #tpu.memory_space<vmem>>) target(%dma_start3A_25 : memref<4096xf32, #tpu.memory_space<hbm>>) target_semaphore(%run_scoped3A_24 : memref<!tpu.dma_semaphore, #tpu.memory_space<semaphore_mem>>)
        %dma_wait3A = tpu.memref_slice %arg3[%mul3A_23] : memref<3145728xf32, #tpu.memory_space<hbm>> -> memref<4096xf32, #tpu.memory_space<hbm>>
        %dma_wait3A_26 = tpu.memref_slice %arg3[%mul3A_23] : memref<3145728xf32, #tpu.memory_space<hbm>> -> memref<4096xf32, #tpu.memory_space<hbm>>
        tpu.wait_dma2 semaphore(%run_scoped3A_24 : memref<!tpu.dma_semaphore, #tpu.memory_space<semaphore_mem>>) src(%arg6 : memref<4096xf32, #tpu.memory_space<vmem>>) dst(%dma_wait3A_26 : memref<4096xf32, #tpu.memory_space<hbm>>)
        tpu.yield
      }) : () -> ()
    }
    %scan3A_5 = arith.constant 24 : i32
    return
  }
}

module attributes {stable_mosaic.version = 14 : i64} {
  func.func @_gumbel_kernel(%arg0: i32, %arg1: memref<128x2x4096xf32, #tpu.memory_space<vmem>>, %arg2: memref<128x4096xf32, #tpu.memory_space<vmem>>) attributes {dimension_semantics = [#tpu.dimension_semantics<arbitrary>], iteration_bounds = array<i64: 26>, scalar_prefetch = 0 : i64, scratch_operands = 0 : i64, tpu.core_type = #tpu.core_type<tc>, window_params = [{transform_indices = @transform_0, window_bounds = array<i64: 128, 2, 4096>}, {transform_indices = @transform_1, window_bounds = array<i64: 128, 4096>}]} {
    %get3A = arith.constant 0 : index
    %get3A_0 = arith.constant 0 : index
    %get3A_1 = arith.constant 0 : index
    %get3A_2 = vector.load %arg1[%get3A, %get3A_0, %get3A_1] : memref<128x2x4096xf32, #tpu.memory_space<vmem>>, vector<128x1x4096xf32>
    %get3A_3 = vector.shape_cast %get3A_2 : vector<128x1x4096xf32> to vector<128x4096xf32>
    %get3A_4 = arith.constant 0 : index
    %get3A_5 = arith.constant 1 : index
    %get3A_6 = arith.constant 0 : index
    %get3A_7 = vector.load %arg1[%get3A_4, %get3A_5, %get3A_6] : memref<128x2x4096xf32, #tpu.memory_space<vmem>>, vector<128x1x4096xf32>
    %get3A_8 = vector.shape_cast %get3A_7 : vector<128x1x4096xf32> to vector<128x4096xf32>
    %iota3A = tpu.iota {dimensions = array<i32: 0>} : vector<128x4096xi32>
    %iota3A_9 = tpu.iota {dimensions = array<i32: 1>} : vector<128x4096xi32>
    %mul3A = arith.constant 128 : i32
    %mul3A_10 = arith.muli %arg0, %mul3A : i32
    %add3A = vector.broadcast %mul3A_10 : i32 to vector<128x4096xi32>
    %add3A_11 = arith.addi %iota3A, %add3A : vector<128x4096xi32>
    %mul3A_12 = arith.constant 8192 : i32
    %mul3A_13 = vector.broadcast %mul3A_12 : i32 to vector<128x4096xi32>
    %mul3A_14 = arith.muli %add3A_11, %mul3A_13 : vector<128x4096xi32>
    %mul3A_15 = arith.constant 2 : i32
    %mul3A_16 = vector.broadcast %mul3A_15 : i32 to vector<128x4096xi32>
    %mul3A_17 = arith.muli %iota3A_9, %mul3A_16 : vector<128x4096xi32>
    %add3A_18 = arith.addi %mul3A_14, %mul3A_17 : vector<128x4096xi32>
    %broadcast_in_dim3A = arith.constant 928981903 : i32
    %broadcast_in_dim3A_19 = vector.broadcast %broadcast_in_dim3A : i32 to vector<128x4096xi32>
    %add3A_20 = arith.constant -841280227 : i32
    %add3A_21 = vector.broadcast %add3A_20 : i32 to vector<128x4096xi32>
    %add3A_22 = arith.addi %add3A_18, %add3A_21 : vector<128x4096xi32>
    %add3A_23 = arith.addi %broadcast_in_dim3A_19, %add3A_22 : vector<128x4096xi32>
    %shift_left3A = arith.constant 13 : i32
    %shift_left3A_24 = vector.broadcast %shift_left3A : i32 to vector<128x4096xi32>
    %shift_left3A_25 = arith.shli %add3A_22, %shift_left3A_24 : vector<128x4096xi32>
    %shift_right_logical3A = arith.constant 19 : i32
    %shift_right_logical3A_26 = vector.broadcast %shift_right_logical3A : i32 to vector<128x4096xi32>
    %shift_right_logical3A_27 = arith.shrui %add3A_22, %shift_right_logical3A_26 : vector<128x4096xi32>
    %or3A = arith.ori %shift_left3A_25, %shift_right_logical3A_27 : vector<128x4096xi32>
    %xor3A = arith.xori %add3A_23, %or3A : vector<128x4096xi32>
    %add3A_28 = arith.addi %add3A_23, %xor3A : vector<128x4096xi32>
    %shift_left3A_29 = arith.constant 15 : i32
    %shift_left3A_30 = vector.broadcast %shift_left3A_29 : i32 to vector<128x4096xi32>
    %shift_left3A_31 = arith.shli %xor3A, %shift_left3A_30 : vector<128x4096xi32>
    %shift_right_logical3A_32 = arith.constant 17 : i32
    %shift_right_logical3A_33 = vector.broadcast %shift_right_logical3A_32 : i32 to vector<128x4096xi32>
    %shift_right_logical3A_34 = arith.shrui %xor3A, %shift_right_logical3A_33 : vector<128x4096xi32>
    %or3A_35 = arith.ori %shift_left3A_31, %shift_right_logical3A_34 : vector<128x4096xi32>
    %xor3A_36 = arith.xori %add3A_28, %or3A_35 : vector<128x4096xi32>
    %add3A_37 = arith.addi %add3A_28, %xor3A_36 : vector<128x4096xi32>
    %shift_left3A_38 = arith.constant 26 : i32
    %shift_left3A_39 = vector.broadcast %shift_left3A_38 : i32 to vector<128x4096xi32>
    %shift_left3A_40 = arith.shli %xor3A_36, %shift_left3A_39 : vector<128x4096xi32>
    %shift_right_logical3A_41 = arith.constant 6 : i32
    %shift_right_logical3A_42 = vector.broadcast %shift_right_logical3A_41 : i32 to vector<128x4096xi32>
    %shift_right_logical3A_43 = arith.shrui %xor3A_36, %shift_right_logical3A_42 : vector<128x4096xi32>
    %or3A_44 = arith.ori %shift_left3A_40, %shift_right_logical3A_43 : vector<128x4096xi32>
    %xor3A_45 = arith.xori %add3A_37, %or3A_44 : vector<128x4096xi32>
    %add3A_46 = arith.addi %add3A_37, %xor3A_45 : vector<128x4096xi32>
    %shift_left3A_47 = arith.constant 6 : i32
    %shift_left3A_48 = vector.broadcast %shift_left3A_47 : i32 to vector<128x4096xi32>
    %shift_left3A_49 = arith.shli %xor3A_45, %shift_left3A_48 : vector<128x4096xi32>
    %shift_right_logical3A_50 = arith.constant 26 : i32
    %shift_right_logical3A_51 = vector.broadcast %shift_right_logical3A_50 : i32 to vector<128x4096xi32>
    %shift_right_logical3A_52 = arith.shrui %xor3A_45, %shift_right_logical3A_51 : vector<128x4096xi32>
    %or3A_53 = arith.ori %shift_left3A_49, %shift_right_logical3A_52 : vector<128x4096xi32>
    %xor3A_54 = arith.xori %add3A_46, %or3A_53 : vector<128x4096xi32>
    %add3A_55 = arith.constant -841280227 : i32
    %add3A_56 = vector.broadcast %add3A_55 : i32 to vector<128x4096xi32>
    %add3A_57 = arith.addi %add3A_46, %add3A_56 : vector<128x4096xi32>
    %add3A_58 = arith.constant -514511543 : i32
    %add3A_59 = vector.broadcast %add3A_58 : i32 to vector<128x4096xi32>
    %add3A_60 = arith.addi %xor3A_54, %add3A_59 : vector<128x4096xi32>
    %add3A_61 = arith.addi %add3A_57, %add3A_60 : vector<128x4096xi32>
    %shift_left3A_62 = arith.constant 17 : i32
    %shift_left3A_63 = vector.broadcast %shift_left3A_62 : i32 to vector<128x4096xi32>
    %shift_left3A_64 = arith.shli %add3A_60, %shift_left3A_63 : vector<128x4096xi32>
    %shift_right_logical3A_65 = arith.constant 15 : i32
    %shift_right_logical3A_66 = vector.broadcast %shift_right_logical3A_65 : i32 to vector<128x4096xi32>
    %shift_right_logical3A_67 = arith.shrui %add3A_60, %shift_right_logical3A_66 : vector<128x4096xi32>
    %or3A_68 = arith.ori %shift_left3A_64, %shift_right_logical3A_67 : vector<128x4096xi32>
    %xor3A_69 = arith.xori %add3A_61, %or3A_68 : vector<128x4096xi32>
    %add3A_70 = arith.addi %add3A_61, %xor3A_69 : vector<128x4096xi32>
    %shift_left3A_71 = arith.constant 29 : i32
    %shift_left3A_72 = vector.broadcast %shift_left3A_71 : i32 to vector<128x4096xi32>
    %shift_left3A_73 = arith.shli %xor3A_69, %shift_left3A_72 : vector<128x4096xi32>
    %shift_right_logical3A_74 = arith.constant 3 : i32
    %shift_right_logical3A_75 = vector.broadcast %shift_right_logical3A_74 : i32 to vector<128x4096xi32>
    %shift_right_logical3A_76 = arith.shrui %xor3A_69, %shift_right_logical3A_75 : vector<128x4096xi32>
    %or3A_77 = arith.ori %shift_left3A_73, %shift_right_logical3A_76 : vector<128x4096xi32>
    %xor3A_78 = arith.xori %add3A_70, %or3A_77 : vector<128x4096xi32>
    %add3A_79 = arith.addi %add3A_70, %xor3A_78 : vector<128x4096xi32>
    %shift_left3A_80 = arith.constant 16 : i32
    %shift_left3A_81 = vector.broadcast %shift_left3A_80 : i32 to vector<128x4096xi32>
    %shift_left3A_82 = arith.shli %xor3A_78, %shift_left3A_81 : vector<128x4096xi32>
    %shift_right_logical3A_83 = arith.constant 16 : i32
    %shift_right_logical3A_84 = vector.broadcast %shift_right_logical3A_83 : i32 to vector<128x4096xi32>
    %shift_right_logical3A_85 = arith.shrui %xor3A_78, %shift_right_logical3A_84 : vector<128x4096xi32>
    %or3A_86 = arith.ori %shift_left3A_82, %shift_right_logical3A_85 : vector<128x4096xi32>
    %xor3A_87 = arith.xori %add3A_79, %or3A_86 : vector<128x4096xi32>
    %add3A_88 = arith.addi %add3A_79, %xor3A_87 : vector<128x4096xi32>
    %shift_left3A_89 = arith.constant 24 : i32
    %shift_left3A_90 = vector.broadcast %shift_left3A_89 : i32 to vector<128x4096xi32>
    %shift_left3A_91 = arith.shli %xor3A_87, %shift_left3A_90 : vector<128x4096xi32>
    %shift_right_logical3A_92 = arith.constant 8 : i32
    %shift_right_logical3A_93 = vector.broadcast %shift_right_logical3A_92 : i32 to vector<128x4096xi32>
    %shift_right_logical3A_94 = arith.shrui %xor3A_87, %shift_right_logical3A_93 : vector<128x4096xi32>
    %or3A_95 = arith.ori %shift_left3A_91, %shift_right_logical3A_94 : vector<128x4096xi32>
    %xor3A_96 = arith.xori %add3A_88, %or3A_95 : vector<128x4096xi32>
    %add3A_97 = arith.constant -514511544 : i32
    %add3A_98 = vector.broadcast %add3A_97 : i32 to vector<128x4096xi32>
    %add3A_99 = arith.addi %add3A_88, %add3A_98 : vector<128x4096xi32>
    %add3A_100 = arith.constant 928981905 : i32
    %add3A_101 = vector.broadcast %add3A_100 : i32 to vector<128x4096xi32>
    %add3A_102 = arith.addi %xor3A_96, %add3A_101 : vector<128x4096xi32>
    %add3A_103 = arith.addi %add3A_99, %add3A_102 : vector<128x4096xi32>
    %shift_left3A_104 = arith.constant 13 : i32
    %shift_left3A_105 = vector.broadcast %shift_left3A_104 : i32 to vector<128x4096xi32>
    %shift_left3A_106 = arith.shli %add3A_102, %shift_left3A_105 : vector<128x4096xi32>
    %shift_right_logical3A_107 = arith.constant 19 : i32
    %shift_right_logical3A_108 = vector.broadcast %shift_right_logical3A_107 : i32 to vector<128x4096xi32>
    %shift_right_logical3A_109 = arith.shrui %add3A_102, %shift_right_logical3A_108 : vector<128x4096xi32>
    %or3A_110 = arith.ori %shift_left3A_106, %shift_right_logical3A_109 : vector<128x4096xi32>
    %xor3A_111 = arith.xori %add3A_103, %or3A_110 : vector<128x4096xi32>
    %add3A_112 = arith.addi %add3A_103, %xor3A_111 : vector<128x4096xi32>
    %shift_left3A_113 = arith.constant 15 : i32
    %shift_left3A_114 = vector.broadcast %shift_left3A_113 : i32 to vector<128x4096xi32>
    %shift_left3A_115 = arith.shli %xor3A_111, %shift_left3A_114 : vector<128x4096xi32>
    %shift_right_logical3A_116 = arith.constant 17 : i32
    %shift_right_logical3A_117 = vector.broadcast %shift_right_logical3A_116 : i32 to vector<128x4096xi32>
    %shift_right_logical3A_118 = arith.shrui %xor3A_111, %shift_right_logical3A_117 : vector<128x4096xi32>
    %or3A_119 = arith.ori %shift_left3A_115, %shift_right_logical3A_118 : vector<128x4096xi32>
    %xor3A_120 = arith.xori %add3A_112, %or3A_119 : vector<128x4096xi32>
    %add3A_121 = arith.addi %add3A_112, %xor3A_120 : vector<128x4096xi32>
    %shift_left3A_122 = arith.constant 26 : i32
    %shift_left3A_123 = vector.broadcast %shift_left3A_122 : i32 to vector<128x4096xi32>
    %shift_left3A_124 = arith.shli %xor3A_120, %shift_left3A_123 : vector<128x4096xi32>
    %shift_right_logical3A_125 = arith.constant 6 : i32
    %shift_right_logical3A_126 = vector.broadcast %shift_right_logical3A_125 : i32 to vector<128x4096xi32>
    %shift_right_logical3A_127 = arith.shrui %xor3A_120, %shift_right_logical3A_126 : vector<128x4096xi32>
    %or3A_128 = arith.ori %shift_left3A_124, %shift_right_logical3A_127 : vector<128x4096xi32>
    %xor3A_129 = arith.xori %add3A_121, %or3A_128 : vector<128x4096xi32>
    %add3A_130 = arith.addi %add3A_121, %xor3A_129 : vector<128x4096xi32>
    %shift_left3A_131 = arith.constant 6 : i32
    %shift_left3A_132 = vector.broadcast %shift_left3A_131 : i32 to vector<128x4096xi32>
    %shift_left3A_133 = arith.shli %xor3A_129, %shift_left3A_132 : vector<128x4096xi32>
    %shift_right_logical3A_134 = arith.constant 26 : i32
    %shift_right_logical3A_135 = vector.broadcast %shift_right_logical3A_134 : i32 to vector<128x4096xi32>
    %shift_right_logical3A_136 = arith.shrui %xor3A_129, %shift_right_logical3A_135 : vector<128x4096xi32>
    %or3A_137 = arith.ori %shift_left3A_133, %shift_right_logical3A_136 : vector<128x4096xi32>
    %xor3A_138 = arith.xori %add3A_130, %or3A_137 : vector<128x4096xi32>
    %add3A_139 = arith.constant 928981903 : i32
    %add3A_140 = vector.broadcast %add3A_139 : i32 to vector<128x4096xi32>
    %add3A_141 = arith.addi %add3A_130, %add3A_140 : vector<128x4096xi32>
    %add3A_142 = arith.constant -841280224 : i32
    %add3A_143 = vector.broadcast %add3A_142 : i32 to vector<128x4096xi32>
    %add3A_144 = arith.addi %xor3A_138, %add3A_143 : vector<128x4096xi32>
    %add3A_145 = arith.addi %add3A_141, %add3A_144 : vector<128x4096xi32>
    %shift_left3A_146 = arith.constant 17 : i32
    %shift_left3A_147 = vector.broadcast %shift_left3A_146 : i32 to vector<128x4096xi32>
    %shift_left3A_148 = arith.shli %add3A_144, %shift_left3A_147 : vector<128x4096xi32>
    %shift_right_logical3A_149 = arith.constant 15 : i32
    %shift_right_logical3A_150 = vector.broadcast %shift_right_logical3A_149 : i32 to vector<128x4096xi32>
    %shift_right_logical3A_151 = arith.shrui %add3A_144, %shift_right_logical3A_150 : vector<128x4096xi32>
    %or3A_152 = arith.ori %shift_left3A_148, %shift_right_logical3A_151 : vector<128x4096xi32>
    %xor3A_153 = arith.xori %add3A_145, %or3A_152 : vector<128x4096xi32>
    %add3A_154 = arith.addi %add3A_145, %xor3A_153 : vector<128x4096xi32>
    %shift_left3A_155 = arith.constant 29 : i32
    %shift_left3A_156 = vector.broadcast %shift_left3A_155 : i32 to vector<128x4096xi32>
    %shift_left3A_157 = arith.shli %xor3A_153, %shift_left3A_156 : vector<128x4096xi32>
    %shift_right_logical3A_158 = arith.constant 3 : i32
    %shift_right_logical3A_159 = vector.broadcast %shift_right_logical3A_158 : i32 to vector<128x4096xi32>
    %shift_right_logical3A_160 = arith.shrui %xor3A_153, %shift_right_logical3A_159 : vector<128x4096xi32>
    %or3A_161 = arith.ori %shift_left3A_157, %shift_right_logical3A_160 : vector<128x4096xi32>
    %xor3A_162 = arith.xori %add3A_154, %or3A_161 : vector<128x4096xi32>
    %add3A_163 = arith.addi %add3A_154, %xor3A_162 : vector<128x4096xi32>
    %shift_left3A_164 = arith.constant 16 : i32
    %shift_left3A_165 = vector.broadcast %shift_left3A_164 : i32 to vector<128x4096xi32>
    %shift_left3A_166 = arith.shli %xor3A_162, %shift_left3A_165 : vector<128x4096xi32>
    %shift_right_logical3A_167 = arith.constant 16 : i32
    %shift_right_logical3A_168 = vector.broadcast %shift_right_logical3A_167 : i32 to vector<128x4096xi32>
    %shift_right_logical3A_169 = arith.shrui %xor3A_162, %shift_right_logical3A_168 : vector<128x4096xi32>
    %or3A_170 = arith.ori %shift_left3A_166, %shift_right_logical3A_169 : vector<128x4096xi32>
    %xor3A_171 = arith.xori %add3A_163, %or3A_170 : vector<128x4096xi32>
    %add3A_172 = arith.addi %add3A_163, %xor3A_171 : vector<128x4096xi32>
    %shift_left3A_173 = arith.constant 24 : i32
    %shift_left3A_174 = vector.broadcast %shift_left3A_173 : i32 to vector<128x4096xi32>
    %shift_left3A_175 = arith.shli %xor3A_171, %shift_left3A_174 : vector<128x4096xi32>
    %shift_right_logical3A_176 = arith.constant 8 : i32
    %shift_right_logical3A_177 = vector.broadcast %shift_right_logical3A_176 : i32 to vector<128x4096xi32>
    %shift_right_logical3A_178 = arith.shrui %xor3A_171, %shift_right_logical3A_177 : vector<128x4096xi32>
    %or3A_179 = arith.ori %shift_left3A_175, %shift_right_logical3A_178 : vector<128x4096xi32>
    %xor3A_180 = arith.xori %add3A_172, %or3A_179 : vector<128x4096xi32>
    %add3A_181 = arith.constant -841280227 : i32
    %add3A_182 = vector.broadcast %add3A_181 : i32 to vector<128x4096xi32>
    %add3A_183 = arith.addi %add3A_172, %add3A_182 : vector<128x4096xi32>
    %add3A_184 = arith.constant -514511540 : i32
    %add3A_185 = vector.broadcast %add3A_184 : i32 to vector<128x4096xi32>
    %add3A_186 = arith.addi %xor3A_180, %add3A_185 : vector<128x4096xi32>
    %add3A_187 = arith.addi %add3A_183, %add3A_186 : vector<128x4096xi32>
    %shift_left3A_188 = arith.constant 13 : i32
    %shift_left3A_189 = vector.broadcast %shift_left3A_188 : i32 to vector<128x4096xi32>
    %shift_left3A_190 = arith.shli %add3A_186, %shift_left3A_189 : vector<128x4096xi32>
    %shift_right_logical3A_191 = arith.constant 19 : i32
    %shift_right_logical3A_192 = vector.broadcast %shift_right_logical3A_191 : i32 to vector<128x4096xi32>
    %shift_right_logical3A_193 = arith.shrui %add3A_186, %shift_right_logical3A_192 : vector<128x4096xi32>
    %or3A_194 = arith.ori %shift_left3A_190, %shift_right_logical3A_193 : vector<128x4096xi32>
    %xor3A_195 = arith.xori %add3A_187, %or3A_194 : vector<128x4096xi32>
    %add3A_196 = arith.addi %add3A_187, %xor3A_195 : vector<128x4096xi32>
    %shift_left3A_197 = arith.constant 15 : i32
    %shift_left3A_198 = vector.broadcast %shift_left3A_197 : i32 to vector<128x4096xi32>
    %shift_left3A_199 = arith.shli %xor3A_195, %shift_left3A_198 : vector<128x4096xi32>
    %shift_right_logical3A_200 = arith.constant 17 : i32
    %shift_right_logical3A_201 = vector.broadcast %shift_right_logical3A_200 : i32 to vector<128x4096xi32>
    %shift_right_logical3A_202 = arith.shrui %xor3A_195, %shift_right_logical3A_201 : vector<128x4096xi32>
    %or3A_203 = arith.ori %shift_left3A_199, %shift_right_logical3A_202 : vector<128x4096xi32>
    %xor3A_204 = arith.xori %add3A_196, %or3A_203 : vector<128x4096xi32>
    %add3A_205 = arith.addi %add3A_196, %xor3A_204 : vector<128x4096xi32>
    %shift_left3A_206 = arith.constant 26 : i32
    %shift_left3A_207 = vector.broadcast %shift_left3A_206 : i32 to vector<128x4096xi32>
    %shift_left3A_208 = arith.shli %xor3A_204, %shift_left3A_207 : vector<128x4096xi32>
    %shift_right_logical3A_209 = arith.constant 6 : i32
    %shift_right_logical3A_210 = vector.broadcast %shift_right_logical3A_209 : i32 to vector<128x4096xi32>
    %shift_right_logical3A_211 = arith.shrui %xor3A_204, %shift_right_logical3A_210 : vector<128x4096xi32>
    %or3A_212 = arith.ori %shift_left3A_208, %shift_right_logical3A_211 : vector<128x4096xi32>
    %xor3A_213 = arith.xori %add3A_205, %or3A_212 : vector<128x4096xi32>
    %add3A_214 = arith.addi %add3A_205, %xor3A_213 : vector<128x4096xi32>
    %shift_left3A_215 = arith.constant 6 : i32
    %shift_left3A_216 = vector.broadcast %shift_left3A_215 : i32 to vector<128x4096xi32>
    %shift_left3A_217 = arith.shli %xor3A_213, %shift_left3A_216 : vector<128x4096xi32>
    %shift_right_logical3A_218 = arith.constant 26 : i32
    %shift_right_logical3A_219 = vector.broadcast %shift_right_logical3A_218 : i32 to vector<128x4096xi32>
    %shift_right_logical3A_220 = arith.shrui %xor3A_213, %shift_right_logical3A_219 : vector<128x4096xi32>
    %or3A_221 = arith.ori %shift_left3A_217, %shift_right_logical3A_220 : vector<128x4096xi32>
    %xor3A_222 = arith.xori %add3A_214, %or3A_221 : vector<128x4096xi32>
    %add3A_223 = arith.constant -514511544 : i32
    %add3A_224 = vector.broadcast %add3A_223 : i32 to vector<128x4096xi32>
    %add3A_225 = arith.addi %add3A_214, %add3A_224 : vector<128x4096xi32>
    %add3A_226 = arith.constant 928981908 : i32
    %add3A_227 = vector.broadcast %add3A_226 : i32 to vector<128x4096xi32>
    %add3A_228 = arith.addi %xor3A_222, %add3A_227 : vector<128x4096xi32>
    %xor3A_229 = arith.xori %add3A_225, %add3A_228 : vector<128x4096xi32>
    %shift_right_logical3A_230 = arith.constant 9 : i32
    %shift_right_logical3A_231 = vector.broadcast %shift_right_logical3A_230 : i32 to vector<128x4096xi32>
    %shift_right_logical3A_232 = arith.shrui %xor3A_229, %shift_right_logical3A_231 : vector<128x4096xi32>
    %or3A_233 = arith.constant 1065353216 : i32
    %or3A_234 = vector.broadcast %or3A_233 : i32 to vector<128x4096xi32>
    %or3A_235 = arith.ori %shift_right_logical3A_232, %or3A_234 : vector<128x4096xi32>
    %bitcast_convert_type3A = tpu.bitcast %or3A_235 : vector<128x4096xi32> -> vector<128x4096xf32>
    %sub3A = arith.constant 1.000000e+00 : f32
    %sub3A_236 = vector.broadcast %sub3A : f32 to vector<128x4096xf32>
    %sub3A_237 = arith.subf %bitcast_convert_type3A, %sub3A_236 : vector<128x4096xf32>
    %log3A = math.log %sub3A_237 : vector<128x4096xf32>
    %neg3A = arith.constant 0.000000e+00 : f32
    %neg3A_238 = vector.broadcast %neg3A : f32 to vector<128x4096xf32>
    %neg3A_239 = arith.subf %neg3A_238, %log3A : vector<128x4096xf32>
    %add3A_240 = arith.constant 1 : i32
    %add3A_241 = vector.broadcast %add3A_240 : i32 to vector<128x4096xi32>
    %add3A_242 = arith.addi %add3A_18, %add3A_241 : vector<128x4096xi32>
    %broadcast_in_dim3A_243 = arith.constant 928981903 : i32
    %broadcast_in_dim3A_244 = vector.broadcast %broadcast_in_dim3A_243 : i32 to vector<128x4096xi32>
    %add3A_245 = arith.constant -841280227 : i32
    %add3A_246 = vector.broadcast %add3A_245 : i32 to vector<128x4096xi32>
    %add3A_247 = arith.addi %add3A_242, %add3A_246 : vector<128x4096xi32>
    %add3A_248 = arith.addi %broadcast_in_dim3A_244, %add3A_247 : vector<128x4096xi32>
    %shift_left3A_249 = arith.constant 13 : i32
    %shift_left3A_250 = vector.broadcast %shift_left3A_249 : i32 to vector<128x4096xi32>
    %shift_left3A_251 = arith.shli %add3A_247, %shift_left3A_250 : vector<128x4096xi32>
    %shift_right_logical3A_252 = arith.constant 19 : i32
    %shift_right_logical3A_253 = vector.broadcast %shift_right_logical3A_252 : i32 to vector<128x4096xi32>
    %shift_right_logical3A_254 = arith.shrui %add3A_247, %shift_right_logical3A_253 : vector<128x4096xi32>
    %or3A_255 = arith.ori %shift_left3A_251, %shift_right_logical3A_254 : vector<128x4096xi32>
    %xor3A_256 = arith.xori %add3A_248, %or3A_255 : vector<128x4096xi32>
    %add3A_257 = arith.addi %add3A_248, %xor3A_256 : vector<128x4096xi32>
    %shift_left3A_258 = arith.constant 15 : i32
    %shift_left3A_259 = vector.broadcast %shift_left3A_258 : i32 to vector<128x4096xi32>
    %shift_left3A_260 = arith.shli %xor3A_256, %shift_left3A_259 : vector<128x4096xi32>
    %shift_right_logical3A_261 = arith.constant 17 : i32
    %shift_right_logical3A_262 = vector.broadcast %shift_right_logical3A_261 : i32 to vector<128x4096xi32>
    %shift_right_logical3A_263 = arith.shrui %xor3A_256, %shift_right_logical3A_262 : vector<128x4096xi32>
    %or3A_264 = arith.ori %shift_left3A_260, %shift_right_logical3A_263 : vector<128x4096xi32>
    %xor3A_265 = arith.xori %add3A_257, %or3A_264 : vector<128x4096xi32>
    %add3A_266 = arith.addi %add3A_257, %xor3A_265 : vector<128x4096xi32>
    %shift_left3A_267 = arith.constant 26 : i32
    %shift_left3A_268 = vector.broadcast %shift_left3A_267 : i32 to vector<128x4096xi32>
    %shift_left3A_269 = arith.shli %xor3A_265, %shift_left3A_268 : vector<128x4096xi32>
    %shift_right_logical3A_270 = arith.constant 6 : i32
    %shift_right_logical3A_271 = vector.broadcast %shift_right_logical3A_270 : i32 to vector<128x4096xi32>
    %shift_right_logical3A_272 = arith.shrui %xor3A_265, %shift_right_logical3A_271 : vector<128x4096xi32>
    %or3A_273 = arith.ori %shift_left3A_269, %shift_right_logical3A_272 : vector<128x4096xi32>
    %xor3A_274 = arith.xori %add3A_266, %or3A_273 : vector<128x4096xi32>
    %add3A_275 = arith.addi %add3A_266, %xor3A_274 : vector<128x4096xi32>
    %shift_left3A_276 = arith.constant 6 : i32
    %shift_left3A_277 = vector.broadcast %shift_left3A_276 : i32 to vector<128x4096xi32>
    %shift_left3A_278 = arith.shli %xor3A_274, %shift_left3A_277 : vector<128x4096xi32>
    %shift_right_logical3A_279 = arith.constant 26 : i32
    %shift_right_logical3A_280 = vector.broadcast %shift_right_logical3A_279 : i32 to vector<128x4096xi32>
    %shift_right_logical3A_281 = arith.shrui %xor3A_274, %shift_right_logical3A_280 : vector<128x4096xi32>
    %or3A_282 = arith.ori %shift_left3A_278, %shift_right_logical3A_281 : vector<128x4096xi32>
    %xor3A_283 = arith.xori %add3A_275, %or3A_282 : vector<128x4096xi32>
    %add3A_284 = arith.constant -841280227 : i32
    %add3A_285 = vector.broadcast %add3A_284 : i32 to vector<128x4096xi32>
    %add3A_286 = arith.addi %add3A_275, %add3A_285 : vector<128x4096xi32>
    %add3A_287 = arith.constant -514511543 : i32
    %add3A_288 = vector.broadcast %add3A_287 : i32 to vector<128x4096xi32>
    %add3A_289 = arith.addi %xor3A_283, %add3A_288 : vector<128x4096xi32>
    %add3A_290 = arith.addi %add3A_286, %add3A_289 : vector<128x4096xi32>
    %shift_left3A_291 = arith.constant 17 : i32
    %shift_left3A_292 = vector.broadcast %shift_left3A_291 : i32 to vector<128x4096xi32>
    %shift_left3A_293 = arith.shli %add3A_289, %shift_left3A_292 : vector<128x4096xi32>
    %shift_right_logical3A_294 = arith.constant 15 : i32
    %shift_right_logical3A_295 = vector.broadcast %shift_right_logical3A_294 : i32 to vector<128x4096xi32>
    %shift_right_logical3A_296 = arith.shrui %add3A_289, %shift_right_logical3A_295 : vector<128x4096xi32>
    %or3A_297 = arith.ori %shift_left3A_293, %shift_right_logical3A_296 : vector<128x4096xi32>
    %xor3A_298 = arith.xori %add3A_290, %or3A_297 : vector<128x4096xi32>
    %add3A_299 = arith.addi %add3A_290, %xor3A_298 : vector<128x4096xi32>
    %shift_left3A_300 = arith.constant 29 : i32
    %shift_left3A_301 = vector.broadcast %shift_left3A_300 : i32 to vector<128x4096xi32>
    %shift_left3A_302 = arith.shli %xor3A_298, %shift_left3A_301 : vector<128x4096xi32>
    %shift_right_logical3A_303 = arith.constant 3 : i32
    %shift_right_logical3A_304 = vector.broadcast %shift_right_logical3A_303 : i32 to vector<128x4096xi32>
    %shift_right_logical3A_305 = arith.shrui %xor3A_298, %shift_right_logical3A_304 : vector<128x4096xi32>
    %or3A_306 = arith.ori %shift_left3A_302, %shift_right_logical3A_305 : vector<128x4096xi32>
    %xor3A_307 = arith.xori %add3A_299, %or3A_306 : vector<128x4096xi32>
    %add3A_308 = arith.addi %add3A_299, %xor3A_307 : vector<128x4096xi32>
    %shift_left3A_309 = arith.constant 16 : i32
    %shift_left3A_310 = vector.broadcast %shift_left3A_309 : i32 to vector<128x4096xi32>
    %shift_left3A_311 = arith.shli %xor3A_307, %shift_left3A_310 : vector<128x4096xi32>
    %shift_right_logical3A_312 = arith.constant 16 : i32
    %shift_right_logical3A_313 = vector.broadcast %shift_right_logical3A_312 : i32 to vector<128x4096xi32>
    %shift_right_logical3A_314 = arith.shrui %xor3A_307, %shift_right_logical3A_313 : vector<128x4096xi32>
    %or3A_315 = arith.ori %shift_left3A_311, %shift_right_logical3A_314 : vector<128x4096xi32>
    %xor3A_316 = arith.xori %add3A_308, %or3A_315 : vector<128x4096xi32>
    %add3A_317 = arith.addi %add3A_308, %xor3A_316 : vector<128x4096xi32>
    %shift_left3A_318 = arith.constant 24 : i32
    %shift_left3A_319 = vector.broadcast %shift_left3A_318 : i32 to vector<128x4096xi32>
    %shift_left3A_320 = arith.shli %xor3A_316, %shift_left3A_319 : vector<128x4096xi32>
    %shift_right_logical3A_321 = arith.constant 8 : i32
    %shift_right_logical3A_322 = vector.broadcast %shift_right_logical3A_321 : i32 to vector<128x4096xi32>
    %shift_right_logical3A_323 = arith.shrui %xor3A_316, %shift_right_logical3A_322 : vector<128x4096xi32>
    %or3A_324 = arith.ori %shift_left3A_320, %shift_right_logical3A_323 : vector<128x4096xi32>
    %xor3A_325 = arith.xori %add3A_317, %or3A_324 : vector<128x4096xi32>
    %add3A_326 = arith.constant -514511544 : i32
    %add3A_327 = vector.broadcast %add3A_326 : i32 to vector<128x4096xi32>
    %add3A_328 = arith.addi %add3A_317, %add3A_327 : vector<128x4096xi32>
    %add3A_329 = arith.constant 928981905 : i32
    %add3A_330 = vector.broadcast %add3A_329 : i32 to vector<128x4096xi32>
    %add3A_331 = arith.addi %xor3A_325, %add3A_330 : vector<128x4096xi32>
    %add3A_332 = arith.addi %add3A_328, %add3A_331 : vector<128x4096xi32>
    %shift_left3A_333 = arith.constant 13 : i32
    %shift_left3A_334 = vector.broadcast %shift_left3A_333 : i32 to vector<128x4096xi32>
    %shift_left3A_335 = arith.shli %add3A_331, %shift_left3A_334 : vector<128x4096xi32>
    %shift_right_logical3A_336 = arith.constant 19 : i32
    %shift_right_logical3A_337 = vector.broadcast %shift_right_logical3A_336 : i32 to vector<128x4096xi32>
    %shift_right_logical3A_338 = arith.shrui %add3A_331, %shift_right_logical3A_337 : vector<128x4096xi32>
    %or3A_339 = arith.ori %shift_left3A_335, %shift_right_logical3A_338 : vector<128x4096xi32>
    %xor3A_340 = arith.xori %add3A_332, %or3A_339 : vector<128x4096xi32>
    %add3A_341 = arith.addi %add3A_332, %xor3A_340 : vector<128x4096xi32>
    %shift_left3A_342 = arith.constant 15 : i32
    %shift_left3A_343 = vector.broadcast %shift_left3A_342 : i32 to vector<128x4096xi32>
    %shift_left3A_344 = arith.shli %xor3A_340, %shift_left3A_343 : vector<128x4096xi32>
    %shift_right_logical3A_345 = arith.constant 17 : i32
    %shift_right_logical3A_346 = vector.broadcast %shift_right_logical3A_345 : i32 to vector<128x4096xi32>
    %shift_right_logical3A_347 = arith.shrui %xor3A_340, %shift_right_logical3A_346 : vector<128x4096xi32>
    %or3A_348 = arith.ori %shift_left3A_344, %shift_right_logical3A_347 : vector<128x4096xi32>
    %xor3A_349 = arith.xori %add3A_341, %or3A_348 : vector<128x4096xi32>
    %add3A_350 = arith.addi %add3A_341, %xor3A_349 : vector<128x4096xi32>
    %shift_left3A_351 = arith.constant 26 : i32
    %shift_left3A_352 = vector.broadcast %shift_left3A_351 : i32 to vector<128x4096xi32>
    %shift_left3A_353 = arith.shli %xor3A_349, %shift_left3A_352 : vector<128x4096xi32>
    %shift_right_logical3A_354 = arith.constant 6 : i32
    %shift_right_logical3A_355 = vector.broadcast %shift_right_logical3A_354 : i32 to vector<128x4096xi32>
    %shift_right_logical3A_356 = arith.shrui %xor3A_349, %shift_right_logical3A_355 : vector<128x4096xi32>
    %or3A_357 = arith.ori %shift_left3A_353, %shift_right_logical3A_356 : vector<128x4096xi32>
    %xor3A_358 = arith.xori %add3A_350, %or3A_357 : vector<128x4096xi32>
    %add3A_359 = arith.addi %add3A_350, %xor3A_358 : vector<128x4096xi32>
    %shift_left3A_360 = arith.constant 6 : i32
    %shift_left3A_361 = vector.broadcast %shift_left3A_360 : i32 to vector<128x4096xi32>
    %shift_left3A_362 = arith.shli %xor3A_358, %shift_left3A_361 : vector<128x4096xi32>
    %shift_right_logical3A_363 = arith.constant 26 : i32
    %shift_right_logical3A_364 = vector.broadcast %shift_right_logical3A_363 : i32 to vector<128x4096xi32>
    %shift_right_logical3A_365 = arith.shrui %xor3A_358, %shift_right_logical3A_364 : vector<128x4096xi32>
    %or3A_366 = arith.ori %shift_left3A_362, %shift_right_logical3A_365 : vector<128x4096xi32>
    %xor3A_367 = arith.xori %add3A_359, %or3A_366 : vector<128x4096xi32>
    %add3A_368 = arith.constant 928981903 : i32
    %add3A_369 = vector.broadcast %add3A_368 : i32 to vector<128x4096xi32>
    %add3A_370 = arith.addi %add3A_359, %add3A_369 : vector<128x4096xi32>
    %add3A_371 = arith.constant -841280224 : i32
    %add3A_372 = vector.broadcast %add3A_371 : i32 to vector<128x4096xi32>
    %add3A_373 = arith.addi %xor3A_367, %add3A_372 : vector<128x4096xi32>
    %add3A_374 = arith.addi %add3A_370, %add3A_373 : vector<128x4096xi32>
    %shift_left3A_375 = arith.constant 17 : i32
    %shift_left3A_376 = vector.broadcast %shift_left3A_375 : i32 to vector<128x4096xi32>
    %shift_left3A_377 = arith.shli %add3A_373, %shift_left3A_376 : vector<128x4096xi32>
    %shift_right_logical3A_378 = arith.constant 15 : i32
    %shift_right_logical3A_379 = vector.broadcast %shift_right_logical3A_378 : i32 to vector<128x4096xi32>
    %shift_right_logical3A_380 = arith.shrui %add3A_373, %shift_right_logical3A_379 : vector<128x4096xi32>
    %or3A_381 = arith.ori %shift_left3A_377, %shift_right_logical3A_380 : vector<128x4096xi32>
    %xor3A_382 = arith.xori %add3A_374, %or3A_381 : vector<128x4096xi32>
    %add3A_383 = arith.addi %add3A_374, %xor3A_382 : vector<128x4096xi32>
    %shift_left3A_384 = arith.constant 29 : i32
    %shift_left3A_385 = vector.broadcast %shift_left3A_384 : i32 to vector<128x4096xi32>
    %shift_left3A_386 = arith.shli %xor3A_382, %shift_left3A_385 : vector<128x4096xi32>
    %shift_right_logical3A_387 = arith.constant 3 : i32
    %shift_right_logical3A_388 = vector.broadcast %shift_right_logical3A_387 : i32 to vector<128x4096xi32>
    %shift_right_logical3A_389 = arith.shrui %xor3A_382, %shift_right_logical3A_388 : vector<128x4096xi32>
    %or3A_390 = arith.ori %shift_left3A_386, %shift_right_logical3A_389 : vector<128x4096xi32>
    %xor3A_391 = arith.xori %add3A_383, %or3A_390 : vector<128x4096xi32>
    %add3A_392 = arith.addi %add3A_383, %xor3A_391 : vector<128x4096xi32>
    %shift_left3A_393 = arith.constant 16 : i32
    %shift_left3A_394 = vector.broadcast %shift_left3A_393 : i32 to vector<128x4096xi32>
    %shift_left3A_395 = arith.shli %xor3A_391, %shift_left3A_394 : vector<128x4096xi32>
    %shift_right_logical3A_396 = arith.constant 16 : i32
    %shift_right_logical3A_397 = vector.broadcast %shift_right_logical3A_396 : i32 to vector<128x4096xi32>
    %shift_right_logical3A_398 = arith.shrui %xor3A_391, %shift_right_logical3A_397 : vector<128x4096xi32>
    %or3A_399 = arith.ori %shift_left3A_395, %shift_right_logical3A_398 : vector<128x4096xi32>
    %xor3A_400 = arith.xori %add3A_392, %or3A_399 : vector<128x4096xi32>
    %add3A_401 = arith.addi %add3A_392, %xor3A_400 : vector<128x4096xi32>
    %shift_left3A_402 = arith.constant 24 : i32
    %shift_left3A_403 = vector.broadcast %shift_left3A_402 : i32 to vector<128x4096xi32>
    %shift_left3A_404 = arith.shli %xor3A_400, %shift_left3A_403 : vector<128x4096xi32>
    %shift_right_logical3A_405 = arith.constant 8 : i32
    %shift_right_logical3A_406 = vector.broadcast %shift_right_logical3A_405 : i32 to vector<128x4096xi32>
    %shift_right_logical3A_407 = arith.shrui %xor3A_400, %shift_right_logical3A_406 : vector<128x4096xi32>
    %or3A_408 = arith.ori %shift_left3A_404, %shift_right_logical3A_407 : vector<128x4096xi32>
    %xor3A_409 = arith.xori %add3A_401, %or3A_408 : vector<128x4096xi32>
    %add3A_410 = arith.constant -841280227 : i32
    %add3A_411 = vector.broadcast %add3A_410 : i32 to vector<128x4096xi32>
    %add3A_412 = arith.addi %add3A_401, %add3A_411 : vector<128x4096xi32>
    %add3A_413 = arith.constant -514511540 : i32
    %add3A_414 = vector.broadcast %add3A_413 : i32 to vector<128x4096xi32>
    %add3A_415 = arith.addi %xor3A_409, %add3A_414 : vector<128x4096xi32>
    %add3A_416 = arith.addi %add3A_412, %add3A_415 : vector<128x4096xi32>
    %shift_left3A_417 = arith.constant 13 : i32
    %shift_left3A_418 = vector.broadcast %shift_left3A_417 : i32 to vector<128x4096xi32>
    %shift_left3A_419 = arith.shli %add3A_415, %shift_left3A_418 : vector<128x4096xi32>
    %shift_right_logical3A_420 = arith.constant 19 : i32
    %shift_right_logical3A_421 = vector.broadcast %shift_right_logical3A_420 : i32 to vector<128x4096xi32>
    %shift_right_logical3A_422 = arith.shrui %add3A_415, %shift_right_logical3A_421 : vector<128x4096xi32>
    %or3A_423 = arith.ori %shift_left3A_419, %shift_right_logical3A_422 : vector<128x4096xi32>
    %xor3A_424 = arith.xori %add3A_416, %or3A_423 : vector<128x4096xi32>
    %add3A_425 = arith.addi %add3A_416, %xor3A_424 : vector<128x4096xi32>
    %shift_left3A_426 = arith.constant 15 : i32
    %shift_left3A_427 = vector.broadcast %shift_left3A_426 : i32 to vector<128x4096xi32>
    %shift_left3A_428 = arith.shli %xor3A_424, %shift_left3A_427 : vector<128x4096xi32>
    %shift_right_logical3A_429 = arith.constant 17 : i32
    %shift_right_logical3A_430 = vector.broadcast %shift_right_logical3A_429 : i32 to vector<128x4096xi32>
    %shift_right_logical3A_431 = arith.shrui %xor3A_424, %shift_right_logical3A_430 : vector<128x4096xi32>
    %or3A_432 = arith.ori %shift_left3A_428, %shift_right_logical3A_431 : vector<128x4096xi32>
    %xor3A_433 = arith.xori %add3A_425, %or3A_432 : vector<128x4096xi32>
    %add3A_434 = arith.addi %add3A_425, %xor3A_433 : vector<128x4096xi32>
    %shift_left3A_435 = arith.constant 26 : i32
    %shift_left3A_436 = vector.broadcast %shift_left3A_435 : i32 to vector<128x4096xi32>
    %shift_left3A_437 = arith.shli %xor3A_433, %shift_left3A_436 : vector<128x4096xi32>
    %shift_right_logical3A_438 = arith.constant 6 : i32
    %shift_right_logical3A_439 = vector.broadcast %shift_right_logical3A_438 : i32 to vector<128x4096xi32>
    %shift_right_logical3A_440 = arith.shrui %xor3A_433, %shift_right_logical3A_439 : vector<128x4096xi32>
    %or3A_441 = arith.ori %shift_left3A_437, %shift_right_logical3A_440 : vector<128x4096xi32>
    %xor3A_442 = arith.xori %add3A_434, %or3A_441 : vector<128x4096xi32>
    %add3A_443 = arith.addi %add3A_434, %xor3A_442 : vector<128x4096xi32>
    %shift_left3A_444 = arith.constant 6 : i32
    %shift_left3A_445 = vector.broadcast %shift_left3A_444 : i32 to vector<128x4096xi32>
    %shift_left3A_446 = arith.shli %xor3A_442, %shift_left3A_445 : vector<128x4096xi32>
    %shift_right_logical3A_447 = arith.constant 26 : i32
    %shift_right_logical3A_448 = vector.broadcast %shift_right_logical3A_447 : i32 to vector<128x4096xi32>
    %shift_right_logical3A_449 = arith.shrui %xor3A_442, %shift_right_logical3A_448 : vector<128x4096xi32>
    %or3A_450 = arith.ori %shift_left3A_446, %shift_right_logical3A_449 : vector<128x4096xi32>
    %xor3A_451 = arith.xori %add3A_443, %or3A_450 : vector<128x4096xi32>
    %add3A_452 = arith.constant -514511544 : i32
    %add3A_453 = vector.broadcast %add3A_452 : i32 to vector<128x4096xi32>
    %add3A_454 = arith.addi %add3A_443, %add3A_453 : vector<128x4096xi32>
    %add3A_455 = arith.constant 928981908 : i32
    %add3A_456 = vector.broadcast %add3A_455 : i32 to vector<128x4096xi32>
    %add3A_457 = arith.addi %xor3A_451, %add3A_456 : vector<128x4096xi32>
    %xor3A_458 = arith.xori %add3A_454, %add3A_457 : vector<128x4096xi32>
    %shift_right_logical3A_459 = arith.constant 9 : i32
    %shift_right_logical3A_460 = vector.broadcast %shift_right_logical3A_459 : i32 to vector<128x4096xi32>
    %shift_right_logical3A_461 = arith.shrui %xor3A_458, %shift_right_logical3A_460 : vector<128x4096xi32>
    %or3A_462 = arith.constant 1065353216 : i32
    %or3A_463 = vector.broadcast %or3A_462 : i32 to vector<128x4096xi32>
    %or3A_464 = arith.ori %shift_right_logical3A_461, %or3A_463 : vector<128x4096xi32>
    %bitcast_convert_type3A_465 = tpu.bitcast %or3A_464 : vector<128x4096xi32> -> vector<128x4096xf32>
    %sub3A_466 = arith.constant 1.000000e+00 : f32
    %sub3A_467 = vector.broadcast %sub3A_466 : f32 to vector<128x4096xf32>
    %sub3A_468 = arith.subf %bitcast_convert_type3A_465, %sub3A_467 : vector<128x4096xf32>
    %log3A_469 = math.log %sub3A_468 : vector<128x4096xf32>
    %neg3A_470 = arith.constant 0.000000e+00 : f32
    %neg3A_471 = vector.broadcast %neg3A_470 : f32 to vector<128x4096xf32>
    %neg3A_472 = arith.subf %neg3A_471, %log3A_469 : vector<128x4096xf32>
    %sub3A_473 = arith.subf %get3A_3, %get3A_8 : vector<128x4096xf32>
    %exp3A = math.exp %sub3A_473 : vector<128x4096xf32>
    %mul3A_474 = arith.mulf %neg3A_472, %exp3A : vector<128x4096xf32>
    %le3A = arith.cmpf ole, %neg3A_239, %mul3A_474 : vector<128x4096xf32>
    %jit3A = arith.constant 1.000000e+00 : f32
    %jit3A_475 = arith.constant 0.000000e+00 : f32
    %broadcast_in_dim3A_476 = vector.broadcast %jit3A : f32 to vector<128x4096xf32>
    %broadcast_in_dim3A_477 = vector.broadcast %jit3A_475 : f32 to vector<128x4096xf32>
    %select_n3A = arith.select %le3A, %broadcast_in_dim3A_476, %broadcast_in_dim3A_477 : vector<128x4096xi1>, vector<128x4096xf32>
    %swap3A = arith.constant 0 : index
    %swap3A_478 = arith.constant 0 : index
    %swap3A_479 = vector.load %arg2[%swap3A, %swap3A_478] : memref<128x4096xf32, #tpu.memory_space<vmem>>, vector<128x4096xf32>
    tpu.vector_store %arg2[%swap3A, %swap3A_478], %select_n3A {strides = array<i32>} : memref<128x4096xf32, #tpu.memory_space<vmem>>, vector<128x4096xf32>,
    return
  }
  func.func @transform_0(%arg0: i32) -> (i32, i32, i32) {
    %c0_i32 = arith.constant 0 : i32
    %c0_i32_0 = arith.constant 0 : i32
    %c0_i32_1 = arith.constant 0 : i32
    return %arg0, %c0_i32, %c0_i32_0 : i32, i32, i32
  }
  func.func @transform_1(%arg0: i32) -> (i32, i32) {
    %c0_i32 = arith.constant 0 : i32
    %c0_i32_0 = arith.constant 0 : i32
    return %arg0, %c0_i32 : i32, i32
  }
}

</mosaic_0001>

<sc_bundles>
// kernel: kernel.4.cloned.1.call-start
scs
__scs_entry_jumppad:
0x0: {  	(pc) =	sbr.rel $0x88, $3  }
0x1: {  	(tag) =	ssettag $0x0;
	lr =	simm.s32 $0x1  }
0x2: {  	[smem:$0x3FA0] =	sst lr;
	_ =	strace $0xD0000000  }
0x3: {  	_ = 	snop  }
0x4: {  	_ = 	snop  }
0x5: {  	_ = 	snop  }
0x6: {  	_ = 	snop  }
0x7: {  	_ = 	snop  }
__scs_overlays_trampoline_lowered:
0x8: {  	[smem:$0x3FAF] =	sst s0  }
0x9: {  	[smem:$0x3FB0] =	sst s1  }
0xa: {  	[smem:$0x3FB1] =	sst s2  }
0xb: {  	[smem:$0x3FB2] =	sst s3  }
0xc: {  	[smem:$0x3FB3] =	sst s4  }
0xd: {  	[smem:$0x3FB4] =	sst s5  }
0xe: {  	[smem:$0x3FB5] =	sst s6  }
0xf: {  	[smem:$0x3FB6] =	sst s7  }
0x10: {  	[smem:$0x3FB7] =	sst s8  }
0x11: {  	[smem:$0x3FB8] =	sst s9;
	s0 =	simm.s32 @!p0 $0x0  }
0x12: {  	s1 =	sld [smem:$0x3F9E];
	s0 =	simm.s32 @p0 $0x1  }
0x13: {  	[smem:$0x3FB9] =	sst s0;
	s0 =	simm.s32 @!p1 $0x0  }
0x14: {  	s2 =	sld [smem:$0x3F9D];
	s0 =	simm.s32 @p1 $0x1  }
0x15: {  	[smem:$0x3FBA] =	sst s0;
	s0 =	simm.s32 @!p2 $0x0  }
0x16: {  	s3 =	sld [smem:$0x3FDB];
	s0 =	simm.s32 @p2 $0x1  }
0x17: {  	s4 =	simm.s32 $0x1BF5;
	[smem:$0x3FBC] =	sst s0  }
0x18: {  	s0 =	sld [smem:$0x3F9F];
	_ =	swait.ge [sflag:s4], $0x0  }
0x19: {  	s7 =	sld [smem:$0x3FA0]  }
0x1a: {  	s8 =	sadd.s32 $0xFFFFE003, lr  }
0x1b: {  	s9 =	sadd.s32 $0xFFFFFEF7, lr;
	s5 =	simm.s32 $0xFFFFFFFF;
	p2 =	slt.u32 s8, $0xFFFFF086  }
0x1c: {  	p1 =	slt.u32 s9, $0xF7A;
	s5 =	simm.s32 @!p2 $0x0  }
0x1d: {  	s5 =	simm.s32 @p1 $0x1;
	p0 =	seq.s32 s7, s2  }
0x1e: {  	s7 =	smul.u32 @!p0 $0xF7A, s2;
	p2 =	seq.s32 @!p0 s5, $0x0  }
0x1f: {  	s9 =	smul.u32 $0xF7A, s1;
	s8 =	simm.s32 @!p0 $0x1BF5;
	p2 =	por !p2, p0  }
0x20: {  	[sflag:s8] =	ssyncset.s32 @!p0 $0xFFFFF086;
	s6 =	sadd.s32 @!p0 s3, s7;
	s7 =	simm.s32 @!p0 $0x108  }
0x21: {  	s3 =	sadd.s32 s3, s9;
	s6 =	sadd.s32 @!p0 $0x88, s6;
	s7 =	simm.s32 @p2 $0x1082  }
0x22: {  	[simem:s7], [sflag:s8] =	dma.local @!p0 [hbm:s6], $0xF7A  }
0x23: {  	s9 =	sor.u32 $0xD0000000, s2;
	s6 =	simm.s32 $0x108;
	_ =	swait.ge @!p0 [sflag:s8], $0x0  }
0x24: {  	s3 =	sadd.s32 $0x88, s3;
	s6 =	simm.s32 @!p1 $0x1082;
	[sflag:s4] =	ssyncset.s32 $0xFFFFF086  }
0x25: {  	[simem:s6], [sflag:s4] =	dma.local [hbm:s3], $0xF7A  }
0x26: {  	[smem:$0x3FA0] =	sst s1;
	(tag) =	ssettag s2;
	_ =	strace s9  }
0x27: {  	s1 =	sld [smem:$0x3FB0]  }
0x28: {  	s2 =	sld [smem:$0x3FB1]  }
0x29: {  	s4 =	sld [smem:$0x3FB3]  }
0x2a: {  	p0 =	seq.s32 s5, $0x0;
	s5 =	sld [smem:$0x3FB4]  }
0x2b: {  	s6 =	sld [smem:$0x3FB5]  }
0x2c: {  	s7 =	sld [smem:$0x3FB6]  }
0x2d: {  	s3 =	simm.s32 $0x108;
	s8 =	sld [smem:$0x3FB7]  }
0x2e: {  	s3 =	simm.s32 @!p0 $0x1082;
	s9 =	sld [smem:$0x3FB8]  }
0x2f: {  	lr =	sadd.s32 s0, s3;
	s0 =	sld [smem:$0x3FAF]  }
0x30: {  	s3 =	sld [smem:$0x3FB2]  }
0x31: {  	[smem:$0x3FBB] =	sst s10  }
0x32: {  	s10 =	sld [smem:$0x3FB9];
	_ =	sdelay $0x3  }
0x33: {  	p0 =	seq.s32 s10, $0x1;
	s10 =	sld [smem:$0x3FBB];
	_ =	sdelay $0x3  }
0x34: {  	[smem:$0x3FBB] =	sst s10  }
0x35: {  	s10 =	sld [smem:$0x3FBA];
	_ =	sdelay $0x3  }
0x36: {  	p1 =	seq.s32 s10, $0x1;
	s10 =	sld [smem:$0x3FBB];
	_ =	sdelay $0x3  }
0x37: {  	[smem:$0x3FBB] =	sst s10  }
0x38: {  	s10 =	sld [smem:$0x3FBC]  }
0x39: {  	_ = 	snop;
	(pc) =	sbr.ind lr, $3  }
0x3a: {  	_ = 	snop  }
0x3b: {  	_ = 	snop  }
0x3c: {  	p2 =	seq.s32 s10, $0x1;
	s10 =	sld [smem:$0x3FBB]  }
0x3d: {  	_ =	shalt  }
0x3e: {  	_ =	shalt  }
0x3f: {  	_ =	shalt  }
0x40: {  	_ =	shalt  }
0x41: {  	_ =	shalt  }
0x42: {  	_ =	shalt  }
0x43: {  	_ =	shalt  }
0x44: {  	_ =	shalt  }
0x45: {  	_ =	shalt  }
0x46: {  	_ =	shalt  }
0x47: {  	_ =	shalt  }
0x48: {  	_ =	shalt  }
0x49: {  	_ =	shalt  }
0x4a: {  	_ =	shalt  }
0x4b: {  	_ =	shalt  }
0x4c: {  	_ =	shalt  }
0x4d: {  	_ =	shalt  }
0x4e: {  	_ =	shalt  }
0x4f: {  	_ =	shalt  }
0x50: {  	_ =	shalt  }
0x51: {  	_ =	shalt  }
0x52: {  	_ =	shalt  }
0x53: {  	_ =	shalt  }
0x54: {  	_ =	shalt  }
0x55: {  	_ =	shalt  }
0x56: {  	_ =	shalt  }
0x57: {  	_ =	shalt  }
0x58: {  	_ =	shalt  }
0x59: {  	_ =	shalt  }
0x5a: {  	_ =	shalt  }
0x5b: {  	_ =	shalt  }
0x5c: {  	_ =	shalt  }
0x5d: {  	_ =	shalt  }
0x5e: {  	_ =	shalt  }
0x5f: {  	_ =	shalt  }
0x60: {  	_ =	shalt  }
0x61: {  	_ =	shalt  }
0x62: {  	_ =	shalt  }
0x63: {  	_ =	shalt  }
0x64: {  	_ =	shalt  }
0x65: {  	_ =	shalt  }
0x66: {  	_ =	shalt  }
0x67: {  	_ =	shalt  }
0x68: {  	_ =	shalt  }
0x69: {  	_ =	shalt  }
0x6a: {  	_ =	shalt  }
0x6b: {  	_ =	shalt  }
0x6c: {  	_ =	shalt  }
0x6d: {  	_ =	shalt  }
0x6e: {  	_ =	shalt  }
0x6f: {  	_ =	shalt  }
0x70: {  	_ =	shalt  }
0x71: {  	_ =	shalt  }
0x72: {  	_ =	shalt  }
0x73: {  	_ =	shalt  }
0x74: {  	_ =	shalt  }
0x75: {  	_ =	shalt  }
0x76: {  	_ =	shalt  }
0x77: {  	_ =	shalt  }
0x78: {  	_ =	shalt  }
0x79: {  	_ =	shalt  }
0x7a: {  	_ =	shalt  }
0x7b: {  	_ =	shalt  }
0x7c: {  	_ =	shalt  }
0x7d: {  	_ =	shalt  }
0x7e: {  	_ =	shalt  }
0x7f: {  	_ =	shalt  }
0x80: {  	_ =	shalt  }
0x81: {  	_ =	shalt  }
0x82: {  	_ =	shalt  }
0x83: {  	_ =	shalt  }
0x84: {  	_ =	shalt  }
0x85: {  	_ =	shalt  }
0x86: {  	_ =	shalt  }
0x87: {  	_ =	shalt  }
.Lfunc_end0:
.L_simem_size_0:
called_computation_lowered:
.L_overlay_start_0:
0x88: {  	s2 =	sld [smem:$0x3FD9]  }
0x89: {  	s3 =	sld [smem:$0x3FFE];
	_ =	sdelay $0x1  }
0x8a: {  	s1 =	srdreg.scid  }
0x8b: {  	s0 =	sand.u32 $0x1, s1  }
0x8c: {  	s17 =	sshll.u32 s0, $0xA;
	s2 =	sadd.s32 s3, s2  }
0x8d: {  	s2 =	sadd.s32 s2, s17  }
0x8e: {  	[smem:$0x3FC7] =	sst s2  }
0x8f: {  	_ = 	snop  }
0x90: {  	s2 =	sld [smem:$0x3FC9];
	(tm) =	ssettm $0x1  }
0x91: {  	s18 =	sld [smem:$0x3FFB];
	_ =	sdelay $0x3  }
0x92: {  	_ =	strace s18  }
0x93: {  	s3 =	sld [smem:$0x3FFC];
	_ =	sdelay $0x3  }
0x94: {  	_ =	strace s3  }
0x95: {  	s3 =	sld [smem:$0x3FFD];
	_ =	sdelay $0x3  }
0x96: {  	_ =	strace s3  }
0x97: {  	_ =	strace $0x8FFFFFFF  }
0x98: {  	s19 =	sld [smem:$0x3FDB];
	_ =	sdelay $0x1  }
0x99: {  	s4 =	simm.s32 $_scs_section_size  }
0x9a: {  	s5 =	simm.s32 $_size__tile_overlayer_lowered;
	s6 =	simm.s32 $_tile_overlayer_lowered  }
0x9b: {  	s22 =	simm.s32 $0x1BFF;
	s21 =	sshll.u32 s6, $0x1;
	s3 =	sadd.s32 s4, s19  }
0x9c: {  	s7 =	simm.s32 $0x0;
	s20 =	sshll.u32 s5, $0x1;
	s5 =	sadd.s32 s21, s3  }
0x9d: {  	[timem:s7], [sflag:s22] =	dma.local [hbm:s5], s20  }
0x9e: {  	_ =	swait.ge [sflag:s22], s20  }
0x9f: {  	s4 =	ssub.s32 $0x0, s20;
	[sflag:s22] =	ssyncset.done $0x0  }
0xa0: {  	[sflag:s22] =	ssyncadd.s32 s4;
	_ =	sdelay $0x1  }
0xa1: {  	s23 =	simm.s32 $0x1B8B  }
0xa2: {  	_ =	swait.ge [sflag:s23], $0x1  }
0xa3: {  	[sflag:s23] =	ssyncset.done $0x0  }
0xa4: {  	s25 =	simm.s32 $0x1B8E;
	s24 =	sld [smem:$0x3FFE];
	[sflag:s23] =	ssyncadd.s32 $0xFFFFFFFF  }
0xa5: {  	s26 =	simm.s32 $execute0_lowered;
	[smem:$0x3FD2] =	sst s25  }
0xa6: {  	s5 =	sshll.u32 s26, $0x1;
	_ =	strace $0x80000046;
	[dreg:$0x1] =	wrdreg $0xFFFFFFFF  }
0xa7: {  	s28 =	simm.s32 $_size_execute0_lowered;
	s3 =	sadd.s32 s3, s5;
	[dreg:$0x0] =	wrdreg $0x0  }
0xa8: {  	s5 =	sshll.u32 s28, $0x1;
	[dreg:$0x2] =	wrdreg s3  }
0xa9: {  	[dreg:$0x3] =	wrdreg s5  }
0xaa: {  	[dreg:$0x4] =	wrdreg $0xC0  }
0xab: {  	_ =	task [dreg:s7], $0x5FFFF  }
0xac: {  	[dreg:$0x1] =	wrdreg $0xFFFFFFFF  }
0xad: {  	[dreg:$0x0] =	wrdreg $0x60  }
0xae: {  	[dreg:$0x2] =	wrdreg s2  }
0xaf: {  	[dreg:$0x3] =	wrdreg s24  }
0xb0: {  	[dreg:$0x4] =	wrdreg $0x9  }
0xb1: {  	_ =	task.clear_ibuf [dreg:s7], $0x5FFFF;
	_ =	strace $0x90000046  }
0xb2: {  	s29 =	simm.s32 $0x9;
	_ =	strace $0x80000048  }
0xb3: {  	_ =	swait.ge [sflag:s29], $0x1  }
0xb4: {  	[sflag:s29] =	ssyncadd.s32 $0xFFFFFFFF  }
0xb5: {  	_ =	strace $0x90000048  }
0xb6: {  	_ =	sfence  }
0xb7: {  	s30 =	sld [smem:$0x0];
	_ =	sdelay $0x2  }
0xb8: {  	s31 =	sshll.u32 s1, $0xD;
	s1 =	sshrl.u32 s1, $0x2  }
0xb9: {  	s3 =	sand.u32 $0x4000, s31;
	s1 =	sadd.s32 s1, s30  }
0xba: {  	s0 =	sor.u32 s3, s0;
	s1 =	sshll.u32 s1, $0x11  }
0xbb: {  	s0 =	sor.u32 s1, s0  }
0xbc: {  	s0 =	sadd.s32 $0x8F2B, s0  }
0xbd: {  	[sflag:s0] =	ssyncadd.remote.s32 $0x1  }
0xbe: {  	_ =	sfence.sel $0xFFFF  }
0xbf: {  	[dreg:$0x0] =	wrdreg $0xFFFFFFFF;
	(pc) =	sbr.abs _section_cstart, $3  }
0xc0: {  	[dreg:$0x1] =	wrdreg $0xFFFFFFFF  }
0xc1: {  	_ =	task.clear_ibuf [dreg:s7], $0x2FFFF;
	_ =	strace $0x9FFFFFFF  }
0xc2: {  	(tm) =	ssettm $0x7FFFFFFF  }
0xc3: {  	_ =	shalt  }
tec
execute0_lowered:
.L_overlay_start_1:
0x0: {  	(tag) =	ssettag $0x1  }
0x1: {  	s2 =	rddreg [dreg:$0x0]  }
0x2: {  	s5 =	rddreg [dreg:$0x1]  }
0x3: {  	s3 =	srdreg.scid;
	s1 =	stileid.u32  }
0x4: {  	s0 =	rddreg [dreg:$0x2];
	s9 =	simm.s32 $0x80;
	s10 =	simm.s32 $0x100  }
0x5: {  	s11 =	simm.s32 $0x1;
	s12 =	simm.s32 $0x1000;
	s13 =	simm.s32 $0x2000  }
0x6: {  	s14 =	simm.s32 $0x0;
	s4 =	sand.u32 $0x1, s3;
	s6 =	sshll.u32 s1, $0x1  }
0x7: {  	s3 =	simm.s32 $0x0;
	s7 =	ssub.s32 $0x2, s4;
	s4 =	sor.u32 s4, s6  }
0x8: {  	[smem:$0x7FF] =	sst s3;
	s31 =	sshrl.u32 s7, $0x1;
	s4 =	smul.u32 $0x18, s4  }
0x9: {  	v0 =	vlaneseq.u32;
	s5 =	sadd.s32 $0x400, s5;
	_ =	strace $0x80000047;
	s8 =	ssub.s32 s7, s31  }
0xa: {  	v1 =	vimm.s32 $0x0;
	v2 =	vimm.f32 $0.0e+00;
	v0 =	vmul.u32 $0x2, v0;
	s7 =	sadd.s32 $0x10, s2;
	s6 =	sadd.s32 $0xD00, s4;
	s8 =	smax.u32 s8, $0x1  }
.LBB2_1:
0xb: {  	s15 =	simm.s32 $0x0  }
.LBB2_2:
0xc: {  	s17 =	sadd.s32 s15, s6  }
0xd: {  	s18 =	sshll.u32 s17, $0xA  }
0xe: {  	s16 =	simm.s32 $0x0;
	s19 =	sadd.s32 s2, s18  }
0xf: {  	[tilespmem:s16], [sflag:$0x1] =	stream.strided.gather [hbm4b:s19+s9], $0x1000, s10, s9, $0x38;
	[tilespmem:$0x3000] =	vst v63  }
0x10: {  	_ =	swait.ge [sflag:s11], $0x1000  }
0x11: {  	[sflag:s11] =	ssyncset.done $0x0  }
0x12: {  	s18 =	sadd.s32 s18, s7;
	[sflag:s11] =	ssyncadd.s32 $0xFFFFF000  }
0x13: {  	[tilespmem:s12], [sflag:$0x1] =	stream.strided.gather [hbm4b:s18+s9], $0x1000, s10, s9, $0x38;
	[tilespmem:$0x3000] =	vst v63  }
0x14: {  	s17 =	sshll.u32 s17, $0xD;
	_ =	swait.ge [sflag:s11], $0x1000  }
0x15: {  	v3 =	vmov s17;
	s17 =	simm.s32 $0x20;
	[sflag:s11] =	ssyncset.done $0x0  }
0x16: {  	s19 =	simm.s32 $0x2020;
	s18 =	simm.s32 $0x1020;
	[sflag:s11] =	ssyncadd.s32 $0xFFFFF000  }
.LBB2_3:
0x17: {  	v4 =	vmov s16  }
0x18: {  	v4 =	vshll.u32 v4, $0x1  }
0x19: {  	v4 =	vor.u32 v0, v4  }
0x1a: {  	v4 =	vadd.s32 v3, v4  }
0x1b: {  	v5 =	vadd.s32 $0xCDDB151D, v4  }
0x1c: {  	v6 =	vshrl.u32 v5, $0x13;
	v5 =	vshll.u32 v5, $0xD  }
0x1d: {  	v7 =	vadd.s32 $0x53A38AC, v4;
	v5 =	vor.u32 v6, v5  }
0x1e: {  	v58 =	vadd.s32 $0xCDDB151E, v4;
	v5 =	vxor.u32 v7, v5  }
0x1f: {  	v59 =	vshrl.u32 v58, $0x13;
	v31 =	vshrl.u32 v5, $0x11;
	v8 =	vshll.u32 v5, $0xF  }
0x20: {  	v5 =	vadd.s32 v7, v5;
	v7 =	vshll.u32 v58, $0xD;
	v6 =	vor.u32 v31, v8  }
0x21: {  	v4 =	vadd.s32 $0x53A38AD, v4;
	v7 =	vor.u32 v59, v7;
	v6 =	vxor.u32 v6, v5  }
0x22: {  	v7 =	vxor.u32 v4, v7;
	v32 =	vshrl.u32 v6, $0x6;
	v33 =	vshll.u32 v6, $0x1A  }
0x23: {  	v5 =	vadd.s32 v5, v6;
	v9 =	vshrl.u32 v7, $0x11;
	v34 =	vor.u32 v32, v33  }
0x24: {  	v10 =	vshll.u32 v7, $0xF;
	v4 =	vadd.s32 v4, v7;
	v6 =	vxor.u32 v34, v5  }
0x25: {  	v61 =	vor.u32 v9, v10;
	v35 =	vshrl.u32 v6, $0x1A;
	v36 =	vshll.u32 v6, $0x6  }
0x26: {  	v7 =	vxor.u32 v61, v4;
	v5 =	vadd.s32 v5, v6;
	v37 =	vor.u32 v35, v36  }
0x27: {  	v62 =	vshrl.u32 v7, $0x6;
	v63 =	vshll.u32 v7, $0x1A;
	v6 =	vxor.u32 v37, v5  }
0x28: {  	v4 =	vadd.s32 v4, v7;
	v12 =	vor.u32 v62, v63;
	v6 =	vadd.s32 $0xE1552D49, v6  }
0x29: {  	v5 =	vadd.s32 v6, v5;
	v38 =	vshrl.u32 v6, $0xF;
	v6 =	vshll.u32 v6, $0x11  }
0x2a: {  	v7 =	vxor.u32 v12, v4;
	v5 =	vadd.s32 $0xCDDB151D, v5;
	v6 =	vor.u32 v38, v6  }
0x2b: {  	v14 =	vshrl.u32 v7, $0x1A;
	v15 =	vshll.u32 v7, $0x6;
	v6 =	vxor.u32 v6, v5  }
0x2c: {  	v4 =	vadd.s32 v4, v7;
	v39 =	vshrl.u32 v6, $0x3;
	v40 =	vshll.u32 v6, $0x1D  }
0x2d: {  	v16 =	vor.u32 v14, v15;
	v5 =	vadd.s32 v5, v6;
	v41 =	vor.u32 v39, v40  }
0x2e: {  	v7 =	vxor.u32 v16, v4;
	v6 =	vxor.u32 v41, v5  }
0x2f: {  	v7 =	vadd.s32 $0xE1552D49, v7;
	v42 =	vshrl.u32 v6, $0x10;
	v43 =	vshll.u32 v6, $0x10  }
0x30: {  	v4 =	vadd.s32 v7, v4;
	v5 =	vadd.s32 v5, v6;
	v44 =	vor.u32 v42, v43  }
0x31: {  	v20 =	vshrl.u32 v7, $0xF;
	v7 =	vshll.u32 v7, $0x11;
	v6 =	vxor.u32 v44, v5  }
0x32: {  	v4 =	vadd.s32 $0xCDDB151D, v4;
	v45 =	vshrl.u32 v6, $0x8;
	v46 =	vshll.u32 v6, $0x18  }
0x33: {  	v7 =	vor.u32 v20, v7;
	v5 =	vadd.s32 v5, v6;
	v47 =	vor.u32 v45, v46  }
0x34: {  	v7 =	vxor.u32 v7, v4;
	v6 =	vxor.u32 v47, v5  }
0x35: {  	v22 =	vshrl.u32 v7, $0x3;
	v6 =	vadd.s32 $0x375F2391, v6  }
0x36: {  	v5 =	vadd.s32 v6, v5;
	v48 =	vshrl.u32 v6, $0x13;
	v6 =	vshll.u32 v6, $0xD  }
0x37: {  	v23 =	vshll.u32 v7, $0x1D;
	v5 =	vadd.s32 $0xE1552D48, v5;
	v6 =	vor.u32 v48, v6  }
0x38: {  	v4 =	vadd.s32 v4, v7;
	v24 =	vor.u32 v22, v23;
	v6 =	vxor.u32 v6, v5  }
0x39: {  	v7 =	vxor.u32 v24, v4;
	v49 =	vshrl.u32 v6, $0x11;
	v50 =	vshll.u32 v6, $0xF  }
0x3a: {  	v25 =	vshrl.u32 v7, $0x10;
	v5 =	vadd.s32 v5, v6;
	v51 =	vor.u32 v49, v50  }
0x3b: {  	v26 =	vshll.u32 v7, $0x10;
	v4 =	vadd.s32 v4, v7;
	v6 =	vxor.u32 v51, v5  }
0x3c: {  	v27 =	vor.u32 v25, v26;
	v52 =	vshrl.u32 v6, $0x6;
	v53 =	vshll.u32 v6, $0x1A  }
0x3d: {  	v7 =	vxor.u32 v27, v4;
	v5 =	vadd.s32 v5, v6;
	v54 =	vor.u32 v52, v53  }
0x3e: {  	v29 =	vshrl.u32 v7, $0x8;
	v30 =	vshll.u32 v7, $0x18;
	v6 =	vxor.u32 v54, v5  }
0x3f: {  	v4 =	vadd.s32 v4, v7;
	v55 =	vshrl.u32 v6, $0x1A;
	v56 =	vshll.u32 v6, $0x6  }
0x40: {  	v31 =	vor.u32 v29, v30;
	v5 =	vadd.s32 v5, v6;
	v57 =	vor.u32 v55, v56  }
0x41: {  	v7 =	vxor.u32 v31, v4;
	v6 =	vxor.u32 v57, v5  }
0x42: {  	v7 =	vadd.s32 $0x375F2391, v7;
	v6 =	vadd.s32 $0xCDDB1520, v6  }
0x43: {  	v5 =	vadd.s32 v6, v5;
	v60 =	vshrl.u32 v6, $0xF;
	v6 =	vshll.u32 v6, $0x11  }
0x44: {  	v4 =	vadd.s32 v7, v4;
	v5 =	vadd.s32 $0x375F238F, v5;
	v6 =	vor.u32 v60, v6  }
0x45: {  	v33 =	vshrl.u32 v7, $0x13;
	v7 =	vshll.u32 v7, $0xD;
	v6 =	vxor.u32 v6, v5  }
0x46: {  	v5 =	vadd.s32 v5, v6;
	v13 =	vshrl.u32 v6, $0x3;
	v6 =	vshll.u32 v6, $0x1D  }
0x47: {  	v4 =	vadd.s32 $0xE1552D48, v4;
	v7 =	vor.u32 v33, v7;
	v6 =	vor.u32 v13, v6  }
0x48: {  	v7 =	vxor.u32 v7, v4;
	v6 =	vxor.u32 v6, v5  }
0x49: {  	v36 =	vshrl.u32 v7, $0x11;
	v17 =	vshrl.u32 v6, $0x10;
	v18 =	vshll.u32 v6, $0x10  }
0x4a: {  	v37 =	vshll.u32 v7, $0xF;
	v5 =	vadd.s32 v5, v6;
	v19 =	vor.u32 v17, v18  }
0x4b: {  	v4 =	vadd.s32 v4, v7;
	v38 =	vor.u32 v36, v37;
	v6 =	vxor.u32 v19, v5  }
0x4c: {  	v5 =	vadd.s32 v5, v6;
	v21 =	vshrl.u32 v6, $0x8;
	v6 =	vshll.u32 v6, $0x18  }
0x4d: {  	v7 =	vxor.u32 v38, v4;
	v6 =	vor.u32 v21, v6  }
0x4e: {  	v40 =	vshrl.u32 v7, $0x6;
	v6 =	vxor.u32 v6, v5  }
0x4f: {  	v41 =	vshll.u32 v7, $0x1A;
	v4 =	vadd.s32 v4, v7;
	v6 =	vadd.s32 $0xE1552D4C, v6  }
0x50: {  	v5 =	vadd.s32 v6, v5;
	v28 =	vshrl.u32 v6, $0x13;
	v6 =	vshll.u32 v6, $0xD  }
0x51: {  	v42 =	vor.u32 v40, v41;
	v5 =	vadd.s32 $0xCDDB151D, v5;
	v6 =	vor.u32 v28, v6  }
0x52: {  	v7 =	vxor.u32 v42, v4;
	v6 =	vxor.u32 v6, v5  }
0x53: {  	v44 =	vshrl.u32 v7, $0x1A;
	v32 =	vshrl.u32 v6, $0x11;
	v34 =	vshll.u32 v6, $0xF  }
0x54: {  	v45 =	vshll.u32 v7, $0x6;
	v5 =	vadd.s32 v5, v6;
	v35 =	vor.u32 v32, v34  }
0x55: {  	v4 =	vadd.s32 v4, v7;
	v46 =	vor.u32 v44, v45;
	v6 =	vxor.u32 v35, v5  }
0x56: {  	v5 =	vadd.s32 v5, v6;
	v39 =	vshrl.u32 v6, $0x6;
	v6 =	vshll.u32 v6, $0x1A  }
0x57: {  	v7 =	vxor.u32 v46, v4;
	v6 =	vor.u32 v39, v6  }
0x58: {  	v7 =	vadd.s32 $0xCDDB1520, v7;
	v6 =	vxor.u32 v6, v5  }
0x59: {  	v5 =	vadd.s32 v5, v6;
	v43 =	vshrl.u32 v6, $0x1A;
	v6 =	vshll.u32 v6, $0x6  }
0x5a: {  	v4 =	vadd.s32 v7, v4;
	v47 =	vshrl.u32 v7, $0xF;
	v6 =	vor.u32 v43, v6  }
0x5b: {  	v7 =	vshll.u32 v7, $0x11;
	v4 =	vadd.s32 $0x375F238F, v4;
	v6 =	vxor.u32 v6, v5  }
0x5c: {  	v48 =	vor.u32 v47, v7;
	v5 =	vadd.s32 $0xE1552D48, v5;
	v6 =	vadd.s32 $0x375F2394, v6  }
0x5d: {  	v5 =	vxor.u32 v5, v6;
	v6 =	vxor.u32 v48, v4  }
0x5e: {  	v49 =	vshrl.u32 v6, $0x3;
	v50 =	vshll.u32 v6, $0x1D  }
0x5f: {  	v4 =	vadd.s32 v4, v6;
	v51 =	vor.u32 v49, v50  }
0x60: {  	v6 =	vxor.u32 v51, v4  }
0x61: {  	v52 =	vshrl.u32 v6, $0x10;
	v53 =	vshll.u32 v6, $0x10  }
0x62: {  	v4 =	vadd.s32 v4, v6;
	v55 =	vor.u32 v52, v53  }
0x63: {  	v5 =	vshrl.u32 v5, $0x9;
	v6 =	vxor.u32 v55, v4  }
0x64: {  	v5 =	vor.u32 $0x3F800000, v5;
	v58 =	vshrl.u32 v6, $0x8;
	v59 =	vshll.u32 v6, $0x18  }
0x65: {  	v5 =	vadd.f32 $-1.000000000e+00, v5;
	v4 =	vadd.s32 v4, v6;
	v60 =	vor.u32 v58, v59  }
0x66: {  	s20 =	sadd.s32 $0x10, s16;
	v6 =	vxor.u32 v60, v4  }
0x67: {  	v18 =	vmov s20;
	v5 =	vmax.f32 v5, $9.999999680e-21;
	v6 =	vadd.s32 $0xE1552D4C, v6  }
0x68: {  	v4 =	vadd.s32 v6, v4;
	v61 =	vshrl.u32 v6, $0x13;
	v6 =	vshll.u32 v6, $0xD  }
0x69: {  	v54 =	vand.u32 $0x7FFFFF, v5;
	v4 =	vadd.s32 $0xCDDB151D, v4;
	v6 =	vor.u32 v61, v6  }
0x6a: {  	v20 =	vshll.u32 v18, $0x1;
	v56 =	vor.u32 $0x3F800000, v54;
	v6 =	vxor.u32 v6, v4  }
0x6b: {  	v57 =	vmul.f32 $5.000000000e-01, v56;
	v62 =	vshrl.u32 v6, $0x11;
	v63 =	vshll.u32 v6, $0xF  }
0x6c: {  	vm0 =	vgt.f32 v56, $1.414213540e+00;
	v4 =	vadd.s32 v4, v6;
	v12 =	vor.u32 v62, v63  }
0x6d: {  	v5 =	vshrl.u32 v5, $0x17;
	v7 =	vsel vm0, v57, v56;
	v6 =	vxor.u32 v12, v4  }
0x6e: {  	v8 =	vadd.f32 $1.000000000e+00, v7;
	v13 =	vshrl.u32 v6, $0x6;
	v14 =	vshll.u32 v6, $0x1A  }
0x6f: {  	v5 =	vand.u32 $0xFF, v5;
	v4 =	vadd.s32 v4, v6;
	v15 =	vor.u32 v13, v14  }
0x70: {  	v25 =	vsel vm0, $0x1, v1;
	(erf) = vrcp.f32 v8;
	v6 =	vxor.u32 v15, v4  }
0x71: {  	v5 =	vadd.s32 v25, v5;
	v16 =	vshrl.u32 v6, $0x1A;
	v17 =	vshll.u32 v6, $0x6  }
0x72: {  	v8 =	vor.u32 v0, v20;
	v4 =	vadd.s32 v4, v6;
	v19 =	vor.u32 v16, v17  }
0x73: {  	v7 =	vadd.f32 $-1.000000000e+00, v7;
	v8 =	vadd.s32 v3, v8;
	v6 =	vxor.u32 v19, v4  }
0x74: {  	v22 =	vadd.s32 $0xCDDB151D, v8;
	v4 =	vadd.s32 $0xE1552D48, v4;
	v6 =	vadd.s32 $0x375F2394, v6  }
0x75: {  	v23 =	vshrl.u32 v22, $0x13;
	v4 =	vxor.u32 v4, v6;
	v6 =	vshll.u32 v22, $0xD  }
0x76: {  	v5 =	vadd.s32 $0xFFFFFF81, v5;
	v24 =	vadd.s32 $0x53A38AC, v8;
	v6 =	vor.u32 v23, v6  }
0x77: {  	v5 =	vcvt.s32.f32 v5;
	v4 =	vshrl.u32 v4, $0x9;
	v6 =	vxor.u32 v24, v6  }
0x78: {  	v4 =	vor.u32 $0x3F800000, v4;
	v13 =	vshrl.u32 v6, $0x11;
	v14 =	vshll.u32 v6, $0xF  }
0x79: {  	v11 =	vpop (erf);
	v4 =	vadd.f32 $-1.000000000e+00, v4;
	v6 =	vadd.s32 v24, v6;
	v26 =	vor.u32 v13, v14  }
0x7a: {  	v40 =	vmul.f32 $6.931471820e-01, v5;
	v7 =	vmul.f32 v11, v7;
	v11 =	vxor.u32 v26, v6  }
0x7b: {  	v4 =	vmax.f32 v4, $9.999999680e-21;
	v28 =	vshrl.u32 v11, $0x6;
	v15 =	vshll.u32 v11, $0x1A  }
0x7c: {  	v27 =	vand.u32 $0x7FFFFF, v4;
	v6 =	vadd.s32 v6, v11;
	v29 =	vor.u32 v28, v15  }
0x7d: {  	v21 =	vmul.f32 v7, v7;
	v13 =	vor.u32 $0x3F800000, v27;
	v11 =	vxor.u32 v29, v6  }
0x7e: {  	v16 =	vmul.f32 $5.000000000e-01, v13;
	v30 =	vshrl.u32 v11, $0x1A;
	v31 =	vshll.u32 v11, $0x6  }
0x7f: {  	vm7 =	vgt.f32 v13, $1.414213540e+00;
	v6 =	vadd.s32 v6, v11;
	v32 =	vor.u32 v30, v31  }
0x80: {  	v50 =	vadd.s32 $0xCDDB151E, v8;
	v13 =	vsel vm7, v16, v13;
	v33 =	vxor.u32 v32, v6  }
0x81: {  	v12 =	vmul.f32 $2.857142980e-01, v21;
	v16 =	vadd.f32 $1.000000000e+00, v13;
	v10 =	vadd.s32 $0xE1552D49, v33  }
0x82: {  	v6 =	vadd.s32 v10, v6;
	v35 =	vshrl.u32 v10, $0xF;
	v10 =	vshll.u32 v10, $0x11  }
0x83: {  	v12 =	vadd.f32 $4.000000060e-01, v12;
	v6 =	vadd.s32 $0xCDDB151D, v6;
	v10 =	vor.u32 v35, v10  }
0x84: {  	v8 =	vadd.s32 $0x53A38AD, v8;
	(erf) = vrcp.f32 v16;
	v10 =	vxor.u32 v10, v6  }
0x85: {  	v12 =	vmul.f32 v12, v21;
	v36 =	vshrl.u32 v10, $0x3;
	v37 =	vshll.u32 v10, $0x1D  }
0x86: {  	v4 =	vshrl.u32 v4, $0x17;
	v6 =	vadd.s32 v6, v10;
	v38 =	vor.u32 v36, v37  }
0x87: {  	v42 =	vand.u32 $0xFF, v4;
	v34 =	vadd.f32 $6.666666860e-01, v12;
	v39 =	vxor.u32 v38, v6  }
0x88: {  	v43 =	vsel vm7, $0x1, v1;
	v5 =	vshrl.u32 v39, $0x10;
	v41 =	vshll.u32 v39, $0x10  }
0x89: {  	v9 =	vmul.f32 v34, v21;
	v6 =	vadd.s32 v6, v39;
	v5 =	vor.u32 v5, v41  }
0x8a: {  	v51 =	vshrl.u32 v50, $0x13;
	v47 =	vadd.s32 v43, v42;
	v11 =	vxor.u32 v5, v6  }
0x8b: {  	v4 =	vadd.f32 $-1.000000000e+00, v13;
	v9 =	vadd.f32 $2.000000000e+00, v9;
	v44 =	vshrl.u32 v11, $0x8  }
0x8c: {  	v45 =	vshll.u32 v11, $0x18;
	v6 =	vadd.s32 v6, v11;
	v11 =	vshll.u32 v50, $0xD  }
0x8d: {  	v7 =	vmul.f32 v9, v7;
	v5 =	vpop (erf);
	v46 =	vor.u32 v44, v45;
	v11 =	vor.u32 v51, v11  }
0x8e: {  	v5 =	vmul.f32 v5, v4;
	v48 =	vxor.u32 v46, v6;
	v11 =	vxor.u32 v8, v11  }
0x8f: {  	v9 =	vadd.s32 $0x375F2391, v48;
	v53 =	vshrl.u32 v11, $0x11;
	v54 =	vshll.u32 v11, $0xF  }
0x90: {  	v8 =	vadd.s32 v8, v11;
	v10 =	vmul.f32 v5, v5;
	v6 =	vadd.s32 v9, v6  }
0x91: {  	v49 =	vshrl.u32 v9, $0x13;
	v9 =	vshll.u32 v9, $0xD;
	v55 =	vor.u32 v53, v54  }
0x92: {  	v6 =	vadd.s32 $0xE1552D48, v6;
	v9 =	vor.u32 v49, v9;
	v11 =	vxor.u32 v55, v8  }
0x93: {  	v9 =	vxor.u32 v9, v6;
	v57 =	vshrl.u32 v11, $0x6;
	v58 =	vshll.u32 v11, $0x1A  }
0x94: {  	v8 =	vadd.s32 v8, v11;
	v60 =	vmul.f32 $2.857142980e-01, v10;
	v6 =	vadd.s32 v6, v9  }
0x95: {  	v52 =	vshrl.u32 v9, $0x11;
	v9 =	vshll.u32 v9, $0xF;
	v59 =	vor.u32 v57, v58  }
0x96: {  	v4 =	vadd.f32 v7, v40;
	v9 =	vor.u32 v52, v9;
	v11 =	vxor.u32 v59, v8  }
0x97: {  	v12 =	vadd.f32 $4.000000060e-01, v60;
	v9 =	vxor.u32 v9, v6;
	v62 =	vshrl.u32 v11, $0x1A  }
0x98: {  	v63 =	vshll.u32 v11, $0x6;
	v8 =	vadd.s32 v8, v11;
	v6 =	vadd.s32 v6, v9  }
0x99: {  	v56 =	vshrl.u32 v9, $0x6;
	v9 =	vshll.u32 v9, $0x1A;
	v21 =	vor.u32 v62, v63  }
0x9a: {  	v7 =	vadd.s32 $0xFFFFFF81, v47;
	v9 =	vor.u32 v56, v9;
	v11 =	vxor.u32 v21, v8  }
0x9b: {  	v12 =	vmul.f32 v12, v10;
	v9 =	vxor.u32 v9, v6;
	v11 =	vadd.s32 $0xE1552D49, v11  }
0x9c: {  	v61 =	vshrl.u32 v9, $0x1A;
	v20 =	vshll.u32 v9, $0x6;
	v6 =	vadd.s32 v6, v9  }
0x9d: {  	v8 =	vadd.s32 v11, v8;
	v23 =	vshrl.u32 v11, $0xF;
	v11 =	vshll.u32 v11, $0x11  }
0x9e: {  	v22 =	vor.u32 v61, v20;
	v8 =	vadd.s32 $0xCDDB151D, v8;
	v11 =	vor.u32 v23, v11  }
0x9f: {  	v7 =	vcvt.s32.f32 v7;
	v9 =	vxor.u32 v22, v6;
	v11 =	vxor.u32 v11, v8  }
0xa0: {  	v12 =	vadd.f32 $6.666666860e-01, v12;
	v9 =	vadd.s32 $0xCDDB1520, v9;
	v25 =	vshrl.u32 v11, $0x3  }
0xa1: {  	v26 =	vshll.u32 v11, $0x1D;
	v8 =	vadd.s32 v8, v11;
	v6 =	vadd.s32 v9, v6  }
0xa2: {  	v24 =	vshrl.u32 v9, $0xF;
	v9 =	vshll.u32 v9, $0x11;
	v27 =	vor.u32 v25, v26  }
0xa3: {  	v6 =	vadd.s32 $0x375F238F, v6;
	v9 =	vor.u32 v24, v9;
	v11 =	vxor.u32 v27, v8  }
0xa4: {  	v9 =	vxor.u32 v9, v6;
	v28 =	vshrl.u32 v11, $0x10;
	v29 =	vshll.u32 v11, $0x10  }
0xa5: {  	v8 =	vadd.s32 v8, v11;
	v6 =	vadd.s32 v6, v9;
	v30 =	vor.u32 v28, v29  }
0xa6: {  	v31 =	vshrl.u32 v9, $0x3;
	v9 =	vshll.u32 v9, $0x1D;
	v11 =	vxor.u32 v30, v8  }
0xa7: {  	v9 =	vor.u32 v31, v9;
	v32 =	vshrl.u32 v11, $0x8;
	v33 =	vshll.u32 v11, $0x18  }
0xa8: {  	v9 =	vxor.u32 v9, v6;
	v8 =	vadd.s32 v8, v11;
	v34 =	vor.u32 v32, v33  }
0xa9: {  	v35 =	vshrl.u32 v9, $0x10;
	v36 =	vshll.u32 v9, $0x10;
	v11 =	vxor.u32 v34, v8  }
0xaa: {  	v6 =	vadd.s32 v6, v9;
	v37 =	vor.u32 v35, v36;
	v11 =	vadd.s32 $0x375F2391, v11  }
0xab: {  	v8 =	vadd.s32 v11, v8;
	v38 =	vshrl.u32 v11, $0x13;
	v11 =	vshll.u32 v11, $0xD  }
0xac: {  	v9 =	vxor.u32 v37, v6;
	v8 =	vadd.s32 $0xE1552D48, v8;
	v11 =	vor.u32 v38, v11  }
0xad: {  	v6 =	vadd.s32 v6, v9;
	v39 =	vshrl.u32 v9, $0x8;
	v11 =	vxor.u32 v11, v8  }
0xae: {  	v9 =	vshll.u32 v9, $0x18;
	v40 =	vshrl.u32 v11, $0x11;
	v41 =	vshll.u32 v11, $0xF  }
0xaf: {  	v9 =	vor.u32 v39, v9;
	v8 =	vadd.s32 v8, v11;
	v42 =	vor.u32 v40, v41  }
0xb0: {  	v10 =	vmul.f32 v12, v10;
	v9 =	vxor.u32 v9, v6;
	v11 =	vxor.u32 v42, v8  }
0xb1: {  	v9 =	vadd.s32 $0xE1552D4C, v9;
	v43 =	vshrl.u32 v11, $0x6;
	v44 =	vshll.u32 v11, $0x1A  }
0xb2: {  	v6 =	vadd.s32 v9, v6;
	v8 =	vadd.s32 v8, v11;
	v45 =	vor.u32 v43, v44  }
0xb3: {  	v46 =	vshrl.u32 v9, $0x13;
	v9 =	vshll.u32 v9, $0xD;
	v11 =	vxor.u32 v45, v8  }
0xb4: {  	v6 =	vadd.s32 $0xCDDB151D, v6;
	v47 =	vshrl.u32 v11, $0x1A;
	v48 =	vshll.u32 v11, $0x6  }
0xb5: {  	v9 =	vor.u32 v46, v9;
	v8 =	vadd.s32 v8, v11;
	v49 =	vor.u32 v47, v48  }
0xb6: {  	v7 =	vmul.f32 $6.931471820e-01, v7;
	v9 =	vxor.u32 v9, v6;
	v11 =	vxor.u32 v49, v8  }
0xb7: {  	v10 =	vadd.f32 $2.000000000e+00, v10;
	v50 =	vshrl.u32 v9, $0x11;
	v11 =	vadd.s32 $0xCDDB1520, v11  }
0xb8: {  	v8 =	vadd.s32 v11, v8;
	v51 =	vshrl.u32 v11, $0xF;
	v11 =	vshll.u32 v11, $0x11  }
0xb9: {  	v52 =	vshll.u32 v9, $0xF;
	v8 =	vadd.s32 $0x375F238F, v8;
	v11 =	vor.u32 v51, v11  }
0xba: {  	v62 =	vld [tilespmem:s17+$0xFFFFFFE0];
	v6 =	vadd.s32 v6, v9;
	v53 =	vor.u32 v50, v52;
	v11 =	vxor.u32 v11, v8  }
0xbb: {  	v21 =	vld [tilespmem:s18+$0xFFFFFFE0];
	v9 =	vxor.u32 v53, v6;
	v54 =	vshrl.u32 v11, $0x3;
	v55 =	vshll.u32 v11, $0x1D  }
0xbc: {  	v6 =	vadd.s32 v6, v9;
	v8 =	vadd.s32 v8, v11;
	v56 =	vor.u32 v54, v55  }
0xbd: {  	v57 =	vshrl.u32 v9, $0x6;
	v9 =	vshll.u32 v9, $0x1A;
	v11 =	vxor.u32 v56, v8  }
0xbe: {  	v9 =	vor.u32 v57, v9;
	v58 =	vshrl.u32 v11, $0x10;
	v59 =	vshll.u32 v11, $0x10  }
0xbf: {  	v9 =	vxor.u32 v9, v6;
	v8 =	vadd.s32 v8, v11;
	v60 =	vor.u32 v58, v59  }
0xc0: {  	v25 =	vsub.f32 v62, v21;
	v6 =	vadd.s32 v6, v9;
	v11 =	vxor.u32 v60, v8  }
0xc1: {  	v61 =	vshrl.u32 v9, $0x1A;
	v63 =	vshrl.u32 v11, $0x8;
	v20 =	vshll.u32 v11, $0x18  }
0xc2: {  	v9 =	vshll.u32 v9, $0x6;
	v8 =	vadd.s32 v8, v11;
	v22 =	vor.u32 v63, v20  }
0xc3: {  	v5 =	vmul.f32 v10, v5;
	v9 =	vor.u32 v61, v9;
	v11 =	vxor.u32 v22, v8  }
0xc4: {  	v9 =	vxor.u32 v9, v6;
	v6 =	vadd.s32 $0xE1552D48, v6;
	v11 =	vadd.s32 $0xE1552D4C, v11  }
0xc5: {  	v8 =	vadd.s32 v11, v8;
	v23 =	vshrl.u32 v11, $0x13;
	v11 =	vshll.u32 v11, $0xD  }
0xc6: {  	v9 =	vadd.s32 $0x375F2394, v9;
	v8 =	vadd.s32 $0xCDDB151D, v8;
	v24 =	vor.u32 v23, v11  }
0xc7: {  	v29 =	vmul.f32 $1.442695020e+00, v25;
	v6 =	vxor.u32 v6, v9;
	v9 =	vxor.u32 v24, v8  }
0xc8: {  	v6 =	vshrl.u32 v6, $0x9;
	v26 =	vshrl.u32 v9, $0x11;
	v27 =	vshll.u32 v9, $0xF  }
0xc9: {  	v6 =	vor.u32 $0x3F800000, v6;
	v8 =	vadd.s32 v8, v9;
	v28 =	vor.u32 v26, v27  }
0xca: {  	v5 =	vadd.f32 v5, v7;
	v6 =	vadd.f32 $-1.000000000e+00, v6;
	v9 =	vxor.u32 v28, v8  }
0xcb: {  	(erf) = vpow2.f32 v29;
	v30 =	vshrl.u32 v9, $0x6;
	v31 =	vshll.u32 v9, $0x1A  }
0xcc: {  	s30 =	sadd.s32 $0x20, s16;
	v6 =	vmax.f32 v6, $9.999999680e-21;
	v8 =	vadd.s32 v8, v9;
	v33 =	vor.u32 v30, v31  }
0xcd: {  	v39 =	vmov s30;
	v32 =	vand.u32 $0x7FFFFF, v6;
	v9 =	vxor.u32 v33, v8  }
0xce: {  	v34 =	vor.u32 $0x3F800000, v32;
	v36 =	vshrl.u32 v9, $0x1A;
	v37 =	vshll.u32 v9, $0x6  }
0xcf: {  	v35 =	vmul.f32 $5.000000000e-01, v34;
	v8 =	vadd.s32 v8, v9;
	v38 =	vor.u32 v36, v37  }
0xd0: {  	v41 =	vshll.u32 v39, $0x1;
	vm1 =	vgt.f32 v34, $1.414213540e+00;
	v9 =	vxor.u32 v38, v8  }
0xd1: {  	v10 =	vsel vm1, v35, v34;
	v8 =	vadd.s32 $0xE1552D48, v8;
	v9 =	vadd.s32 $0x375F2394, v9  }
0xd2: {  	v43 =	vor.u32 v0, v41;
	v40 =	vadd.f32 $1.000000000e+00, v10;
	v8 =	vxor.u32 v8, v9  }
0xd3: {  	v42 =	vshrl.u32 v8, $0x9;
	v8 =	vadd.s32 v3, v43  }
0xd4: {  	v5 =	vsub.f32 $0.0e+00, v5;
	(erf) = vrcp.f32 v40;
	v44 =	vadd.s32 $0xCDDB151D, v8  }
0xd5: {  	v7 =	vor.u32 $0x3F800000, v42;
	v45 =	vshrl.u32 v44, $0x13;
	v9 =	vshll.u32 v44, $0xD  }
0xd6: {  	v46 =	vpop (erf);
	v47 =	vadd.s32 $0x53A38AC, v8;
	v7 =	vadd.f32 $-1.000000000e+00, v7;
	v9 =	vor.u32 v45, v9  }
0xd7: {  	v4 =	vxor.u32 $0x80000000, v4;
	v5 =	vmul.f32 v46, v5;
	v9 =	vxor.u32 v47, v9  }
0xd8: {  	v7 =	vmax.f32 v7, $9.999999680e-21;
	v49 =	vshrl.u32 v9, $0x11;
	v50 =	vshll.u32 v9, $0xF  }
0xd9: {  	v48 =	vand.u32 $0x7FFFFF, v7;
	v9 =	vadd.s32 v47, v9;
	v12 =	vor.u32 v49, v50  }
0xda: {  	vm2 =	vle.f32 v4, v5;
	v11 =	vor.u32 $0x3F800000, v48;
	v12 =	vxor.u32 v12, v9  }
0xdb: {  	v51 =	vmul.f32 $5.000000000e-01, v11;
	v52 =	vshrl.u32 v12, $0x6;
	v53 =	vshll.u32 v12, $0x1A  }
0xdc: {  	vm8 =	vgt.f32 v11, $1.414213540e+00;
	v9 =	vadd.s32 v9, v12;
	v56 =	vor.u32 v52, v53  }
0xdd: {  	v10 =	vadd.f32 $-1.000000000e+00, v10;
	v11 =	vsel vm8, v51, v11;
	v5 =	vxor.u32 v56, v9  }
0xde: {  	v54 =	vpop (erf);
	v55 =	vadd.f32 $1.000000000e+00, v11;
	v57 =	vshrl.u32 v5, $0x1A;
	v12 =	vshll.u32 v5, $0x6  }
0xdf: {  	v4 =	vmul.f32 v54, v10;
	v5 =	vadd.s32 v9, v5;
	v59 =	vor.u32 v57, v12  }
0xe0: {  	(erf) = vrcp.f32 v55;
	v9 =	vxor.u32 v59, v5  }
0xe1: {  	v58 =	vmul.f32 v4, v4;
	v9 =	vadd.s32 $0xE1552D49, v9  }
0xe2: {  	v5 =	vadd.s32 v9, v5;
	v62 =	vshrl.u32 v9, $0xF;
	v9 =	vshll.u32 v9, $0x11  }
0xe3: {  	v61 =	vmul.f32 $2.857142980e-01, v58;
	v5 =	vadd.s32 $0xCDDB151D, v5;
	v9 =	vor.u32 v62, v9  }
0xe4: {  	v9 =	vxor.u32 v9, v5  }
0xe5: {  	v12 =	vadd.f32 $4.000000060e-01, v61;
	v20 =	vshrl.u32 v9, $0x3;
	v21 =	vshll.u32 v9, $0x1D  }
0xe6: {  	v60 =	vsel vm2, $0x3F800000, v2;
	v5 =	vadd.s32 v5, v9;
	v22 =	vor.u32 v20, v21  }
0xe7: {  	v6 =	vshrl.u32 v6, $0x17;
	v12 =	vmul.f32 v12, v58;
	v9 =	vxor.u32 v22, v5  }
0xe8: {  	v11 =	vadd.f32 $-1.000000000e+00, v11;
	v24 =	vshrl.u32 v9, $0x10;
	v25 =	vshll.u32 v9, $0x10  }
0xe9: {  	v12 =	vadd.f32 $6.666666860e-01, v12;
	v23 =	vpop (erf);
	v5 =	vadd.s32 v5, v9;
	v26 =	vor.u32 v24, v25  }
0xea: {  	v6 =	vand.u32 $0xFF, v6;
	v11 =	vmul.f32 v23, v11;
	v9 =	vxor.u32 v26, v5  }
0xeb: {  	v12 =	vmul.f32 v12, v58;
	v28 =	vshrl.u32 v9, $0x8;
	v29 =	vshll.u32 v9, $0x18  }
0xec: {  	v27 =	vmul.f32 v11, v11;
	v5 =	vadd.s32 v5, v9;
	v31 =	vor.u32 v28, v29  }
0xed: {  	v63 =	vsel vm1, $0x1, v1;
	v7 =	vshrl.u32 v7, $0x17;
	v9 =	vxor.u32 v31, v5  }
0xee: {  	v12 =	vadd.f32 $2.000000000e+00, v12;
	v30 =	vmul.f32 $2.857142980e-01, v27;
	v9 =	vadd.s32 $0x375F2391, v9  }
0xef: {  	v5 =	vadd.s32 v9, v5;
	v33 =	vshrl.u32 v9, $0x13;
	v9 =	vshll.u32 v9, $0xD  }
0xf0: {  	v32 =	vadd.f32 $4.000000060e-01, v30;
	v5 =	vadd.s32 $0xE1552D48, v5;
	v9 =	vor.u32 v33, v9  }
0xf1: {  	v7 =	vand.u32 $0xFF, v7;
	v4 =	vmul.f32 v12, v4;
	v9 =	vxor.u32 v9, v5  }
0xf2: {  	v12 =	vmul.f32 v32, v27;
	v34 =	vshrl.u32 v9, $0x11;
	v35 =	vshll.u32 v9, $0xF  }
0xf3: {  	v49 =	vadd.s32 $0xCDDB151E, v8;
	v5 =	vadd.s32 v5, v9;
	v37 =	vor.u32 v34, v35  }
0xf4: {  	v36 =	vsel vm8, $0x1, v1;
	v12 =	vadd.f32 $6.666666860e-01, v12;
	v9 =	vxor.u32 v37, v5  }
0xf5: {  	v7 =	vadd.s32 v36, v7;
	v38 =	vshrl.u32 v9, $0x6;
	v39 =	vshll.u32 v9, $0x1A  }
0xf6: {  	v12 =	vmul.f32 v12, v27;
	v5 =	vadd.s32 v5, v9;
	v41 =	vor.u32 v38, v39  }
0xf7: {  	v50 =	vshrl.u32 v49, $0x13;
	v7 =	vadd.s32 $0xFFFFFF81, v7;
	v44 =	vxor.u32 v41, v5  }
0xf8: {  	v12 =	vadd.f32 $2.000000000e+00, v12;
	v46 =	vshrl.u32 v44, $0x1A;
	v47 =	vshll.u32 v44, $0x6  }
0xf9: {  	v43 =	vcvt.s32.f32 v7;
	v5 =	vadd.s32 v5, v44;
	v48 =	vor.u32 v46, v47  }
0xfa: {  	v45 =	vmul.f32 v12, v11;
	v11 =	vshll.u32 v49, $0xD;
	v7 =	vxor.u32 v48, v5  }
0xfb: {  	v8 =	vadd.s32 $0x53A38AD, v8;
	v11 =	vor.u32 v50, v11;
	v7 =	vadd.s32 $0xCDDB1520, v7  }
0xfc: {  	v6 =	vadd.s32 v63, v6;
	v11 =	vxor.u32 v8, v11;
	v5 =	vadd.s32 v7, v5  }
0xfd: {  	v51 =	vshrl.u32 v7, $0xF;
	v52 =	vshrl.u32 v11, $0x11;
	v53 =	vshll.u32 v11, $0xF  }
0xfe: {  	v7 =	vshll.u32 v7, $0x11;
	v8 =	vadd.s32 v8, v11;
	v54 =	vor.u32 v52, v53  }
0xff: {  	v5 =	vadd.s32 $0x375F238F, v5;
	v7 =	vor.u32 v51, v7;
	v11 =	vxor.u32 v54, v8  }
0x100: {  	v6 =	vadd.s32 $0xFFFFFF81, v6;
	v7 =	vxor.u32 v7, v5;
	v55 =	vshrl.u32 v11, $0x6  }
0x101: {  	[tilespmem:s19+$0xFFFFFFE0] =	vst v60;
	v56 =	vshll.u32 v11, $0x1A;
	v5 =	vadd.s32 v5, v7;
	v8 =	vadd.s32 v8, v11  }
0x102: {  	v40 =	vld [tilespmem:s17+$0xFFFFFFF0];
	v58 =	vshrl.u32 v7, $0x3;
	v7 =	vshll.u32 v7, $0x1D;
	v57 =	vor.u32 v55, v56  }
0x103: {  	v6 =	vcvt.s32.f32 v6;
	v42 =	vld [tilespmem:s18+$0xFFFFFFF0];
	v7 =	vor.u32 v58, v7;
	v11 =	vxor.u32 v57, v8  }
0x104: {  	v7 =	vxor.u32 v7, v5;
	v59 =	vshrl.u32 v11, $0x1A;
	v60 =	vshll.u32 v11, $0x6  }
0x105: {  	v8 =	vadd.s32 v8, v11;
	v62 =	vshrl.u32 v7, $0x10;
	v63 =	vshll.u32 v7, $0x10  }
0x106: {  	v5 =	vadd.s32 v5, v7;
	v61 =	vor.u32 v59, v60;
	v16 =	vor.u32 v62, v63  }
0x107: {  	v6 =	vmul.f32 $6.931471820e-01, v6;
	v11 =	vxor.u32 v61, v8;
	v7 =	vxor.u32 v16, v5  }
0x108: {  	v10 =	vsub.f32 v40, v42;
	v11 =	vadd.s32 $0xE1552D49, v11;
	v5 =	vadd.s32 v5, v7  }
0x109: {  	v18 =	vshrl.u32 v7, $0x8;
	v7 =	vshll.u32 v7, $0x18;
	v8 =	vadd.s32 v11, v8  }
0x10a: {  	v17 =	vshrl.u32 v11, $0xF;
	v11 =	vshll.u32 v11, $0x11;
	v7 =	vor.u32 v18, v7  }
0x10b: {  	v8 =	vadd.s32 $0xCDDB151D, v8;
	v11 =	vor.u32 v17, v11;
	v7 =	vxor.u32 v7, v5  }
0x10c: {  	v10 =	vmul.f32 $1.442695020e+00, v10;
	v11 =	vxor.u32 v11, v8;
	v7 =	vadd.s32 $0xE1552D4C, v7  }
0x10d: {  	v19 =	vshrl.u32 v11, $0x3;
	v20 =	vshll.u32 v11, $0x1D;
	v8 =	vadd.s32 v8, v11  }
0x10e: {  	v5 =	vadd.s32 v7, v5;
	v25 =	vshrl.u32 v7, $0x13;
	v7 =	vshll.u32 v7, $0xD  }
0x10f: {  	v21 =	vor.u32 v19, v20;
	v5 =	vadd.s32 $0xCDDB151D, v5;
	v7 =	vor.u32 v25, v7  }
0x110: {  	v4 =	vadd.f32 v4, v6;
	v11 =	vxor.u32 v21, v8;
	v7 =	vxor.u32 v7, v5  }
0x111: {  	v22 =	vshrl.u32 v11, $0x10;
	v23 =	vshll.u32 v11, $0x10;
	v8 =	vadd.s32 v8, v11  }
0x112: {  	v29 =	vshrl.u32 v7, $0x11;
	v31 =	vshll.u32 v7, $0xF;
	v24 =	vor.u32 v22, v23  }
0x113: {  	v5 =	vadd.s32 v5, v7;
	v32 =	vor.u32 v29, v31;
	v11 =	vxor.u32 v24, v8  }
0x114: {  	v6 =	vmul.f32 $6.931471820e-01, v43;
	v7 =	vxor.u32 v32, v5;
	v26 =	vshrl.u32 v11, $0x8  }
0x115: {  	v27 =	vshll.u32 v11, $0x18;
	v8 =	vadd.s32 v8, v11;
	v5 =	vadd.s32 v5, v7  }
0x116: {  	v36 =	vshrl.u32 v7, $0x6;
	v7 =	vshll.u32 v7, $0x1A;
	v28 =	vor.u32 v26, v27  }
0x117: {  	(erf) = vpow2.f32 v10;
	v7 =	vor.u32 v36, v7;
	v11 =	vxor.u32 v28, v8  }
0x118: {  	v6 =	vadd.f32 v45, v6;
	v7 =	vxor.u32 v7, v5;
	v11 =	vadd.s32 $0x375F2391, v11  }
0x119: {  	v5 =	vadd.s32 v5, v7;
	v40 =	vshrl.u32 v7, $0x1A;
	v7 =	vshll.u32 v7, $0x6  }
0x11a: {  	v8 =	vadd.s32 v11, v8;
	v30 =	vshrl.u32 v11, $0x13;
	v11 =	vshll.u32 v11, $0xD  }
0x11b: {  	v7 =	vor.u32 v40, v7;
	v8 =	vadd.s32 $0xE1552D48, v8;
	v11 =	vor.u32 v30, v11  }
0x11c: {  	v7 =	vxor.u32 v7, v5;
	v5 =	vadd.s32 $0xE1552D48, v5;
	v33 =	vxor.u32 v11, v8  }
0x11d: {  	v7 =	vadd.s32 $0x375F2394, v7;
	v11 =	vshrl.u32 v33, $0x11;
	v34 =	vshll.u32 v33, $0xF  }
0x11e: {  	v8 =	vadd.s32 v8, v33;
	v5 =	vxor.u32 v5, v7;
	v35 =	vor.u32 v11, v34  }
0x11f: {  	v6 =	vsub.f32 $0.0e+00, v6;
	v5 =	vshrl.u32 v5, $0x9;
	v10 =	vxor.u32 v35, v8  }
0x120: {  	v5 =	vor.u32 $0x3F800000, v5;
	v37 =	vshrl.u32 v10, $0x6;
	v38 =	vshll.u32 v10, $0x1A  }
0x121: {  	v50 =	vpop (erf);
	v8 =	vadd.s32 v8, v10;
	v5 =	vadd.f32 $-1.000000000e+00, v5;
	v39 =	vor.u32 v37, v38  }
0x122: {  	v4 =	vxor.u32 $0x80000000, v4;
	v6 =	vmul.f32 v50, v6;
	v10 =	vxor.u32 v39, v8  }
0x123: {  	v5 =	vmax.f32 v5, $9.999999680e-21;
	v41 =	vshrl.u32 v10, $0x1A;
	v42 =	vshll.u32 v10, $0x6  }
0x124: {  	v8 =	vadd.s32 v8, v10;
	v54 =	vand.u32 $0x7FFFFF, v5;
	v43 =	vor.u32 v41, v42  }
0x125: {  	vm9 =	vle.f32 v4, v6;
	v4 =	vor.u32 $0x3F800000, v54;
	v44 =	vxor.u32 v43, v8  }
0x126: {  	s31 =	sadd.s32 $0x30, s16;
	v57 =	vmul.f32 $5.000000000e-01, v4;
	v9 =	vadd.s32 $0xCDDB1520, v44  }
0x127: {  	v61 =	vmov s31;
	vm10 =	vgt.f32 v4, $1.414213540e+00;
	v8 =	vadd.s32 v9, v8  }
0x128: {  	v45 =	vshrl.u32 v9, $0xF;
	v9 =	vshll.u32 v9, $0x11;
	v4 =	vsel vm10, v57, v4  }
0x129: {  	v46 =	vadd.s32 $0x375F238F, v8;
	v47 =	vor.u32 v45, v9;
	v9 =	vshll.u32 v61, $0x1  }
0x12a: {  	v63 =	vadd.f32 $1.000000000e+00, v4;
	v4 =	vadd.f32 $-1.000000000e+00, v4;
	v8 =	vxor.u32 v47, v46  }
0x12b: {  	v62 =	vor.u32 v0, v9;
	v48 =	vshrl.u32 v8, $0x3;
	v49 =	vshll.u32 v8, $0x1D  }
0x12c: {  	v7 =	vadd.s32 v46, v8;
	v16 =	vadd.s32 v3, v62;
	(erf) = vrcp.f32 v63  }
0x12d: {  	v51 =	vor.u32 v48, v49;
	v18 =	vadd.s32 $0xCDDB151D, v16;
	v20 =	vadd.s32 $0x53A38AC, v16  }
0x12e: {  	v49 =	vadd.s32 $0xCDDB151E, v16;
	v10 =	vadd.s32 $0x53A38AD, v16;
	v8 =	vxor.u32 v51, v7  }
0x12f: {  	v19 =	vshrl.u32 v18, $0x13;
	v11 =	vshll.u32 v18, $0xD;
	v50 =	vshrl.u32 v49, $0x13  }
0x130: {  	v13 =	vshll.u32 v49, $0xD;
	v52 =	vshrl.u32 v8, $0x10;
	v53 =	vshll.u32 v8, $0x10  }
0x131: {  	v7 =	vadd.s32 v7, v8;
	v11 =	vor.u32 v19, v11;
	v12 =	vor.u32 v50, v13  }
0x132: {  	v55 =	vor.u32 v52, v53;
	v21 =	vxor.u32 v20, v11;
	v12 =	vxor.u32 v10, v12  }
0x133: {  	v56 =	vxor.u32 v55, v7;
	v23 =	vshrl.u32 v21, $0x11;
	v24 =	vshll.u32 v21, $0xF  }
0x134: {  	v8 =	vadd.s32 v20, v21;
	v52 =	vshrl.u32 v12, $0x11;
	v53 =	vshll.u32 v12, $0xF  }
0x135: {  	v10 =	vadd.s32 v10, v12;
	v58 =	vshrl.u32 v56, $0x8;
	v59 =	vshll.u32 v56, $0x18  }
0x136: {  	v6 =	vadd.s32 v7, v56;
	v26 =	vor.u32 v23, v24;
	v54 =	vor.u32 v52, v53  }
0x137: {  	v60 =	vor.u32 v58, v59;
	v9 =	vxor.u32 v26, v8;
	v12 =	vxor.u32 v54, v10  }
0x138: {  	v7 =	vxor.u32 v60, v6;
	v28 =	vshrl.u32 v9, $0x6;
	v29 =	vshll.u32 v9, $0x1A  }
0x139: {  	v8 =	vadd.s32 v8, v9;
	v56 =	vshrl.u32 v12, $0x6;
	v57 =	vshll.u32 v12, $0x1A  }
0x13a: {  	v10 =	vadd.s32 v10, v12;
	v7 =	vadd.s32 $0xE1552D4C, v7;
	v30 =	vor.u32 v28, v29  }
0x13b: {  	v39 =	vpop (erf);
	v58 =	vor.u32 v56, v57;
	v6 =	vadd.s32 v7, v6;
	v17 =	vshrl.u32 v7, $0x13  }
0x13c: {  	v7 =	vshll.u32 v7, $0xD;
	v9 =	vxor.u32 v30, v8;
	v4 =	vmul.f32 v39, v4  }
0x13d: {  	v12 =	vxor.u32 v58, v10;
	v6 =	vadd.s32 $0xCDDB151D, v6;
	v7 =	vor.u32 v17, v7  }
0x13e: {  	v32 =	vshrl.u32 v9, $0x1A;
	v33 =	vshll.u32 v9, $0x6;
	v8 =	vadd.s32 v8, v9  }
0x13f: {  	v60 =	vshrl.u32 v12, $0x1A;
	v61 =	vshll.u32 v12, $0x6;
	v10 =	vadd.s32 v10, v12  }
0x140: {  	v7 =	vxor.u32 v7, v6;
	v34 =	vor.u32 v32, v33;
	v62 =	vor.u32 v60, v61  }
0x141: {  	v22 =	vshrl.u32 v7, $0x11;
	v25 =	vshll.u32 v7, $0xF;
	v6 =	vadd.s32 v6, v7  }
0x142: {  	v9 =	vxor.u32 v34, v8;
	v12 =	vxor.u32 v62, v10;
	v27 =	vor.u32 v22, v25  }
0x143: {  	v9 =	vadd.s32 $0xE1552D49, v9;
	v12 =	vadd.s32 $0xE1552D49, v12;
	v7 =	vxor.u32 v27, v6  }
0x144: {  	v8 =	vadd.s32 v9, v8;
	v36 =	vshrl.u32 v9, $0xF;
	v9 =	vshll.u32 v9, $0x11  }
0x145: {  	v10 =	vadd.s32 v12, v10;
	v21 =	vshrl.u32 v12, $0xF;
	v12 =	vshll.u32 v12, $0x11  }
0x146: {  	v6 =	vadd.s32 v6, v7;
	v31 =	vshrl.u32 v7, $0x6;
	v7 =	vshll.u32 v7, $0x1A  }
0x147: {  	v8 =	vadd.s32 $0xCDDB151D, v8;
	v9 =	vor.u32 v36, v9;
	v12 =	vor.u32 v21, v12  }
0x148: {  	v10 =	vadd.s32 $0xCDDB151D, v10;
	v7 =	vor.u32 v31, v7;
	v9 =	vxor.u32 v9, v8  }
0x149: {  	v12 =	vxor.u32 v12, v10;
	v7 =	vxor.u32 v7, v6;
	v37 =	vshrl.u32 v9, $0x3  }
0x14a: {  	v38 =	vshll.u32 v9, $0x1D;
	v40 =	vadd.s32 v8, v9;
	v24 =	vshrl.u32 v12, $0x3  }
0x14b: {  	v25 =	vshll.u32 v12, $0x1D;
	v10 =	vadd.s32 v10, v12;
	v6 =	vadd.s32 v6, v7  }
0x14c: {  	v35 =	vshrl.u32 v7, $0x1A;
	v7 =	vshll.u32 v7, $0x6;
	v41 =	vor.u32 v37, v38  }
0x14d: {  	v26 =	vor.u32 v24, v25;
	v7 =	vor.u32 v35, v7;
	v8 =	vxor.u32 v41, v40  }
0x14e: {  	v12 =	vxor.u32 v26, v10;
	v7 =	vxor.u32 v7, v6;
	v6 =	vadd.s32 $0xE1552D48, v6  }
0x14f: {  	v42 =	vshrl.u32 v8, $0x10;
	v43 =	vshll.u32 v8, $0x10;
	v45 =	vadd.s32 v40, v8  }
0x150: {  	v8 =	vsel vm9, $0x3F800000, v2;
	v28 =	vshrl.u32 v12, $0x10;
	v29 =	vshll.u32 v12, $0x10  }
0x151: {  	v10 =	vadd.s32 v10, v12;
	v7 =	vadd.s32 $0x375F2394, v7;
	v46 =	vor.u32 v42, v43  }
0x152: {  	v30 =	vor.u32 v28, v29;
	v6 =	vxor.u32 v6, v7;
	v9 =	vxor.u32 v46, v45  }
0x153: {  	v12 =	vxor.u32 v30, v10;
	v6 =	vshrl.u32 v6, $0x9;
	v47 =	vadd.s32 v45, v9  }
0x154: {  	v48 =	vshrl.u32 v9, $0x8;
	v9 =	vshll.u32 v9, $0x18;
	v31 =	vshrl.u32 v12, $0x8  }
0x155: {  	v32 =	vshll.u32 v12, $0x18;
	v10 =	vadd.s32 v10, v12;
	v6 =	vor.u32 $0x3F800000, v6  }
0x156: {  	v9 =	vor.u32 v48, v9;
	v33 =	vor.u32 v31, v32;
	v44 =	vadd.f32 $-1.000000000e+00, v6  }
0x157: {  	v6 =	vshrl.u32 v5, $0x17;
	v9 =	vxor.u32 v9, v47;
	v12 =	vxor.u32 v33, v10  }
0x158: {  	v5 =	vmul.f32 v4, v4;
	v9 =	vadd.s32 $0x375F2391, v9;
	v12 =	vadd.s32 $0x375F2391, v12  }
0x159: {  	v6 =	vand.u32 $0xFF, v6;
	v7 =	vmax.f32 v44, $9.999999680e-21;
	v11 =	vadd.s32 v9, v47  }
0x15a: {  	v55 =	vshrl.u32 v9, $0x13;
	v9 =	vshll.u32 v9, $0xD;
	v10 =	vadd.s32 v12, v10  }
0x15b: {  	v36 =	vshrl.u32 v12, $0x13;
	v12 =	vshll.u32 v12, $0xD;
	v51 =	vand.u32 $0x7FFFFF, v7  }
0x15c: {  	v11 =	vadd.s32 $0xE1552D48, v11;
	v9 =	vor.u32 v55, v9;
	v10 =	vadd.s32 $0xE1552D48, v10  }
0x15d: {  	v12 =	vor.u32 v36, v12;
	v7 =	vshrl.u32 v7, $0x17;
	v9 =	vxor.u32 v9, v11  }
0x15e: {  	v13 =	vor.u32 $0x3F800000, v51;
	v12 =	vxor.u32 v12, v10;
	v7 =	vand.u32 $0xFF, v7  }
0x15f: {  	v11 =	vadd.s32 v11, v9;
	v59 =	vshrl.u32 v9, $0x11;
	v9 =	vshll.u32 v9, $0xF  }
0x160: {  	v63 =	vmul.f32 $5.000000000e-01, v13;
	vm11 =	vgt.f32 v13, $1.414213540e+00;
	v10 =	vadd.s32 v10, v12  }
0x161: {  	v37 =	vshrl.u32 v12, $0x11;
	v12 =	vshll.u32 v12, $0xF;
	v9 =	vor.u32 v59, v9  }
0x162: {  	v12 =	vor.u32 v37, v12;
	v37 =	vsel vm11, $0x1, v1;
	v9 =	vxor.u32 v9, v11  }
0x163: {  	v12 =	vxor.u32 v12, v10;
	v20 =	vshrl.u32 v9, $0x6;
	v22 =	vshll.u32 v9, $0x1A  }
0x164: {  	v9 =	vadd.s32 v11, v9;
	v41 =	vshrl.u32 v12, $0x6;
	v42 =	vshll.u32 v12, $0x1A  }
0x165: {  	v10 =	vadd.s32 v10, v12;
	v23 =	vor.u32 v20, v22;
	v43 =	vor.u32 v41, v42  }
0x166: {  	v13 =	vsel vm11, v63, v13;
	v11 =	vxor.u32 v23, v9;
	v12 =	vxor.u32 v43, v10  }
0x167: {  	v9 =	vadd.s32 v9, v11;
	v27 =	vshrl.u32 v11, $0x1A;
	v11 =	vshll.u32 v11, $0x6  }
0x168: {  	v45 =	vshrl.u32 v12, $0x1A;
	v46 =	vshll.u32 v12, $0x6;
	v11 =	vor.u32 v27, v11  }
0x169: {  	v10 =	vadd.s32 v10, v12;
	v47 =	vor.u32 v45, v46;
	v11 =	vxor.u32 v11, v9  }
0x16a: {  	v63 =	vmul.f32 $2.857142980e-01, v5;
	v12 =	vxor.u32 v47, v10;
	v11 =	vadd.s32 $0xCDDB1520, v11  }
0x16b: {  	v7 =	vadd.s32 v37, v7;
	v12 =	vadd.s32 $0xCDDB1520, v12;
	v9 =	vadd.s32 v11, v9  }
0x16c: {  	v35 =	vshrl.u32 v11, $0xF;
	v11 =	vshll.u32 v11, $0x11;
	v10 =	vadd.s32 v12, v10  }
0x16d: {  	v51 =	vshrl.u32 v12, $0xF;
	v12 =	vshll.u32 v12, $0x11;
	v9 =	vadd.s32 $0x375F238F, v9  }
0x16e: {  	v11 =	vor.u32 v35, v11;
	v10 =	vadd.s32 $0x375F238F, v10;
	v12 =	vor.u32 v51, v12  }
0x16f: {  	v34 =	vadd.f32 $-1.000000000e+00, v13;
	v11 =	vxor.u32 v11, v9;
	v12 =	vxor.u32 v12, v10  }
0x170: {  	v38 =	vshrl.u32 v11, $0x3;
	v39 =	vshll.u32 v11, $0x1D;
	v9 =	vadd.s32 v9, v11  }
0x171: {  	v52 =	vshrl.u32 v12, $0x3;
	v53 =	vshll.u32 v12, $0x1D;
	v40 =	vor.u32 v38, v39  }
0x172: {  	v10 =	vadd.s32 v10, v12;
	v54 =	vor.u32 v52, v53;
	v11 =	vxor.u32 v40, v9  }
0x173: {  	v12 =	vxor.u32 v54, v10;
	v9 =	vadd.s32 v9, v11;
	v44 =	vshrl.u32 v11, $0x10  }
0x174: {  	v11 =	vshll.u32 v11, $0x10;
	v56 =	vshrl.u32 v12, $0x10;
	v57 =	vshll.u32 v12, $0x10  }
0x175: {  	v10 =	vadd.s32 v10, v12;
	v11 =	vor.u32 v44, v11;
	v58 =	vor.u32 v56, v57  }
0x176: {  	v13 =	vadd.f32 $1.000000000e+00, v13;
	v11 =	vxor.u32 v11, v9;
	v12 =	vxor.u32 v58, v10  }
0x177: {  	v48 =	vshrl.u32 v11, $0x8;
	v49 =	vshll.u32 v11, $0x18;
	v9 =	vadd.s32 v9, v11  }
0x178: {  	v60 =	vshrl.u32 v12, $0x8;
	v61 =	vshll.u32 v12, $0x18;
	v50 =	vor.u32 v48, v49  }
0x179: {  	v10 =	vadd.s32 v10, v12;
	v62 =	vor.u32 v60, v61;
	v11 =	vxor.u32 v50, v9  }
0x17a: {  	(erf) = vrcp.f32 v13;
	v12 =	vxor.u32 v62, v10;
	v11 =	vadd.s32 $0xE1552D4C, v11  }
0x17b: {  	v12 =	vadd.s32 $0xE1552D4C, v12;
	v9 =	vadd.s32 v11, v9;
	v55 =	vshrl.u32 v11, $0x13  }
0x17c: {  	v11 =	vshll.u32 v11, $0xD;
	v10 =	vadd.s32 v12, v10;
	v21 =	vshrl.u32 v12, $0x13  }
0x17d: {  	v12 =	vshll.u32 v12, $0xD;
	v9 =	vadd.s32 $0xCDDB151D, v9;
	v11 =	vor.u32 v55, v11  }
0x17e: {  	v12 =	vor.u32 v21, v12;
	v10 =	vadd.s32 $0xCDDB151D, v10;
	v11 =	vxor.u32 v11, v9  }
0x17f: {  	v12 =	vxor.u32 v12, v10;
	v9 =	vadd.s32 v9, v11;
	v59 =	vshrl.u32 v11, $0x11  }
0x180: {  	v11 =	vshll.u32 v11, $0xF;
	v24 =	vshrl.u32 v12, $0x11;
	v25 =	vshll.u32 v12, $0xF  }
0x181: {  	v10 =	vadd.s32 v10, v12;
	v11 =	vor.u32 v59, v11;
	v26 =	vor.u32 v24, v25  }
0x182: {  	v7 =	vadd.s32 $0xFFFFFF81, v7;
	v11 =	vxor.u32 v11, v9;
	v12 =	vxor.u32 v26, v10  }
0x183: {  	v20 =	vshrl.u32 v11, $0x6;
	v22 =	vshll.u32 v11, $0x1A;
	v9 =	vadd.s32 v9, v11  }
0x184: {  	v28 =	vshrl.u32 v12, $0x6;
	v29 =	vshll.u32 v12, $0x1A;
	v23 =	vor.u32 v20, v22  }
0x185: {  	v19 =	vpop (erf);
	v10 =	vadd.s32 v10, v12;
	v30 =	vor.u32 v28, v29;
	v11 =	vxor.u32 v23, v9  }
0x186: {  	v14 =	vmul.f32 v19, v34;
	v12 =	vxor.u32 v30, v10;
	v9 =	vadd.s32 v9, v11  }
0x187: {  	v27 =	vshrl.u32 v11, $0x1A;
	v11 =	vshll.u32 v11, $0x6;
	v10 =	vadd.s32 v10, v12  }
0x188: {  	v32 =	vshrl.u32 v12, $0x1A;
	v12 =	vshll.u32 v12, $0x6;
	v11 =	vor.u32 v27, v11  }
0x189: {  	v31 =	vmul.f32 v14, v14;
	v12 =	vor.u32 v32, v12;
	v11 =	vxor.u32 v11, v9  }
0x18a: {  	v9 =	vadd.s32 $0xE1552D48, v9;
	v34 =	vxor.u32 v12, v10;
	v11 =	vadd.s32 $0x375F2394, v11  }
0x18b: {  	[tilespmem:s19+$0xFFFFFFF0] =	vst v8;
	v10 =	vadd.s32 $0xE1552D48, v10;
	v9 =	vxor.u32 v9, v11;
	v11 =	vadd.s32 $0x375F2394, v34  }
0x18c: {  	v36 =	vld [tilespmem:s18+$0x0];
	v13 =	vadd.f32 $4.000000060e-01, v63;
	v9 =	vshrl.u32 v9, $0x9;
	v10 =	vxor.u32 v10, v11  }
0x18d: {  	v35 =	vld [tilespmem:s17+$0x0];
	v33 =	vmul.f32 $2.857142980e-01, v31;
	v9 =	vor.u32 $0x3F800000, v9;
	v10 =	vshrl.u32 v10, $0x9  }
0x18e: {  	v13 =	vmul.f32 v13, v5;
	v9 =	vadd.f32 $-1.000000000e+00, v9;
	v10 =	vor.u32 $0x3F800000, v10  }
0x18f: {  	v7 =	vcvt.s32.f32 v7;
	v8 =	vadd.f32 $4.000000060e-01, v33;
	v10 =	vadd.f32 $-1.000000000e+00, v10  }
0x190: {  	v13 =	vadd.f32 $6.666666860e-01, v13;
	v44 =	vsel vm10, $0x1, v1;
	v9 =	vmax.f32 v9, $9.999999680e-21  }
0x191: {  	v8 =	vmul.f32 v8, v31;
	v38 =	vand.u32 $0x7FFFFF, v9;
	v10 =	vmax.f32 v10, $9.999999680e-21  }
0x192: {  	v12 =	vsub.f32 v35, v36;
	v11 =	vor.u32 $0x3F800000, v38;
	v40 =	vand.u32 $0x7FFFFF, v10  }
0x193: {  	v8 =	vadd.f32 $6.666666860e-01, v8;
	v39 =	vmul.f32 $5.000000000e-01, v11;
	v16 =	vor.u32 $0x3F800000, v40  }
0x194: {  	v12 =	vmul.f32 $1.442695020e+00, v12;
	vm12 =	vgt.f32 v11, $1.414213540e+00;
	v41 =	vmul.f32 $5.000000000e-01, v16  }
0x195: {  	v8 =	vmul.f32 v8, v31;
	vm13 =	vgt.f32 v16, $1.414213540e+00;
	v11 =	vsel vm12, v39, v11  }
0x196: {  	(erf) = vpow2.f32 v12;
	v42 =	vadd.f32 $1.000000000e+00, v11;
	v15 =	vsel vm13, v41, v16  }
0x197: {  	v5 =	vmul.f32 v13, v5;
	v6 =	vadd.s32 v44, v6;
	v43 =	vadd.f32 $1.000000000e+00, v15  }
0x198: {  	v6 =	vadd.s32 $0xFFFFFF81, v6;
	v8 =	vadd.f32 $2.000000000e+00, v8;
	(erf) = vrcp.f32 v42  }
0x199: {  	v5 =	vadd.f32 $2.000000000e+00, v5;
	v6 =	vcvt.s32.f32 v6;
	(erf) = vrcp.f32 v43  }
0x19a: {  	v7 =	vmul.f32 $6.931471820e-01, v7;
	v8 =	vmul.f32 v8, v14  }
0x19b: {  	v4 =	vmul.f32 v5, v4;
	v5 =	vmul.f32 $6.931471820e-01, v6  }
0x19c: {  	v7 =	vadd.f32 v8, v7  }
0x19d: {  	v4 =	vadd.f32 v4, v5  }
0x19e: {  	v45 =	vsub.f32 $0.0e+00, v7  }
0x19f: {  	v4 =	vxor.u32 $0x80000000, v4;
	v46 =	vpop (erf)  }
0x1a0: {  	v5 =	vmul.f32 v46, v45  }
0x1a1: {  	v48 =	vadd.f32 $-1.000000000e+00, v15;
	v47 =	vpop (erf)  }
0x1a2: {  	vm14 =	vle.f32 v4, v5;
	v4 =	vpop (erf)  }
0x1a3: {  	v5 =	vsel vm14, $0x3F800000, v2;
	v4 =	vmul.f32 v4, v48  }
0x1a4: {  	[tilespmem:s19+$0x0] =	vst v5;
	v5 =	vadd.f32 $-1.000000000e+00, v11  }
0x1a5: {  	v49 =	vld [tilespmem:s17+$0x10];
	v50 =	vmul.f32 v4, v4  }
0x1a6: {  	v51 =	vld [tilespmem:s18+$0x10];
	v5 =	vmul.f32 v47, v5  }
0x1a7: {  	v52 =	vmul.f32 $2.857142980e-01, v50  }
0x1a8: {  	v53 =	vmul.f32 v5, v5  }
0x1a9: {  	v6 =	vadd.f32 $4.000000060e-01, v52  }
0x1aa: {  	v54 =	vmul.f32 $2.857142980e-01, v53  }
0x1ab: {  	v7 =	vsub.f32 v49, v51;
	v6 =	vmul.f32 v6, v50  }
0x1ac: {  	v57 =	vshrl.u32 v9, $0x17;
	v13 =	vadd.f32 $4.000000060e-01, v54  }
0x1ad: {  	v10 =	vshrl.u32 v10, $0x17;
	v7 =	vmul.f32 $1.442695020e+00, v7;
	v6 =	vadd.f32 $6.666666860e-01, v6  }
0x1ae: {  	v10 =	vand.u32 $0xFF, v10;
	v55 =	vsel vm13, $0x1, v1;
	v56 =	vmul.f32 v13, v53  }
0x1af: {  	v10 =	vadd.s32 v55, v10;
	(erf) = vpow2.f32 v7;
	v6 =	vmul.f32 v6, v50  }
0x1b0: {  	v60 =	vsel vm12, $0x1, v1;
	v59 =	vadd.s32 $0xFFFFFF81, v10;
	v58 =	vadd.f32 $6.666666860e-01, v56  }
0x1b1: {  	v9 =	vcvt.s32.f32 v59;
	v7 =	vand.u32 $0xFF, v57;
	v6 =	vadd.f32 $2.000000000e+00, v6  }
0x1b2: {  	v7 =	vadd.s32 v60, v7;
	v8 =	vmul.f32 v58, v53  }
0x1b3: {  	v61 =	vmul.f32 $6.931471820e-01, v9;
	v7 =	vadd.s32 $0xFFFFFF81, v7;
	v4 =	vmul.f32 v6, v4  }
0x1b4: {  	v7 =	vcvt.s32.f32 v7;
	v8 =	vadd.f32 $2.000000000e+00, v8  }
0x1b5: {  	v4 =	vadd.f32 v4, v61  }
0x1b6: {  	v62 =	vmul.f32 $6.931471820e-01, v7;
	v5 =	vmul.f32 v8, v5  }
0x1b7: {  	v4 =	vsub.f32 $0.0e+00, v4  }
0x1b8: {  	p0 =	sne.s32 s16, $0xFC0;
	v63 =	vpop (erf);
	v5 =	vadd.f32 v5, v62  }
.Ltmp0:
0x1b9: {  	v4 =	vmul.f32 v63, v4;
	(pc) =	sbr.rel @p0 .LBB2_3-.Ltmp0, $4  }
0x1ba: {  	v5 =	vxor.u32 $0x80000000, v5  }
0x1bb: {  	vm15 =	vle.f32 v5, v4  }
0x1bc: {  	s16 =	sadd.s32 $0x40, s16;
	v4 =	vsel vm15, $0x3F800000, v2  }
0x1bd: {  	s17 =	sadd.s32 $0x40, s17;
	s18 =	sadd.s32 $0x40, s18;
	[tilespmem:s19+$0x10] =	vst v4;
	s19 =	sadd.s32 $0x40, s19  }
0x1be: {  	s16 =	sadd.s32 s4, s15;
	s15 =	sadd.s32 $0x1, s15  }
0x1bf: {  	s16 =	sshll.u32 s16, $0x9;
	p0 =	sne.s32 s15, $0x18  }
.Ltmp1:
0x1c0: {  	s16 =	sadd.s32 s5, s16;
	(pc) =	sbr.rel @p0 .LBB2_2-.Ltmp1, $4  }
0x1c1: {  	[hbm4b:s16+s3] =	stream.linear.scatter [tilespmem:s13], [sflag:$0x1], $0x1000, $0x38;
	[tilespmem:$0x3000] =	vst v63  }
0x1c2: {  	_ =	swait.ge [sflag:s11], $0x1000  }
0x1c3: {  	[sflag:s11] =	ssyncset.done $0x0  }
0x1c4: {  	[sflag:s11] =	ssyncadd.s32 $0xFFFFF000  }
0x1c5: {  	s14 =	sadd.s32 $0x1, s14  }
0x1c6: {  	p0 =	sne.s32 s14, s8  }
.Ltmp2:
0x1c7: {  	_ = 	snop;
	(pc) =	sbr.rel @p0 .LBB2_1-.Ltmp2, $1  }
0x1c8: {  	_ =	sdelay $0x3  }
0x1c9: {  	_ =	sfence.sel $0x180000  }
0x1ca: {  	[bflag:$0x0] =	sbarrier.arrive $0xFFFF  }
0x1cb: {  	p0 =	sne.s32 s1, $0x0;
	_ =	strace $0x90000047  }
0x1cc: {  	s0 =	sadd.s32 @!p0 $0x100000, s0;
	[bflag:$0x2] =	sbarrier.arrive $0xFFFF  }
0x1cd: {  	[sflag:s0] =	ssyncadd.tile.s32 @!p0 $0x1;
	_ =	shalt  }
.Lfunc_end2:
_tile_overlayer_lowered:
.L_overlay_start_2:
0x1ce: {  	(tag) =	ssettag $0x2  }
0x1cf: {  	s0 =	rddreg [dreg:$0x0];
	s2 =	stileid.u32  }
0x1d0: {  	s1 =	rddreg [dreg:$0x1];
	p0 =	sne.s32 s2, $0x0  }
0x1d1: {  	s3 =	rddreg [dreg:$0x2];
	[bflag:$0x3] =	sbarrier.arrive $0xFFFF;
	s2 =	simm.s32 @!p0 $0x1C01  }
0x1d2: {  	[timem:s3], [sflag:s2] =	dma.local @!p0 [hbm:s0], s1  }
0x1d3: {  	s0 =	simm.s32 @!p0 $0x1  }
0x1d4: {  	_ =	swait.ge @!p0 [sflag:s0], s1  }
0x1d5: {  	s1 =	ssub.s32 @!p0 $0x0, s1;
	[sflag:s0] =	ssyncset.done @!p0 $0x0  }
0x1d6: {  	[sflag:s0] =	ssyncadd.s32 @!p0 s1  }
0x1d7: {  	[bflag:$0x3] =	sbarrier.arrive $0xFFFF  }
0x1d8: {  	_ =	shalt  }

</sc_bundles>
